<compile_context>
chip_gen: v7x
topology: tpu7x:2x2x1
jax: 0.10.2.dev20260603
libtpu: 0.0.44.dev20260713+nightly
codegen_flags: <defaults>
</compile_context>

<pallas_src>
import functools

import jax
import jax.numpy as jnp
import numpy as np
from jax import lax
from jax.experimental import pallas as pl
from jax.experimental.pallas import tpu as pltpu
from jax.experimental.pallas import tpu_sc as plsc

B, T, D = 64, 8192, 16
R = B * D
NC, NS = 2, 16
NW = NC * NS
TGS = 8
NTG = NW // TGS
BPG = B // NTG
CW = T // TGS
RB = D
NBLK = BPG
G = 16

MAGIC = np.float32(12582912.0)

_S = [-1.0, 0.0, -5.0, 0.0]
_E = [1.0, 10.0, 5.0, 1.0]
_SZ = [256.0, 1024.0, 512.0, 2.0]
_IR = [float(np.float32(1.0) / (np.float32(e - s) / np.float32(sz - 1.0)))
       for s, e, sz in zip(_S, _E, _SZ)]
_S_TAB = tuple(_S + [0.0] * 12)
_E_TAB = tuple(_E + [1.0] * 12)
_IR_TAB = tuple(_IR + [1.0] * 12)
_TABS = np.stack([_S_TAB, _E_TAB, _IR_TAB]).astype(np.float32)

_mesh = plsc.VectorSubcoreMesh(
    core_axis_name="c", subcore_axis_name="s", num_cores=NC, num_subcores=NS)


@functools.partial(
    pl.kernel,
    mesh=_mesh,
    out_type=jax.ShapeDtypeStruct((R, T), jnp.float32),
    scratch_types=[
        pltpu.VMEM((BPG, CW), jnp.int32),
        pltpu.VMEM((RB, CW), jnp.float32),
        pltpu.VMEM((RB, CW), jnp.float32),
        pltpu.VMEM((RB, CW), jnp.float32),
        pltpu.VMEM((RB, CW), jnp.float32),
        pltpu.VMEM((3, G), jnp.float32),
        pltpu.SemaphoreType.DMA,
        pltpu.SemaphoreType.DMA,
        pltpu.SemaphoreType.DMA,
        pltpu.SemaphoreType.DMA,
    ],
    compiler_params=pltpu.CompilerParams(
        needs_layout_passes=False, use_tc_tiling_on_sc=True),
)
def _encode(x_hbm, ids_hbm, tabs_hbm, out_hbm, idv, xv0, xv1, ov0, ov1,
            tabv, si0, si1, so0, so1):
    wid = lax.axis_index("s") * NC + lax.axis_index("c")
    tg = wid // TGS
    tw = wid % TGS
    row0 = tg * BPG * D
    col0 = tw * CW
    pltpu.sync_copy(tabs_hbm, tabv)
    pltpu.sync_copy(ids_hbm.at[pl.ds(tg * BPG, BPG), pl.ds(col0, CW)], idv)

    s_tab = tabv[0, :]
    e_tab = tabv[1, :]
    ir_tab = tabv[2, :]

    def in_copy(blk, buf, sem):
        return pltpu.make_async_copy(
            x_hbm.at[pl.ds(row0 + blk * RB, RB), pl.ds(col0, CW)], buf, sem)

    def out_copy(blk, buf, sem):
        return pltpu.make_async_copy(
            buf, out_hbm.at[pl.ds(row0 + blk * RB, RB), pl.ds(col0, CW)],
            sem)

    NG = CW // G

    def compute(blk, xvb, ovb):
        @plsc.parallel_loop(0, NG, unroll=2)
        def _(g):
            ids16 = idv[blk, pl.ds(g * G, G)]
            s16 = s_tab.at[ids16].get(mode="promise_in_bounds")
            e16 = e_tab.at[ids16].get(mode="promise_in_bounds")
            r16 = ir_tab.at[ids16].get(mode="promise_in_bounds")
            keep = ids16 == 3
            xs = [xvb[c, pl.ds(g * G, G)] for c in range(D)]
            q = [jnp.maximum(x, s16) for x in xs]
            q = [jnp.minimum(v, e16) for v in q]
            q = [v - s16 for v in q]
            q = [v * r16 for v in q]
            q = [v + MAGIC for v in q]
            q = [v - MAGIC for v in q]
            q = [jnp.where(keep, x, v) for x, v in zip(xs, q)]
            for c in range(D):
                ovb[c, pl.ds(g * G, G)] = q[c]

    in_copy(0, xv0, si0).start()
    in_copy(1, xv1, si1).start()

    def pair_body(p, carry):
        blk0 = 2 * p
        blk1 = 2 * p + 1

        @pl.when(p > 0)
        def _():
            out_copy(blk0, ov0, so0).wait()

        in_copy(blk0, xv0, si0).wait()
        compute(blk0, xv0, ov0)
        out_copy(blk0, ov0, so0).start()

        @pl.when(blk0 + 2 < NBLK)
        def _():
            in_copy(blk0 + 2, xv0, si0).start()

        @pl.when(p > 0)
        def _():
            out_copy(blk1, ov1, so1).wait()

        in_copy(blk1, xv1, si1).wait()
        compute(blk1, xv1, ov1)
        out_copy(blk1, ov1, so1).start()

        @pl.when(blk1 + 2 < NBLK)
        def _():
            in_copy(blk1 + 2, xv1, si1).start()

        return carry

    lax.fori_loop(0, NBLK // 2, pair_body, 0)
    out_copy(NBLK - 2, ov0, so0).wait()
    out_copy(NBLK - 1, ov1, so1).wait()


def kernel(tks, tk_ids):
    xt = jnp.transpose(tks.astype(jnp.float32), (0, 2, 1)).reshape(R, T)
    out = _encode(xt, tk_ids, jnp.asarray(_TABS))
    return jnp.transpose(out.reshape(B, D, T), (0, 2, 1))

# --- scband reference (transcript-rebuilt; emitter-appended) ---
"""Pipeline reference for scband-token-coder-9345848836381 (READ-ONLY COPY).

The authoritative reference and input builder live on the scoring server;
editing this copy changes nothing except your own understanding.
"""

import jax, jax.numpy as jnp
import numpy as np

TOKENS = [
    {"dim": 16, "is_continuous": True,  "bounds": [-1.0, 1.0] * 16, "dict_sizes": [256] * 16},
    {"dim": 16, "is_continuous": True,  "bounds": [0.0, 10.0] * 16, "dict_sizes": [1024] * 16},
    {"dim": 16, "is_continuous": True,  "bounds": [-5.0, 5.0] * 16, "dict_sizes": [512] * 16},
    {"dim": 16, "is_continuous": False, "bounds": [0.0, 1.0] * 16,  "dict_sizes": [1] * 16},
]


def setup_inputs(seed: int = 0) -> dict:
    key = jax.random.key(seed)
    k1, k2 = jax.random.split(key)
    tks = jax.random.normal(k1, (64, 8192, 16), dtype=jnp.float32) * 3.0
    tk_ids = jax.random.randint(k2, (64, 8192), 0, 4, dtype=jnp.int32)
    return {"tks": tks, "tk_ids": tk_ids}


def reference(tks, tk_ids):
    # Faithful translation of TokenCoder.encode:
    # for each token type i, positions where tk_ids == i are quantized
    # (clamp to per-channel bounds, shift, divide by resolution, round)
    # if the token type is continuous; otherwise passed through unchanged.
    # Masks are disjoint, so masked in-place writes == jnp.where composition.
    tks = tks.astype(jnp.float32)
    out = tks
    for i, token in enumerate(TOKENS):
        if not token["is_continuous"]:
            continue  # encode_ith returns tks unchanged (no NEED_ENCODED_INPUT)
        d = token["dim"]
        starts = jnp.asarray(token["bounds"][0::2], dtype=jnp.float32)
        ends = jnp.asarray(token["bounds"][1::2], dtype=jnp.float32)
        sizes = jnp.asarray(token["dict_sizes"], dtype=jnp.float32)
        resolution = (ends - starts) / (sizes - 1.0)
        x = tks[..., :d]
        x = jnp.clip(x, starts, ends)
        x = (x - starts) / resolution
        x = jnp.round(x)
        # out_i = zeros_like(tks); out_i[..., :d] = x   (here d == full dim)
        full = jnp.zeros_like(tks).at[..., :d].set(x)
        mask = (tk_ids == i)
        out = jnp.where(mask[..., None], full, out)
    return out

if __name__ == "__main__":
    import jax
    _d = setup_inputs()
    print(jax.jit(kernel)(*tuple(_d.values())))

</pallas_src>

<mosaic_0001>
#map = affine_map<(d0, d1) -> (0, 0)>
module attributes {stable_mosaic.version = 14 : i64} {
  func.func @_encode(%arg0: i32, %arg1: i32, %arg2: memref<1024x8192xf32, #tpu.memory_space<hbm>>, %arg3: memref<64x8192xi32, #tpu.memory_space<hbm>>, %arg4: memref<3x16xf32, #tpu.memory_space<hbm>>, %arg5: memref<1024x8192xf32, #tpu.memory_space<hbm>>, %arg6: memref<16x1024xi32, #tpu.memory_space<vmem>>, %arg7: memref<16x1024xf32, #tpu.memory_space<vmem>>, %arg8: memref<16x1024xf32, #tpu.memory_space<vmem>>, %arg9: memref<16x1024xf32, #tpu.memory_space<vmem>>, %arg10: memref<16x1024xf32, #tpu.memory_space<vmem>>, %arg11: memref<3x16xf32, #tpu.memory_space<vmem>>, %arg12: memref<!tpu.dma_semaphore, #tpu.memory_space<semaphore_mem>>, %arg13: memref<!tpu.dma_semaphore, #tpu.memory_space<semaphore_mem>>, %arg14: memref<!tpu.dma_semaphore, #tpu.memory_space<semaphore_mem>>, %arg15: memref<!tpu.dma_semaphore, #tpu.memory_space<semaphore_mem>>) attributes {dimension_semantics = [#tpu.dimension_semantics<core_parallel>, #tpu.dimension_semantics<subcore_parallel>], iteration_bounds = array<i64: 2, 16>, scalar_prefetch = 0 : i64, scratch_operands = 10 : i64, tpu.core_type = #tpu.core_type<sc_vector_subcore>, window_params = [{transform_indices = #map}, {transform_indices = #map}, {transform_indices = #map}, {transform_indices = #map}]} {
    %mul3A = arith.constant 2 : i32
    %mul3A_0 = arith.muli %arg1, %mul3A : i32
    %add3A = arith.addi %mul3A_0, %arg0 : i32
    %jit3A = arith.constant 8 : i32
    %div3A = arith.divsi %add3A, %jit3A : i32
    %sign3A = arith.constant 0 : i32
    %sign3A_1 = arith.cmpi sgt, %add3A, %sign3A : i32
    %sign3A_2 = arith.extui %sign3A_1 : i1 to i32
    %sign3A_3 = arith.constant 0 : i32
    %sign3A_4 = arith.cmpi slt, %add3A, %sign3A_3 : i32
    %sign3A_5 = arith.extui %sign3A_4 : i1 to i32
    %sign3A_6 = arith.subi %sign3A_2, %sign3A_5 : i32
    %sign3A_7 = arith.constant 0 : i32
    %sign3A_8 = arith.cmpi sgt, %jit3A, %sign3A_7 : i32
    %sign3A_9 = arith.extui %sign3A_8 : i1 to i32
    %sign3A_10 = arith.constant 0 : i32
    %sign3A_11 = arith.cmpi slt, %jit3A, %sign3A_10 : i32
    %sign3A_12 = arith.extui %sign3A_11 : i1 to i32
    %sign3A_13 = arith.subi %sign3A_9, %sign3A_12 : i32
    %ne3A = arith.cmpi ne, %sign3A_6, %sign3A_13 : i32
    %rem3A = arith.remsi %add3A, %jit3A : i32
    %ne3A_14 = arith.constant 0 : i32
    %ne3A_15 = arith.cmpi ne, %rem3A, %ne3A_14 : i32
    %and3A = arith.andi %ne3A, %ne3A_15 : i1
    %sub3A = arith.constant 1 : i32
    %sub3A_16 = arith.subi %div3A, %sub3A : i32
    %select_n3A = arith.select %and3A, %sub3A_16, %div3A : i32
    %jit3A_17 = arith.constant 8 : i32
    %eq3A = arith.constant 0 : i32
    %eq3A_18 = arith.cmpi eq, %jit3A_17, %eq3A : i32
    %jit3A_19 = arith.constant 1 : i32
    %select_n3A_20 = arith.select %eq3A_18, %jit3A_19, %jit3A_17 : i32
    %rem3A_21 = arith.remsi %add3A, %select_n3A_20 : i32
    %ne3A_22 = arith.constant 0 : i32
    %ne3A_23 = arith.cmpi ne, %rem3A_21, %ne3A_22 : i32
    %lt3A = arith.constant 0 : i32
    %lt3A_24 = arith.cmpi slt, %rem3A_21, %lt3A : i32
    %lt3A_25 = arith.constant 0 : i32
    %lt3A_26 = arith.cmpi slt, %select_n3A_20, %lt3A_25 : i32
    %ne3A_27 = arith.xori %lt3A_24, %lt3A_26 : i1
    %and3A_28 = arith.andi %ne3A_27, %ne3A_23 : i1
    %add3A_29 = arith.addi %rem3A_21, %select_n3A_20 : i32
    %select_n3A_30 = arith.select %and3A_28, %add3A_29, %rem3A_21 : i32
    %mul3A_31 = arith.constant 16 : i32
    %mul3A_32 = arith.muli %select_n3A, %mul3A_31 : i32
    %mul3A_33 = arith.constant 16 : i32
    %mul3A_34 = arith.muli %mul3A_32, %mul3A_33 : i32
    %mul3A_35 = arith.constant 1024 : i32
    %mul3A_36 = arith.muli %select_n3A_30, %mul3A_35 : i32
    "tpu.region"() ({
      %run_scoped3A = tpu.sem_alloc : memref<!tpu.dma_semaphore, #tpu.memory_space<semaphore_mem>>
      tpu.enqueue_dma source(%arg4 : memref<3x16xf32, #tpu.memory_space<hbm>>) target(%arg11 : memref<3x16xf32, #tpu.memory_space<vmem>>) target_semaphore(%run_scoped3A : memref<!tpu.dma_semaphore, #tpu.memory_space<semaphore_mem>>)
      tpu.wait_dma2 semaphore(%run_scoped3A : memref<!tpu.dma_semaphore, #tpu.memory_space<semaphore_mem>>) src(%arg4 : memref<3x16xf32, #tpu.memory_space<hbm>>) dst(%arg11 : memref<3x16xf32, #tpu.memory_space<vmem>>)
      tpu.yield
    }) : () -> ()
    %mul3A_37 = arith.constant 16 : i32
    %mul3A_38 = arith.muli %select_n3A, %mul3A_37 : i32
    "tpu.region"() ({
      %run_scoped3A = tpu.sem_alloc : memref<!tpu.dma_semaphore, #tpu.memory_space<semaphore_mem>>
      %dma_start3A_69 = tpu.memref_slice %arg3[%mul3A_38, %mul3A_36] : memref<64x8192xi32, #tpu.memory_space<hbm>> -> memref<16x1024xi32, #tpu.memory_space<hbm>>
      %dma_start3A_70 = tpu.memref_slice %arg3[%mul3A_38, %mul3A_36] : memref<64x8192xi32, #tpu.memory_space<hbm>> -> memref<16x1024xi32, #tpu.memory_space<hbm>>
      tpu.enqueue_dma source(%dma_start3A_70 : memref<16x1024xi32, #tpu.memory_space<hbm>>) target(%arg6 : memref<16x1024xi32, #tpu.memory_space<vmem>>) target_semaphore(%run_scoped3A : memref<!tpu.dma_semaphore, #tpu.memory_space<semaphore_mem>>)
      %dma_wait3A_71 = tpu.memref_slice %arg3[%mul3A_38, %mul3A_36] : memref<64x8192xi32, #tpu.memory_space<hbm>> -> memref<16x1024xi32, #tpu.memory_space<hbm>>
      %dma_wait3A_72 = tpu.memref_slice %arg3[%mul3A_38, %mul3A_36] : memref<64x8192xi32, #tpu.memory_space<hbm>> -> memref<16x1024xi32, #tpu.memory_space<hbm>>
      tpu.wait_dma2 semaphore(%run_scoped3A : memref<!tpu.dma_semaphore, #tpu.memory_space<semaphore_mem>>) src(%dma_wait3A_72 : memref<16x1024xi32, #tpu.memory_space<hbm>>) dst(%arg6 : memref<16x1024xi32, #tpu.memory_space<vmem>>)
      tpu.yield
    }) : () -> ()
    %get3A = arith.constant 0 : i32
    %get3A_39 = arith.index_cast %get3A : i32 to index
    %get3A_40 = arith.constant 0 : index
    %get3A_41 = tpu.vector_load %arg11[%get3A_39, %get3A_40] {strides = array<i32>} : memref<3x16xf32, #tpu.memory_space<vmem>>, vector<16xf32>,
    %get3A_42 = arith.constant 1 : i32
    %get3A_43 = arith.index_cast %get3A_42 : i32 to index
    %get3A_44 = arith.constant 0 : index
    %get3A_45 = tpu.vector_load %arg11[%get3A_43, %get3A_44] {strides = array<i32>} : memref<3x16xf32, #tpu.memory_space<vmem>>, vector<16xf32>,
    %get3A_46 = arith.constant 2 : i32
    %get3A_47 = arith.index_cast %get3A_46 : i32 to index
    %get3A_48 = arith.constant 0 : index
    %get3A_49 = tpu.vector_load %arg11[%get3A_47, %get3A_48] {strides = array<i32>} : memref<3x16xf32, #tpu.memory_space<vmem>>, vector<16xf32>,
    %add3A_50 = arith.constant 0 : i32
    %add3A_51 = arith.addi %mul3A_34, %add3A_50 : i32
    %dma_start3A = tpu.memref_slice %arg2[%add3A_51, %mul3A_36] : memref<1024x8192xf32, #tpu.memory_space<hbm>> -> memref<16x1024xf32, #tpu.memory_space<hbm>>
    %dma_start3A_52 = tpu.memref_slice %arg2[%add3A_51, %mul3A_36] : memref<1024x8192xf32, #tpu.memory_space<hbm>> -> memref<16x1024xf32, #tpu.memory_space<hbm>>
    tpu.enqueue_dma source(%dma_start3A_52 : memref<16x1024xf32, #tpu.memory_space<hbm>>) target(%arg7 : memref<16x1024xf32, #tpu.memory_space<vmem>>) target_semaphore(%arg12 : memref<!tpu.dma_semaphore, #tpu.memory_space<semaphore_mem>>)
    %add3A_53 = arith.constant 16 : i32
    %add3A_54 = arith.addi %mul3A_34, %add3A_53 : i32
    %dma_start3A_55 = tpu.memref_slice %arg2[%add3A_54, %mul3A_36] : memref<1024x8192xf32, #tpu.memory_space<hbm>> -> memref<16x1024xf32, #tpu.memory_space<hbm>>
    %dma_start3A_56 = tpu.memref_slice %arg2[%add3A_54, %mul3A_36] : memref<1024x8192xf32, #tpu.memory_space<hbm>> -> memref<16x1024xf32, #tpu.memory_space<hbm>>
    tpu.enqueue_dma source(%dma_start3A_56 : memref<16x1024xf32, #tpu.memory_space<hbm>>) target(%arg8 : memref<16x1024xf32, #tpu.memory_space<vmem>>) target_semaphore(%arg13 : memref<!tpu.dma_semaphore, #tpu.memory_space<semaphore_mem>>)
    %scan3A = arith.constant 0 : i32
    %scan3A_57 = arith.constant 0 : i32
    %scan3A_58 = arith.constant 8 : i32
    %scan3A_59 = arith.addi %scan3A_57, %scan3A_58 : i32
    %scan3A_60 = arith.constant 1 : i32
    scf.for %scan3A_69 = %scan3A_57 to %scan3A_59 step %scan3A_60  : i32 {
      %mul3A_70 = arith.constant 2 : i32
      %mul3A_71 = arith.muli %mul3A_70, %scan3A_69 : i32
      %mul3A_72 = arith.constant 2 : i32
      %mul3A_73 = arith.muli %mul3A_72, %scan3A_69 : i32
      %add3A_74 = arith.constant 1 : i32
      %add3A_75 = arith.addi %mul3A_73, %add3A_74 : i32
      %gt3A = arith.constant 0 : i32
      %gt3A_76 = arith.cmpi sgt, %scan3A_69, %gt3A : i32
      %convert_element_type3A = arith.extui %gt3A_76 : i1 to i32
      %cond3A = arith.constant 0 : i32
      %cond3A_77 = arith.cmpi ne, %convert_element_type3A, %cond3A : i32
      scf.if %cond3A_77 {
        %mul3A_122 = arith.constant 16 : i32
        %mul3A_123 = arith.muli %mul3A_71, %mul3A_122 : i32
        %add3A_124 = arith.addi %mul3A_34, %mul3A_123 : i32
        %dma_wait3A_125 = tpu.memref_slice %arg5[%add3A_124, %mul3A_36] : memref<1024x8192xf32, #tpu.memory_space<hbm>> -> memref<16x1024xf32, #tpu.memory_space<hbm>>
        %dma_wait3A_126 = tpu.memref_slice %arg5[%add3A_124, %mul3A_36] : memref<1024x8192xf32, #tpu.memory_space<hbm>> -> memref<16x1024xf32, #tpu.memory_space<hbm>>
        tpu.wait_dma2 semaphore(%arg14 : memref<!tpu.dma_semaphore, #tpu.memory_space<semaphore_mem>>) src(%arg9 : memref<16x1024xf32, #tpu.memory_space<vmem>>) dst(%dma_wait3A_126 : memref<16x1024xf32, #tpu.memory_space<hbm>>)
      } else {
      }
      %mul3A_78 = arith.constant 16 : i32
      %mul3A_79 = arith.muli %mul3A_71, %mul3A_78 : i32
      %add3A_80 = arith.addi %mul3A_34, %mul3A_79 : i32
      %dma_wait3A_81 = tpu.memref_slice %arg2[%add3A_80, %mul3A_36] : memref<1024x8192xf32, #tpu.memory_space<hbm>> -> memref<16x1024xf32, #tpu.memory_space<hbm>>
      %dma_wait3A_82 = tpu.memref_slice %arg2[%add3A_80, %mul3A_36] : memref<1024x8192xf32, #tpu.memory_space<hbm>> -> memref<16x1024xf32, #tpu.memory_space<hbm>>
      tpu.wait_dma2 semaphore(%arg12 : memref<!tpu.dma_semaphore, #tpu.memory_space<semaphore_mem>>) src(%dma_wait3A_82 : memref<16x1024xf32, #tpu.memory_space<hbm>>) dst(%arg7 : memref<16x1024xf32, #tpu.memory_space<vmem>>)
      %parallel_loop3A = arith.constant 0 : i32
      %parallel_loop3A_83 = arith.constant 64 : i32
      %parallel_loop3A_84 = arith.constant 1 : i32
      scf.for %parallel_loop3A_122 = %parallel_loop3A to %parallel_loop3A_83 step %parallel_loop3A_84  : i32 {
        %parallel_loop3A_123 = arith.constant 16 : i32
        %parallel_loop3A_124 = arith.muli %parallel_loop3A_122, %parallel_loop3A_123 : i32
        %parallel_loop3A_125 = arith.index_cast %mul3A_71 : i32 to index
        %parallel_loop3A_126 = arith.index_cast %parallel_loop3A_124 : i32 to index
        %parallel_loop3A_127 = tpu.vector_load %arg6[%parallel_loop3A_125, %parallel_loop3A_126] {strides = array<i32>} : memref<16x1024xi32, #tpu.memory_space<vmem>>, vector<16xi32>,
        %parallel_loop3A_128 = arith.constant 0 : i32
        %parallel_loop3A_129 = vector.broadcast %parallel_loop3A_128 : i32 to vector<16xi32>
        %parallel_loop3A_130 = arith.cmpi slt, %parallel_loop3A_127, %parallel_loop3A_129 : vector<16xi32>
        %parallel_loop3A_131 = arith.constant 16 : i32
        %parallel_loop3A_132 = vector.broadcast %parallel_loop3A_131 : i32 to vector<16xi32>
        %parallel_loop3A_133 = arith.addi %parallel_loop3A_127, %parallel_loop3A_132 : vector<16xi32>
        %parallel_loop3A_134 = arith.select %parallel_loop3A_130, %parallel_loop3A_133, %parallel_loop3A_127 : vector<16xi1>, vector<16xi32>
        %parallel_loop3A_135 = vector.shape_cast %parallel_loop3A_134 : vector<16xi32> to vector<16x1xi32>
        %parallel_loop3A_136 = vector.shape_cast %parallel_loop3A_135 : vector<16x1xi32> to vector<16xi32>
        %parallel_loop3A_137 = tpu.dynamic_gather %get3A_41[%parallel_loop3A_136] in [0] : vector<16xf32>, vector<16xi32> -> vector<16xf32>
        %parallel_loop3A_138 = arith.constant 0 : i32
        %parallel_loop3A_139 = vector.broadcast %parallel_loop3A_138 : i32 to vector<16xi32>
        %parallel_loop3A_140 = arith.cmpi slt, %parallel_loop3A_127, %parallel_loop3A_139 : vector<16xi32>
        %parallel_loop3A_141 = arith.constant 16 : i32
        %parallel_loop3A_142 = vector.broadcast %parallel_loop3A_141 : i32 to vector<16xi32>
        %parallel_loop3A_143 = arith.addi %parallel_loop3A_127, %parallel_loop3A_142 : vector<16xi32>
        %parallel_loop3A_144 = arith.select %parallel_loop3A_140, %parallel_loop3A_143, %parallel_loop3A_127 : vector<16xi1>, vector<16xi32>
        %parallel_loop3A_145 = vector.shape_cast %parallel_loop3A_144 : vector<16xi32> to vector<16x1xi32>
        %parallel_loop3A_146 = vector.shape_cast %parallel_loop3A_145 : vector<16x1xi32> to vector<16xi32>
        %parallel_loop3A_147 = tpu.dynamic_gather %get3A_45[%parallel_loop3A_146] in [0] : vector<16xf32>, vector<16xi32> -> vector<16xf32>
        %parallel_loop3A_148 = arith.constant 0 : i32
        %parallel_loop3A_149 = vector.broadcast %parallel_loop3A_148 : i32 to vector<16xi32>
        %parallel_loop3A_150 = arith.cmpi slt, %parallel_loop3A_127, %parallel_loop3A_149 : vector<16xi32>
        %parallel_loop3A_151 = arith.constant 16 : i32
        %parallel_loop3A_152 = vector.broadcast %parallel_loop3A_151 : i32 to vector<16xi32>
        %parallel_loop3A_153 = arith.addi %parallel_loop3A_127, %parallel_loop3A_152 : vector<16xi32>
        %parallel_loop3A_154 = arith.select %parallel_loop3A_150, %parallel_loop3A_153, %parallel_loop3A_127 : vector<16xi1>, vector<16xi32>
        %parallel_loop3A_155 = vector.shape_cast %parallel_loop3A_154 : vector<16xi32> to vector<16x1xi32>
        %parallel_loop3A_156 = vector.shape_cast %parallel_loop3A_155 : vector<16x1xi32> to vector<16xi32>
        %parallel_loop3A_157 = tpu.dynamic_gather %get3A_49[%parallel_loop3A_156] in [0] : vector<16xf32>, vector<16xi32> -> vector<16xf32>
        %parallel_loop3A_158 = arith.constant 3 : i32
        %parallel_loop3A_159 = vector.broadcast %parallel_loop3A_158 : i32 to vector<16xi32>
        %parallel_loop3A_160 = arith.cmpi eq, %parallel_loop3A_127, %parallel_loop3A_159 : vector<16xi32>
        %parallel_loop3A_161 = arith.constant 16 : i32
        %parallel_loop3A_162 = arith.muli %parallel_loop3A_122, %parallel_loop3A_161 : i32
        %parallel_loop3A_163 = arith.constant 0 : i32
        %parallel_loop3A_164 = arith.index_cast %parallel_loop3A_163 : i32 to index
        %parallel_loop3A_165 = arith.index_cast %parallel_loop3A_162 : i32 to index
        %parallel_loop3A_166 = tpu.vector_load %arg7[%parallel_loop3A_164, %parallel_loop3A_165] {strides = array<i32>} : memref<16x1024xf32, #tpu.memory_space<vmem>>, vector<16xf32>,
        %parallel_loop3A_167 = arith.constant 16 : i32
        %parallel_loop3A_168 = arith.muli %parallel_loop3A_122, %parallel_loop3A_167 : i32
        %parallel_loop3A_169 = arith.constant 1 : i32
        %parallel_loop3A_170 = arith.index_cast %parallel_loop3A_169 : i32 to index
        %parallel_loop3A_171 = arith.index_cast %parallel_loop3A_168 : i32 to index
        %parallel_loop3A_172 = tpu.vector_load %arg7[%parallel_loop3A_170, %parallel_loop3A_171] {strides = array<i32>} : memref<16x1024xf32, #tpu.memory_space<vmem>>, vector<16xf32>,
        %parallel_loop3A_173 = arith.constant 16 : i32
        %parallel_loop3A_174 = arith.muli %parallel_loop3A_122, %parallel_loop3A_173 : i32
        %parallel_loop3A_175 = arith.constant 2 : i32
        %parallel_loop3A_176 = arith.index_cast %parallel_loop3A_175 : i32 to index
        %parallel_loop3A_177 = arith.index_cast %parallel_loop3A_174 : i32 to index
        %parallel_loop3A_178 = tpu.vector_load %arg7[%parallel_loop3A_176, %parallel_loop3A_177] {strides = array<i32>} : memref<16x1024xf32, #tpu.memory_space<vmem>>, vector<16xf32>,
        %parallel_loop3A_179 = arith.constant 16 : i32
        %parallel_loop3A_180 = arith.muli %parallel_loop3A_122, %parallel_loop3A_179 : i32
        %parallel_loop3A_181 = arith.constant 3 : i32
        %parallel_loop3A_182 = arith.index_cast %parallel_loop3A_181 : i32 to index
        %parallel_loop3A_183 = arith.index_cast %parallel_loop3A_180 : i32 to index
        %parallel_loop3A_184 = tpu.vector_load %arg7[%parallel_loop3A_182, %parallel_loop3A_183] {strides = array<i32>} : memref<16x1024xf32, #tpu.memory_space<vmem>>, vector<16xf32>,
        %parallel_loop3A_185 = arith.constant 16 : i32
        %parallel_loop3A_186 = arith.muli %parallel_loop3A_122, %parallel_loop3A_185 : i32
        %parallel_loop3A_187 = arith.constant 4 : i32
        %parallel_loop3A_188 = arith.index_cast %parallel_loop3A_187 : i32 to index
        %parallel_loop3A_189 = arith.index_cast %parallel_loop3A_186 : i32 to index
        %parallel_loop3A_190 = tpu.vector_load %arg7[%parallel_loop3A_188, %parallel_loop3A_189] {strides = array<i32>} : memref<16x1024xf32, #tpu.memory_space<vmem>>, vector<16xf32>,
        %parallel_loop3A_191 = arith.constant 16 : i32
        %parallel_loop3A_192 = arith.muli %parallel_loop3A_122, %parallel_loop3A_191 : i32
        %parallel_loop3A_193 = arith.constant 5 : i32
        %parallel_loop3A_194 = arith.index_cast %parallel_loop3A_193 : i32 to index
        %parallel_loop3A_195 = arith.index_cast %parallel_loop3A_192 : i32 to index
        %parallel_loop3A_196 = tpu.vector_load %arg7[%parallel_loop3A_194, %parallel_loop3A_195] {strides = array<i32>} : memref<16x1024xf32, #tpu.memory_space<vmem>>, vector<16xf32>,
        %parallel_loop3A_197 = arith.constant 16 : i32
        %parallel_loop3A_198 = arith.muli %parallel_loop3A_122, %parallel_loop3A_197 : i32
        %parallel_loop3A_199 = arith.constant 6 : i32
        %parallel_loop3A_200 = arith.index_cast %parallel_loop3A_199 : i32 to index
        %parallel_loop3A_201 = arith.index_cast %parallel_loop3A_198 : i32 to index
        %parallel_loop3A_202 = tpu.vector_load %arg7[%parallel_loop3A_200, %parallel_loop3A_201] {strides = array<i32>} : memref<16x1024xf32, #tpu.memory_space<vmem>>, vector<16xf32>,
        %parallel_loop3A_203 = arith.constant 16 : i32
        %parallel_loop3A_204 = arith.muli %parallel_loop3A_122, %parallel_loop3A_203 : i32
        %parallel_loop3A_205 = arith.constant 7 : i32
        %parallel_loop3A_206 = arith.index_cast %parallel_loop3A_205 : i32 to index
        %parallel_loop3A_207 = arith.index_cast %parallel_loop3A_204 : i32 to index
        %parallel_loop3A_208 = tpu.vector_load %arg7[%parallel_loop3A_206, %parallel_loop3A_207] {strides = array<i32>} : memref<16x1024xf32, #tpu.memory_space<vmem>>, vector<16xf32>,
        %parallel_loop3A_209 = arith.constant 16 : i32
        %parallel_loop3A_210 = arith.muli %parallel_loop3A_122, %parallel_loop3A_209 : i32
        %parallel_loop3A_211 = arith.constant 8 : i32
        %parallel_loop3A_212 = arith.index_cast %parallel_loop3A_211 : i32 to index
        %parallel_loop3A_213 = arith.index_cast %parallel_loop3A_210 : i32 to index
        %parallel_loop3A_214 = tpu.vector_load %arg7[%parallel_loop3A_212, %parallel_loop3A_213] {strides = array<i32>} : memref<16x1024xf32, #tpu.memory_space<vmem>>, vector<16xf32>,
        %parallel_loop3A_215 = arith.constant 16 : i32
        %parallel_loop3A_216 = arith.muli %parallel_loop3A_122, %parallel_loop3A_215 : i32
        %parallel_loop3A_217 = arith.constant 9 : i32
        %parallel_loop3A_218 = arith.index_cast %parallel_loop3A_217 : i32 to index
        %parallel_loop3A_219 = arith.index_cast %parallel_loop3A_216 : i32 to index
        %parallel_loop3A_220 = tpu.vector_load %arg7[%parallel_loop3A_218, %parallel_loop3A_219] {strides = array<i32>} : memref<16x1024xf32, #tpu.memory_space<vmem>>, vector<16xf32>,
        %parallel_loop3A_221 = arith.constant 16 : i32
        %parallel_loop3A_222 = arith.muli %parallel_loop3A_122, %parallel_loop3A_221 : i32
        %parallel_loop3A_223 = arith.constant 10 : i32
        %parallel_loop3A_224 = arith.index_cast %parallel_loop3A_223 : i32 to index
        %parallel_loop3A_225 = arith.index_cast %parallel_loop3A_222 : i32 to index
        %parallel_loop3A_226 = tpu.vector_load %arg7[%parallel_loop3A_224, %parallel_loop3A_225] {strides = array<i32>} : memref<16x1024xf32, #tpu.memory_space<vmem>>, vector<16xf32>,
        %parallel_loop3A_227 = arith.constant 16 : i32
        %parallel_loop3A_228 = arith.muli %parallel_loop3A_122, %parallel_loop3A_227 : i32
        %parallel_loop3A_229 = arith.constant 11 : i32
        %parallel_loop3A_230 = arith.index_cast %parallel_loop3A_229 : i32 to index
        %parallel_loop3A_231 = arith.index_cast %parallel_loop3A_228 : i32 to index
        %parallel_loop3A_232 = tpu.vector_load %arg7[%parallel_loop3A_230, %parallel_loop3A_231] {strides = array<i32>} : memref<16x1024xf32, #tpu.memory_space<vmem>>, vector<16xf32>,
        %parallel_loop3A_233 = arith.constant 16 : i32
        %parallel_loop3A_234 = arith.muli %parallel_loop3A_122, %parallel_loop3A_233 : i32
        %parallel_loop3A_235 = arith.constant 12 : i32
        %parallel_loop3A_236 = arith.index_cast %parallel_loop3A_235 : i32 to index
        %parallel_loop3A_237 = arith.index_cast %parallel_loop3A_234 : i32 to index
        %parallel_loop3A_238 = tpu.vector_load %arg7[%parallel_loop3A_236, %parallel_loop3A_237] {strides = array<i32>} : memref<16x1024xf32, #tpu.memory_space<vmem>>, vector<16xf32>,
        %parallel_loop3A_239 = arith.constant 16 : i32
        %parallel_loop3A_240 = arith.muli %parallel_loop3A_122, %parallel_loop3A_239 : i32
        %parallel_loop3A_241 = arith.constant 13 : i32
        %parallel_loop3A_242 = arith.index_cast %parallel_loop3A_241 : i32 to index
        %parallel_loop3A_243 = arith.index_cast %parallel_loop3A_240 : i32 to index
        %parallel_loop3A_244 = tpu.vector_load %arg7[%parallel_loop3A_242, %parallel_loop3A_243] {strides = array<i32>} : memref<16x1024xf32, #tpu.memory_space<vmem>>, vector<16xf32>,
        %parallel_loop3A_245 = arith.constant 16 : i32
        %parallel_loop3A_246 = arith.muli %parallel_loop3A_122, %parallel_loop3A_245 : i32
        %parallel_loop3A_247 = arith.constant 14 : i32
        %parallel_loop3A_248 = arith.index_cast %parallel_loop3A_247 : i32 to index
        %parallel_loop3A_249 = arith.index_cast %parallel_loop3A_246 : i32 to index
        %parallel_loop3A_250 = tpu.vector_load %arg7[%parallel_loop3A_248, %parallel_loop3A_249] {strides = array<i32>} : memref<16x1024xf32, #tpu.memory_space<vmem>>, vector<16xf32>,
        %parallel_loop3A_251 = arith.constant 16 : i32
        %parallel_loop3A_252 = arith.muli %parallel_loop3A_122, %parallel_loop3A_251 : i32
        %parallel_loop3A_253 = arith.constant 15 : i32
        %parallel_loop3A_254 = arith.index_cast %parallel_loop3A_253 : i32 to index
        %parallel_loop3A_255 = arith.index_cast %parallel_loop3A_252 : i32 to index
        %parallel_loop3A_256 = tpu.vector_load %arg7[%parallel_loop3A_254, %parallel_loop3A_255] {strides = array<i32>} : memref<16x1024xf32, #tpu.memory_space<vmem>>, vector<16xf32>,
        %parallel_loop3A_257 = arith.maximumf %parallel_loop3A_166, %parallel_loop3A_137 : vector<16xf32>
        %parallel_loop3A_258 = arith.maximumf %parallel_loop3A_172, %parallel_loop3A_137 : vector<16xf32>
        %parallel_loop3A_259 = arith.maximumf %parallel_loop3A_178, %parallel_loop3A_137 : vector<16xf32>
        %parallel_loop3A_260 = arith.maximumf %parallel_loop3A_184, %parallel_loop3A_137 : vector<16xf32>
        %parallel_loop3A_261 = arith.maximumf %parallel_loop3A_190, %parallel_loop3A_137 : vector<16xf32>
        %parallel_loop3A_262 = arith.maximumf %parallel_loop3A_196, %parallel_loop3A_137 : vector<16xf32>
        %parallel_loop3A_263 = arith.maximumf %parallel_loop3A_202, %parallel_loop3A_137 : vector<16xf32>
        %parallel_loop3A_264 = arith.maximumf %parallel_loop3A_208, %parallel_loop3A_137 : vector<16xf32>
        %parallel_loop3A_265 = arith.maximumf %parallel_loop3A_214, %parallel_loop3A_137 : vector<16xf32>
        %parallel_loop3A_266 = arith.maximumf %parallel_loop3A_220, %parallel_loop3A_137 : vector<16xf32>
        %parallel_loop3A_267 = arith.maximumf %parallel_loop3A_226, %parallel_loop3A_137 : vector<16xf32>
        %parallel_loop3A_268 = arith.maximumf %parallel_loop3A_232, %parallel_loop3A_137 : vector<16xf32>
        %parallel_loop3A_269 = arith.maximumf %parallel_loop3A_238, %parallel_loop3A_137 : vector<16xf32>
        %parallel_loop3A_270 = arith.maximumf %parallel_loop3A_244, %parallel_loop3A_137 : vector<16xf32>
        %parallel_loop3A_271 = arith.maximumf %parallel_loop3A_250, %parallel_loop3A_137 : vector<16xf32>
        %parallel_loop3A_272 = arith.maximumf %parallel_loop3A_256, %parallel_loop3A_137 : vector<16xf32>
        %parallel_loop3A_273 = arith.minimumf %parallel_loop3A_257, %parallel_loop3A_147 : vector<16xf32>
        %parallel_loop3A_274 = arith.minimumf %parallel_loop3A_258, %parallel_loop3A_147 : vector<16xf32>
        %parallel_loop3A_275 = arith.minimumf %parallel_loop3A_259, %parallel_loop3A_147 : vector<16xf32>
        %parallel_loop3A_276 = arith.minimumf %parallel_loop3A_260, %parallel_loop3A_147 : vector<16xf32>
        %parallel_loop3A_277 = arith.minimumf %parallel_loop3A_261, %parallel_loop3A_147 : vector<16xf32>
        %parallel_loop3A_278 = arith.minimumf %parallel_loop3A_262, %parallel_loop3A_147 : vector<16xf32>
        %parallel_loop3A_279 = arith.minimumf %parallel_loop3A_263, %parallel_loop3A_147 : vector<16xf32>
        %parallel_loop3A_280 = arith.minimumf %parallel_loop3A_264, %parallel_loop3A_147 : vector<16xf32>
        %parallel_loop3A_281 = arith.minimumf %parallel_loop3A_265, %parallel_loop3A_147 : vector<16xf32>
        %parallel_loop3A_282 = arith.minimumf %parallel_loop3A_266, %parallel_loop3A_147 : vector<16xf32>
        %parallel_loop3A_283 = arith.minimumf %parallel_loop3A_267, %parallel_loop3A_147 : vector<16xf32>
        %parallel_loop3A_284 = arith.minimumf %parallel_loop3A_268, %parallel_loop3A_147 : vector<16xf32>
        %parallel_loop3A_285 = arith.minimumf %parallel_loop3A_269, %parallel_loop3A_147 : vector<16xf32>
        %parallel_loop3A_286 = arith.minimumf %parallel_loop3A_270, %parallel_loop3A_147 : vector<16xf32>
        %parallel_loop3A_287 = arith.minimumf %parallel_loop3A_271, %parallel_loop3A_147 : vector<16xf32>
        %parallel_loop3A_288 = arith.minimumf %parallel_loop3A_272, %parallel_loop3A_147 : vector<16xf32>
        %parallel_loop3A_289 = arith.subf %parallel_loop3A_273, %parallel_loop3A_137 : vector<16xf32>
        %parallel_loop3A_290 = arith.subf %parallel_loop3A_274, %parallel_loop3A_137 : vector<16xf32>
        %parallel_loop3A_291 = arith.subf %parallel_loop3A_275, %parallel_loop3A_137 : vector<16xf32>
        %parallel_loop3A_292 = arith.subf %parallel_loop3A_276, %parallel_loop3A_137 : vector<16xf32>
        %parallel_loop3A_293 = arith.subf %parallel_loop3A_277, %parallel_loop3A_137 : vector<16xf32>
        %parallel_loop3A_294 = arith.subf %parallel_loop3A_278, %parallel_loop3A_137 : vector<16xf32>
        %parallel_loop3A_295 = arith.subf %parallel_loop3A_279, %parallel_loop3A_137 : vector<16xf32>
        %parallel_loop3A_296 = arith.subf %parallel_loop3A_280, %parallel_loop3A_137 : vector<16xf32>
        %parallel_loop3A_297 = arith.subf %parallel_loop3A_281, %parallel_loop3A_137 : vector<16xf32>
        %parallel_loop3A_298 = arith.subf %parallel_loop3A_282, %parallel_loop3A_137 : vector<16xf32>
        %parallel_loop3A_299 = arith.subf %parallel_loop3A_283, %parallel_loop3A_137 : vector<16xf32>
        %parallel_loop3A_300 = arith.subf %parallel_loop3A_284, %parallel_loop3A_137 : vector<16xf32>
        %parallel_loop3A_301 = arith.subf %parallel_loop3A_285, %parallel_loop3A_137 : vector<16xf32>
        %parallel_loop3A_302 = arith.subf %parallel_loop3A_286, %parallel_loop3A_137 : vector<16xf32>
        %parallel_loop3A_303 = arith.subf %parallel_loop3A_287, %parallel_loop3A_137 : vector<16xf32>
        %parallel_loop3A_304 = arith.subf %parallel_loop3A_288, %parallel_loop3A_137 : vector<16xf32>
        %parallel_loop3A_305 = arith.mulf %parallel_loop3A_289, %parallel_loop3A_157 : vector<16xf32>
        %parallel_loop3A_306 = arith.mulf %parallel_loop3A_290, %parallel_loop3A_157 : vector<16xf32>
        %parallel_loop3A_307 = arith.mulf %parallel_loop3A_291, %parallel_loop3A_157 : vector<16xf32>
        %parallel_loop3A_308 = arith.mulf %parallel_loop3A_292, %parallel_loop3A_157 : vector<16xf32>
        %parallel_loop3A_309 = arith.mulf %parallel_loop3A_293, %parallel_loop3A_157 : vector<16xf32>
        %parallel_loop3A_310 = arith.mulf %parallel_loop3A_294, %parallel_loop3A_157 : vector<16xf32>
        %parallel_loop3A_311 = arith.mulf %parallel_loop3A_295, %parallel_loop3A_157 : vector<16xf32>
        %parallel_loop3A_312 = arith.mulf %parallel_loop3A_296, %parallel_loop3A_157 : vector<16xf32>
        %parallel_loop3A_313 = arith.mulf %parallel_loop3A_297, %parallel_loop3A_157 : vector<16xf32>
        %parallel_loop3A_314 = arith.mulf %parallel_loop3A_298, %parallel_loop3A_157 : vector<16xf32>
        %parallel_loop3A_315 = arith.mulf %parallel_loop3A_299, %parallel_loop3A_157 : vector<16xf32>
        %parallel_loop3A_316 = arith.mulf %parallel_loop3A_300, %parallel_loop3A_157 : vector<16xf32>
        %parallel_loop3A_317 = arith.mulf %parallel_loop3A_301, %parallel_loop3A_157 : vector<16xf32>
        %parallel_loop3A_318 = arith.mulf %parallel_loop3A_302, %parallel_loop3A_157 : vector<16xf32>
        %parallel_loop3A_319 = arith.mulf %parallel_loop3A_303, %parallel_loop3A_157 : vector<16xf32>
        %parallel_loop3A_320 = arith.mulf %parallel_loop3A_304, %parallel_loop3A_157 : vector<16xf32>
        %parallel_loop3A_321 = arith.constant 0x4B400000 : f32
        %parallel_loop3A_322 = vector.broadcast %parallel_loop3A_321 : f32 to vector<16xf32>
        %parallel_loop3A_323 = arith.addf %parallel_loop3A_305, %parallel_loop3A_322 : vector<16xf32>
        %parallel_loop3A_324 = arith.constant 0x4B400000 : f32
        %parallel_loop3A_325 = vector.broadcast %parallel_loop3A_324 : f32 to vector<16xf32>
        %parallel_loop3A_326 = arith.addf %parallel_loop3A_306, %parallel_loop3A_325 : vector<16xf32>
        %parallel_loop3A_327 = arith.constant 0x4B400000 : f32
        %parallel_loop3A_328 = vector.broadcast %parallel_loop3A_327 : f32 to vector<16xf32>
        %parallel_loop3A_329 = arith.addf %parallel_loop3A_307, %parallel_loop3A_328 : vector<16xf32>
        %parallel_loop3A_330 = arith.constant 0x4B400000 : f32
        %parallel_loop3A_331 = vector.broadcast %parallel_loop3A_330 : f32 to vector<16xf32>
        %parallel_loop3A_332 = arith.addf %parallel_loop3A_308, %parallel_loop3A_331 : vector<16xf32>
        %parallel_loop3A_333 = arith.constant 0x4B400000 : f32
        %parallel_loop3A_334 = vector.broadcast %parallel_loop3A_333 : f32 to vector<16xf32>
        %parallel_loop3A_335 = arith.addf %parallel_loop3A_309, %parallel_loop3A_334 : vector<16xf32>
        %parallel_loop3A_336 = arith.constant 0x4B400000 : f32
        %parallel_loop3A_337 = vector.broadcast %parallel_loop3A_336 : f32 to vector<16xf32>
        %parallel_loop3A_338 = arith.addf %parallel_loop3A_310, %parallel_loop3A_337 : vector<16xf32>
        %parallel_loop3A_339 = arith.constant 0x4B400000 : f32
        %parallel_loop3A_340 = vector.broadcast %parallel_loop3A_339 : f32 to vector<16xf32>
        %parallel_loop3A_341 = arith.addf %parallel_loop3A_311, %parallel_loop3A_340 : vector<16xf32>
        %parallel_loop3A_342 = arith.constant 0x4B400000 : f32
        %parallel_loop3A_343 = vector.broadcast %parallel_loop3A_342 : f32 to vector<16xf32>
        %parallel_loop3A_344 = arith.addf %parallel_loop3A_312, %parallel_loop3A_343 : vector<16xf32>
        %parallel_loop3A_345 = arith.constant 0x4B400000 : f32
        %parallel_loop3A_346 = vector.broadcast %parallel_loop3A_345 : f32 to vector<16xf32>
        %parallel_loop3A_347 = arith.addf %parallel_loop3A_313, %parallel_loop3A_346 : vector<16xf32>
        %parallel_loop3A_348 = arith.constant 0x4B400000 : f32
        %parallel_loop3A_349 = vector.broadcast %parallel_loop3A_348 : f32 to vector<16xf32>
        %parallel_loop3A_350 = arith.addf %parallel_loop3A_314, %parallel_loop3A_349 : vector<16xf32>
        %parallel_loop3A_351 = arith.constant 0x4B400000 : f32
        %parallel_loop3A_352 = vector.broadcast %parallel_loop3A_351 : f32 to vector<16xf32>
        %parallel_loop3A_353 = arith.addf %parallel_loop3A_315, %parallel_loop3A_352 : vector<16xf32>
        %parallel_loop3A_354 = arith.constant 0x4B400000 : f32
        %parallel_loop3A_355 = vector.broadcast %parallel_loop3A_354 : f32 to vector<16xf32>
        %parallel_loop3A_356 = arith.addf %parallel_loop3A_316, %parallel_loop3A_355 : vector<16xf32>
        %parallel_loop3A_357 = arith.constant 0x4B400000 : f32
        %parallel_loop3A_358 = vector.broadcast %parallel_loop3A_357 : f32 to vector<16xf32>
        %parallel_loop3A_359 = arith.addf %parallel_loop3A_317, %parallel_loop3A_358 : vector<16xf32>
        %parallel_loop3A_360 = arith.constant 0x4B400000 : f32
        %parallel_loop3A_361 = vector.broadcast %parallel_loop3A_360 : f32 to vector<16xf32>
        %parallel_loop3A_362 = arith.addf %parallel_loop3A_318, %parallel_loop3A_361 : vector<16xf32>
        %parallel_loop3A_363 = arith.constant 0x4B400000 : f32
        %parallel_loop3A_364 = vector.broadcast %parallel_loop3A_363 : f32 to vector<16xf32>
        %parallel_loop3A_365 = arith.addf %parallel_loop3A_319, %parallel_loop3A_364 : vector<16xf32>
        %parallel_loop3A_366 = arith.constant 0x4B400000 : f32
        %parallel_loop3A_367 = vector.broadcast %parallel_loop3A_366 : f32 to vector<16xf32>
        %parallel_loop3A_368 = arith.addf %parallel_loop3A_320, %parallel_loop3A_367 : vector<16xf32>
        %parallel_loop3A_369 = arith.constant 0x4B400000 : f32
        %parallel_loop3A_370 = vector.broadcast %parallel_loop3A_369 : f32 to vector<16xf32>
        %parallel_loop3A_371 = arith.subf %parallel_loop3A_323, %parallel_loop3A_370 : vector<16xf32>
        %parallel_loop3A_372 = arith.constant 0x4B400000 : f32
        %parallel_loop3A_373 = vector.broadcast %parallel_loop3A_372 : f32 to vector<16xf32>
        %parallel_loop3A_374 = arith.subf %parallel_loop3A_326, %parallel_loop3A_373 : vector<16xf32>
        %parallel_loop3A_375 = arith.constant 0x4B400000 : f32
        %parallel_loop3A_376 = vector.broadcast %parallel_loop3A_375 : f32 to vector<16xf32>
        %parallel_loop3A_377 = arith.subf %parallel_loop3A_329, %parallel_loop3A_376 : vector<16xf32>
        %parallel_loop3A_378 = arith.constant 0x4B400000 : f32
        %parallel_loop3A_379 = vector.broadcast %parallel_loop3A_378 : f32 to vector<16xf32>
        %parallel_loop3A_380 = arith.subf %parallel_loop3A_332, %parallel_loop3A_379 : vector<16xf32>
        %parallel_loop3A_381 = arith.constant 0x4B400000 : f32
        %parallel_loop3A_382 = vector.broadcast %parallel_loop3A_381 : f32 to vector<16xf32>
        %parallel_loop3A_383 = arith.subf %parallel_loop3A_335, %parallel_loop3A_382 : vector<16xf32>
        %parallel_loop3A_384 = arith.constant 0x4B400000 : f32
        %parallel_loop3A_385 = vector.broadcast %parallel_loop3A_384 : f32 to vector<16xf32>
        %parallel_loop3A_386 = arith.subf %parallel_loop3A_338, %parallel_loop3A_385 : vector<16xf32>
        %parallel_loop3A_387 = arith.constant 0x4B400000 : f32
        %parallel_loop3A_388 = vector.broadcast %parallel_loop3A_387 : f32 to vector<16xf32>
        %parallel_loop3A_389 = arith.subf %parallel_loop3A_341, %parallel_loop3A_388 : vector<16xf32>
        %parallel_loop3A_390 = arith.constant 0x4B400000 : f32
        %parallel_loop3A_391 = vector.broadcast %parallel_loop3A_390 : f32 to vector<16xf32>
        %parallel_loop3A_392 = arith.subf %parallel_loop3A_344, %parallel_loop3A_391 : vector<16xf32>
        %parallel_loop3A_393 = arith.constant 0x4B400000 : f32
        %parallel_loop3A_394 = vector.broadcast %parallel_loop3A_393 : f32 to vector<16xf32>
        %parallel_loop3A_395 = arith.subf %parallel_loop3A_347, %parallel_loop3A_394 : vector<16xf32>
        %parallel_loop3A_396 = arith.constant 0x4B400000 : f32
        %parallel_loop3A_397 = vector.broadcast %parallel_loop3A_396 : f32 to vector<16xf32>
        %parallel_loop3A_398 = arith.subf %parallel_loop3A_350, %parallel_loop3A_397 : vector<16xf32>
        %parallel_loop3A_399 = arith.constant 0x4B400000 : f32
        %parallel_loop3A_400 = vector.broadcast %parallel_loop3A_399 : f32 to vector<16xf32>
        %parallel_loop3A_401 = arith.subf %parallel_loop3A_353, %parallel_loop3A_400 : vector<16xf32>
        %parallel_loop3A_402 = arith.constant 0x4B400000 : f32
        %parallel_loop3A_403 = vector.broadcast %parallel_loop3A_402 : f32 to vector<16xf32>
        %parallel_loop3A_404 = arith.subf %parallel_loop3A_356, %parallel_loop3A_403 : vector<16xf32>
        %parallel_loop3A_405 = arith.constant 0x4B400000 : f32
        %parallel_loop3A_406 = vector.broadcast %parallel_loop3A_405 : f32 to vector<16xf32>
        %parallel_loop3A_407 = arith.subf %parallel_loop3A_359, %parallel_loop3A_406 : vector<16xf32>
        %parallel_loop3A_408 = arith.constant 0x4B400000 : f32
        %parallel_loop3A_409 = vector.broadcast %parallel_loop3A_408 : f32 to vector<16xf32>
        %parallel_loop3A_410 = arith.subf %parallel_loop3A_362, %parallel_loop3A_409 : vector<16xf32>
        %parallel_loop3A_411 = arith.constant 0x4B400000 : f32
        %parallel_loop3A_412 = vector.broadcast %parallel_loop3A_411 : f32 to vector<16xf32>
        %parallel_loop3A_413 = arith.subf %parallel_loop3A_365, %parallel_loop3A_412 : vector<16xf32>
        %parallel_loop3A_414 = arith.constant 0x4B400000 : f32
        %parallel_loop3A_415 = vector.broadcast %parallel_loop3A_414 : f32 to vector<16xf32>
        %parallel_loop3A_416 = arith.subf %parallel_loop3A_368, %parallel_loop3A_415 : vector<16xf32>
        %parallel_loop3A_417 = arith.select %parallel_loop3A_160, %parallel_loop3A_166, %parallel_loop3A_371 : vector<16xi1>, vector<16xf32>
        %parallel_loop3A_418 = arith.select %parallel_loop3A_160, %parallel_loop3A_172, %parallel_loop3A_374 : vector<16xi1>, vector<16xf32>
        %parallel_loop3A_419 = arith.select %parallel_loop3A_160, %parallel_loop3A_178, %parallel_loop3A_377 : vector<16xi1>, vector<16xf32>
        %parallel_loop3A_420 = arith.select %parallel_loop3A_160, %parallel_loop3A_184, %parallel_loop3A_380 : vector<16xi1>, vector<16xf32>
        %parallel_loop3A_421 = arith.select %parallel_loop3A_160, %parallel_loop3A_190, %parallel_loop3A_383 : vector<16xi1>, vector<16xf32>
        %parallel_loop3A_422 = arith.select %parallel_loop3A_160, %parallel_loop3A_196, %parallel_loop3A_386 : vector<16xi1>, vector<16xf32>
        %parallel_loop3A_423 = arith.select %parallel_loop3A_160, %parallel_loop3A_202, %parallel_loop3A_389 : vector<16xi1>, vector<16xf32>
        %parallel_loop3A_424 = arith.select %parallel_loop3A_160, %parallel_loop3A_208, %parallel_loop3A_392 : vector<16xi1>, vector<16xf32>
        %parallel_loop3A_425 = arith.select %parallel_loop3A_160, %parallel_loop3A_214, %parallel_loop3A_395 : vector<16xi1>, vector<16xf32>
        %parallel_loop3A_426 = arith.select %parallel_loop3A_160, %parallel_loop3A_220, %parallel_loop3A_398 : vector<16xi1>, vector<16xf32>
        %parallel_loop3A_427 = arith.select %parallel_loop3A_160, %parallel_loop3A_226, %parallel_loop3A_401 : vector<16xi1>, vector<16xf32>
        %parallel_loop3A_428 = arith.select %parallel_loop3A_160, %parallel_loop3A_232, %parallel_loop3A_404 : vector<16xi1>, vector<16xf32>
        %parallel_loop3A_429 = arith.select %parallel_loop3A_160, %parallel_loop3A_238, %parallel_loop3A_407 : vector<16xi1>, vector<16xf32>
        %parallel_loop3A_430 = arith.select %parallel_loop3A_160, %parallel_loop3A_244, %parallel_loop3A_410 : vector<16xi1>, vector<16xf32>
        %parallel_loop3A_431 = arith.select %parallel_loop3A_160, %parallel_loop3A_250, %parallel_loop3A_413 : vector<16xi1>, vector<16xf32>
        %parallel_loop3A_432 = arith.select %parallel_loop3A_160, %parallel_loop3A_256, %parallel_loop3A_416 : vector<16xi1>, vector<16xf32>
        %parallel_loop3A_433 = arith.constant 16 : i32
        %parallel_loop3A_434 = arith.muli %parallel_loop3A_122, %parallel_loop3A_433 : i32
        %parallel_loop3A_435 = arith.constant 0 : i32
        %parallel_loop3A_436 = arith.index_cast %parallel_loop3A_435 : i32 to index
        %parallel_loop3A_437 = arith.index_cast %parallel_loop3A_434 : i32 to index
        %parallel_loop3A_438 = tpu.vector_load %arg9[%parallel_loop3A_436, %parallel_loop3A_437] {strides = array<i32>} : memref<16x1024xf32, #tpu.memory_space<vmem>>, vector<16xf32>,
        tpu.vector_store %arg9[%parallel_loop3A_436, %parallel_loop3A_437], %parallel_loop3A_417 {strides = array<i32>} : memref<16x1024xf32, #tpu.memory_space<vmem>>, vector<16xf32>,
        %parallel_loop3A_439 = arith.constant 16 : i32
        %parallel_loop3A_440 = arith.muli %parallel_loop3A_122, %parallel_loop3A_439 : i32
        %parallel_loop3A_441 = arith.constant 1 : i32
        %parallel_loop3A_442 = arith.index_cast %parallel_loop3A_441 : i32 to index
        %parallel_loop3A_443 = arith.index_cast %parallel_loop3A_440 : i32 to index
        %parallel_loop3A_444 = tpu.vector_load %arg9[%parallel_loop3A_442, %parallel_loop3A_443] {strides = array<i32>} : memref<16x1024xf32, #tpu.memory_space<vmem>>, vector<16xf32>,
        tpu.vector_store %arg9[%parallel_loop3A_442, %parallel_loop3A_443], %parallel_loop3A_418 {strides = array<i32>} : memref<16x1024xf32, #tpu.memory_space<vmem>>, vector<16xf32>,
        %parallel_loop3A_445 = arith.constant 16 : i32
        %parallel_loop3A_446 = arith.muli %parallel_loop3A_122, %parallel_loop3A_445 : i32
        %parallel_loop3A_447 = arith.constant 2 : i32
        %parallel_loop3A_448 = arith.index_cast %parallel_loop3A_447 : i32 to index
        %parallel_loop3A_449 = arith.index_cast %parallel_loop3A_446 : i32 to index
        %parallel_loop3A_450 = tpu.vector_load %arg9[%parallel_loop3A_448, %parallel_loop3A_449] {strides = array<i32>} : memref<16x1024xf32, #tpu.memory_space<vmem>>, vector<16xf32>,
        tpu.vector_store %arg9[%parallel_loop3A_448, %parallel_loop3A_449], %parallel_loop3A_419 {strides = array<i32>} : memref<16x1024xf32, #tpu.memory_space<vmem>>, vector<16xf32>,
        %parallel_loop3A_451 = arith.constant 16 : i32
        %parallel_loop3A_452 = arith.muli %parallel_loop3A_122, %parallel_loop3A_451 : i32
        %parallel_loop3A_453 = arith.constant 3 : i32
        %parallel_loop3A_454 = arith.index_cast %parallel_loop3A_453 : i32 to index
        %parallel_loop3A_455 = arith.index_cast %parallel_loop3A_452 : i32 to index
        %parallel_loop3A_456 = tpu.vector_load %arg9[%parallel_loop3A_454, %parallel_loop3A_455] {strides = array<i32>} : memref<16x1024xf32, #tpu.memory_space<vmem>>, vector<16xf32>,
        tpu.vector_store %arg9[%parallel_loop3A_454, %parallel_loop3A_455], %parallel_loop3A_420 {strides = array<i32>} : memref<16x1024xf32, #tpu.memory_space<vmem>>, vector<16xf32>,
        %parallel_loop3A_457 = arith.constant 16 : i32
        %parallel_loop3A_458 = arith.muli %parallel_loop3A_122, %parallel_loop3A_457 : i32
        %parallel_loop3A_459 = arith.constant 4 : i32
        %parallel_loop3A_460 = arith.index_cast %parallel_loop3A_459 : i32 to index
        %parallel_loop3A_461 = arith.index_cast %parallel_loop3A_458 : i32 to index
        %parallel_loop3A_462 = tpu.vector_load %arg9[%parallel_loop3A_460, %parallel_loop3A_461] {strides = array<i32>} : memref<16x1024xf32, #tpu.memory_space<vmem>>, vector<16xf32>,
        tpu.vector_store %arg9[%parallel_loop3A_460, %parallel_loop3A_461], %parallel_loop3A_421 {strides = array<i32>} : memref<16x1024xf32, #tpu.memory_space<vmem>>, vector<16xf32>,
        %parallel_loop3A_463 = arith.constant 16 : i32
        %parallel_loop3A_464 = arith.muli %parallel_loop3A_122, %parallel_loop3A_463 : i32
        %parallel_loop3A_465 = arith.constant 5 : i32
        %parallel_loop3A_466 = arith.index_cast %parallel_loop3A_465 : i32 to index
        %parallel_loop3A_467 = arith.index_cast %parallel_loop3A_464 : i32 to index
        %parallel_loop3A_468 = tpu.vector_load %arg9[%parallel_loop3A_466, %parallel_loop3A_467] {strides = array<i32>} : memref<16x1024xf32, #tpu.memory_space<vmem>>, vector<16xf32>,
        tpu.vector_store %arg9[%parallel_loop3A_466, %parallel_loop3A_467], %parallel_loop3A_422 {strides = array<i32>} : memref<16x1024xf32, #tpu.memory_space<vmem>>, vector<16xf32>,
        %parallel_loop3A_469 = arith.constant 16 : i32
        %parallel_loop3A_470 = arith.muli %parallel_loop3A_122, %parallel_loop3A_469 : i32
        %parallel_loop3A_471 = arith.constant 6 : i32
        %parallel_loop3A_472 = arith.index_cast %parallel_loop3A_471 : i32 to index
        %parallel_loop3A_473 = arith.index_cast %parallel_loop3A_470 : i32 to index
        %parallel_loop3A_474 = tpu.vector_load %arg9[%parallel_loop3A_472, %parallel_loop3A_473] {strides = array<i32>} : memref<16x1024xf32, #tpu.memory_space<vmem>>, vector<16xf32>,
        tpu.vector_store %arg9[%parallel_loop3A_472, %parallel_loop3A_473], %parallel_loop3A_423 {strides = array<i32>} : memref<16x1024xf32, #tpu.memory_space<vmem>>, vector<16xf32>,
        %parallel_loop3A_475 = arith.constant 16 : i32
        %parallel_loop3A_476 = arith.muli %parallel_loop3A_122, %parallel_loop3A_475 : i32
        %parallel_loop3A_477 = arith.constant 7 : i32
        %parallel_loop3A_478 = arith.index_cast %parallel_loop3A_477 : i32 to index
        %parallel_loop3A_479 = arith.index_cast %parallel_loop3A_476 : i32 to index
        %parallel_loop3A_480 = tpu.vector_load %arg9[%parallel_loop3A_478, %parallel_loop3A_479] {strides = array<i32>} : memref<16x1024xf32, #tpu.memory_space<vmem>>, vector<16xf32>,
        tpu.vector_store %arg9[%parallel_loop3A_478, %parallel_loop3A_479], %parallel_loop3A_424 {strides = array<i32>} : memref<16x1024xf32, #tpu.memory_space<vmem>>, vector<16xf32>,
        %parallel_loop3A_481 = arith.constant 16 : i32
        %parallel_loop3A_482 = arith.muli %parallel_loop3A_122, %parallel_loop3A_481 : i32
        %parallel_loop3A_483 = arith.constant 8 : i32
        %parallel_loop3A_484 = arith.index_cast %parallel_loop3A_483 : i32 to index
        %parallel_loop3A_485 = arith.index_cast %parallel_loop3A_482 : i32 to index
        %parallel_loop3A_486 = tpu.vector_load %arg9[%parallel_loop3A_484, %parallel_loop3A_485] {strides = array<i32>} : memref<16x1024xf32, #tpu.memory_space<vmem>>, vector<16xf32>,
        tpu.vector_store %arg9[%parallel_loop3A_484, %parallel_loop3A_485], %parallel_loop3A_425 {strides = array<i32>} : memref<16x1024xf32, #tpu.memory_space<vmem>>, vector<16xf32>,
        %parallel_loop3A_487 = arith.constant 16 : i32
        %parallel_loop3A_488 = arith.muli %parallel_loop3A_122, %parallel_loop3A_487 : i32
        %parallel_loop3A_489 = arith.constant 9 : i32
        %parallel_loop3A_490 = arith.index_cast %parallel_loop3A_489 : i32 to index
        %parallel_loop3A_491 = arith.index_cast %parallel_loop3A_488 : i32 to index
        %parallel_loop3A_492 = tpu.vector_load %arg9[%parallel_loop3A_490, %parallel_loop3A_491] {strides = array<i32>} : memref<16x1024xf32, #tpu.memory_space<vmem>>, vector<16xf32>,
        tpu.vector_store %arg9[%parallel_loop3A_490, %parallel_loop3A_491], %parallel_loop3A_426 {strides = array<i32>} : memref<16x1024xf32, #tpu.memory_space<vmem>>, vector<16xf32>,
        %parallel_loop3A_493 = arith.constant 16 : i32
        %parallel_loop3A_494 = arith.muli %parallel_loop3A_122, %parallel_loop3A_493 : i32
        %parallel_loop3A_495 = arith.constant 10 : i32
        %parallel_loop3A_496 = arith.index_cast %parallel_loop3A_495 : i32 to index
        %parallel_loop3A_497 = arith.index_cast %parallel_loop3A_494 : i32 to index
        %parallel_loop3A_498 = tpu.vector_load %arg9[%parallel_loop3A_496, %parallel_loop3A_497] {strides = array<i32>} : memref<16x1024xf32, #tpu.memory_space<vmem>>, vector<16xf32>,
        tpu.vector_store %arg9[%parallel_loop3A_496, %parallel_loop3A_497], %parallel_loop3A_427 {strides = array<i32>} : memref<16x1024xf32, #tpu.memory_space<vmem>>, vector<16xf32>,
        %parallel_loop3A_499 = arith.constant 16 : i32
        %parallel_loop3A_500 = arith.muli %parallel_loop3A_122, %parallel_loop3A_499 : i32
        %parallel_loop3A_501 = arith.constant 11 : i32
        %parallel_loop3A_502 = arith.index_cast %parallel_loop3A_501 : i32 to index
        %parallel_loop3A_503 = arith.index_cast %parallel_loop3A_500 : i32 to index
        %parallel_loop3A_504 = tpu.vector_load %arg9[%parallel_loop3A_502, %parallel_loop3A_503] {strides = array<i32>} : memref<16x1024xf32, #tpu.memory_space<vmem>>, vector<16xf32>,
        tpu.vector_store %arg9[%parallel_loop3A_502, %parallel_loop3A_503], %parallel_loop3A_428 {strides = array<i32>} : memref<16x1024xf32, #tpu.memory_space<vmem>>, vector<16xf32>,
        %parallel_loop3A_505 = arith.constant 16 : i32
        %parallel_loop3A_506 = arith.muli %parallel_loop3A_122, %parallel_loop3A_505 : i32
        %parallel_loop3A_507 = arith.constant 12 : i32
        %parallel_loop3A_508 = arith.index_cast %parallel_loop3A_507 : i32 to index
        %parallel_loop3A_509 = arith.index_cast %parallel_loop3A_506 : i32 to index
        %parallel_loop3A_510 = tpu.vector_load %arg9[%parallel_loop3A_508, %parallel_loop3A_509] {strides = array<i32>} : memref<16x1024xf32, #tpu.memory_space<vmem>>, vector<16xf32>,
        tpu.vector_store %arg9[%parallel_loop3A_508, %parallel_loop3A_509], %parallel_loop3A_429 {strides = array<i32>} : memref<16x1024xf32, #tpu.memory_space<vmem>>, vector<16xf32>,
        %parallel_loop3A_511 = arith.constant 16 : i32
        %parallel_loop3A_512 = arith.muli %parallel_loop3A_122, %parallel_loop3A_511 : i32
        %parallel_loop3A_513 = arith.constant 13 : i32
        %parallel_loop3A_514 = arith.index_cast %parallel_loop3A_513 : i32 to index
        %parallel_loop3A_515 = arith.index_cast %parallel_loop3A_512 : i32 to index
        %parallel_loop3A_516 = tpu.vector_load %arg9[%parallel_loop3A_514, %parallel_loop3A_515] {strides = array<i32>} : memref<16x1024xf32, #tpu.memory_space<vmem>>, vector<16xf32>,
        tpu.vector_store %arg9[%parallel_loop3A_514, %parallel_loop3A_515], %parallel_loop3A_430 {strides = array<i32>} : memref<16x1024xf32, #tpu.memory_space<vmem>>, vector<16xf32>,
        %parallel_loop3A_517 = arith.constant 16 : i32
        %parallel_loop3A_518 = arith.muli %parallel_loop3A_122, %parallel_loop3A_517 : i32
        %parallel_loop3A_519 = arith.constant 14 : i32
        %parallel_loop3A_520 = arith.index_cast %parallel_loop3A_519 : i32 to index
        %parallel_loop3A_521 = arith.index_cast %parallel_loop3A_518 : i32 to index
        %parallel_loop3A_522 = tpu.vector_load %arg9[%parallel_loop3A_520, %parallel_loop3A_521] {strides = array<i32>} : memref<16x1024xf32, #tpu.memory_space<vmem>>, vector<16xf32>,
        tpu.vector_store %arg9[%parallel_loop3A_520, %parallel_loop3A_521], %parallel_loop3A_431 {strides = array<i32>} : memref<16x1024xf32, #tpu.memory_space<vmem>>, vector<16xf32>,
        %parallel_loop3A_523 = arith.constant 16 : i32
        %parallel_loop3A_524 = arith.muli %parallel_loop3A_122, %parallel_loop3A_523 : i32
        %parallel_loop3A_525 = arith.constant 15 : i32
        %parallel_loop3A_526 = arith.index_cast %parallel_loop3A_525 : i32 to index
        %parallel_loop3A_527 = arith.index_cast %parallel_loop3A_524 : i32 to index
        %parallel_loop3A_528 = tpu.vector_load %arg9[%parallel_loop3A_526, %parallel_loop3A_527] {strides = array<i32>} : memref<16x1024xf32, #tpu.memory_space<vmem>>, vector<16xf32>,
        tpu.vector_store %arg9[%parallel_loop3A_526, %parallel_loop3A_527], %parallel_loop3A_432 {strides = array<i32>} : memref<16x1024xf32, #tpu.memory_space<vmem>>, vector<16xf32>,
      } {sc.loop_unroll_factor = 2 : i64, sc.parallel_access}
      %mul3A_85 = arith.constant 16 : i32
      %mul3A_86 = arith.muli %mul3A_71, %mul3A_85 : i32
      %add3A_87 = arith.addi %mul3A_34, %mul3A_86 : i32
      %dma_start3A_88 = tpu.memref_slice %arg5[%add3A_87, %mul3A_36] : memref<1024x8192xf32, #tpu.memory_space<hbm>> -> memref<16x1024xf32, #tpu.memory_space<hbm>>
      %dma_start3A_89 = tpu.memref_slice %arg5[%add3A_87, %mul3A_36] : memref<1024x8192xf32, #tpu.memory_space<hbm>> -> memref<16x1024xf32, #tpu.memory_space<hbm>>
      tpu.enqueue_dma source(%arg9 : memref<16x1024xf32, #tpu.memory_space<vmem>>) target(%dma_start3A_89 : memref<16x1024xf32, #tpu.memory_space<hbm>>) target_semaphore(%arg14 : memref<!tpu.dma_semaphore, #tpu.memory_space<semaphore_mem>>)
      %add3A_90 = arith.constant 2 : i32
      %add3A_91 = arith.addi %mul3A_71, %add3A_90 : i32
      %lt3A_92 = arith.constant 16 : i32
      %lt3A_93 = arith.cmpi slt, %add3A_91, %lt3A_92 : i32
      %convert_element_type3A_94 = arith.extui %lt3A_93 : i1 to i32
      %cond3A_95 = arith.constant 0 : i32
      %cond3A_96 = arith.cmpi ne, %convert_element_type3A_94, %cond3A_95 : i32
      scf.if %cond3A_96 {
        %add3A_122 = arith.constant 2 : i32
        %add3A_123 = arith.addi %mul3A_71, %add3A_122 : i32
        %mul3A_124 = arith.constant 16 : i32
        %mul3A_125 = arith.muli %add3A_123, %mul3A_124 : i32
        %add3A_126 = arith.addi %mul3A_34, %mul3A_125 : i32
        %dma_start3A_127 = tpu.memref_slice %arg2[%add3A_126, %mul3A_36] : memref<1024x8192xf32, #tpu.memory_space<hbm>> -> memref<16x1024xf32, #tpu.memory_space<hbm>>
        %dma_start3A_128 = tpu.memref_slice %arg2[%add3A_126, %mul3A_36] : memref<1024x8192xf32, #tpu.memory_space<hbm>> -> memref<16x1024xf32, #tpu.memory_space<hbm>>
        tpu.enqueue_dma source(%dma_start3A_128 : memref<16x1024xf32, #tpu.memory_space<hbm>>) target(%arg7 : memref<16x1024xf32, #tpu.memory_space<vmem>>) target_semaphore(%arg12 : memref<!tpu.dma_semaphore, #tpu.memory_space<semaphore_mem>>)
      } else {
      }
      %gt3A_97 = arith.constant 0 : i32
      %gt3A_98 = arith.cmpi sgt, %scan3A_69, %gt3A_97 : i32
      %convert_element_type3A_99 = arith.extui %gt3A_98 : i1 to i32
      %cond3A_100 = arith.constant 0 : i32
      %cond3A_101 = arith.cmpi ne, %convert_element_type3A_99, %cond3A_100 : i32
      scf.if %cond3A_101 {
        %mul3A_122 = arith.constant 16 : i32
        %mul3A_123 = arith.muli %add3A_75, %mul3A_122 : i32
        %add3A_124 = arith.addi %mul3A_34, %mul3A_123 : i32
        %dma_wait3A_125 = tpu.memref_slice %arg5[%add3A_124, %mul3A_36] : memref<1024x8192xf32, #tpu.memory_space<hbm>> -> memref<16x1024xf32, #tpu.memory_space<hbm>>
        %dma_wait3A_126 = tpu.memref_slice %arg5[%add3A_124, %mul3A_36] : memref<1024x8192xf32, #tpu.memory_space<hbm>> -> memref<16x1024xf32, #tpu.memory_space<hbm>>
        tpu.wait_dma2 semaphore(%arg15 : memref<!tpu.dma_semaphore, #tpu.memory_space<semaphore_mem>>) src(%arg10 : memref<16x1024xf32, #tpu.memory_space<vmem>>) dst(%dma_wait3A_126 : memref<16x1024xf32, #tpu.memory_space<hbm>>)
      } else {
      }
      %mul3A_102 = arith.constant 16 : i32
      %mul3A_103 = arith.muli %add3A_75, %mul3A_102 : i32
      %add3A_104 = arith.addi %mul3A_34, %mul3A_103 : i32
      %dma_wait3A_105 = tpu.memref_slice %arg2[%add3A_104, %mul3A_36] : memref<1024x8192xf32, #tpu.memory_space<hbm>> -> memref<16x1024xf32, #tpu.memory_space<hbm>>
      %dma_wait3A_106 = tpu.memref_slice %arg2[%add3A_104, %mul3A_36] : memref<1024x8192xf32, #tpu.memory_space<hbm>> -> memref<16x1024xf32, #tpu.memory_space<hbm>>
      tpu.wait_dma2 semaphore(%arg13 : memref<!tpu.dma_semaphore, #tpu.memory_space<semaphore_mem>>) src(%dma_wait3A_106 : memref<16x1024xf32, #tpu.memory_space<hbm>>) dst(%arg8 : memref<16x1024xf32, #tpu.memory_space<vmem>>)
      %parallel_loop3A_107 = arith.constant 0 : i32
      %parallel_loop3A_108 = arith.constant 64 : i32
      %parallel_loop3A_109 = arith.constant 1 : i32
      scf.for %parallel_loop3A_122 = %parallel_loop3A_107 to %parallel_loop3A_108 step %parallel_loop3A_109  : i32 {
        %parallel_loop3A_123 = arith.constant 16 : i32
        %parallel_loop3A_124 = arith.muli %parallel_loop3A_122, %parallel_loop3A_123 : i32
        %parallel_loop3A_125 = arith.index_cast %add3A_75 : i32 to index
        %parallel_loop3A_126 = arith.index_cast %parallel_loop3A_124 : i32 to index
        %parallel_loop3A_127 = tpu.vector_load %arg6[%parallel_loop3A_125, %parallel_loop3A_126] {strides = array<i32>} : memref<16x1024xi32, #tpu.memory_space<vmem>>, vector<16xi32>,
        %parallel_loop3A_128 = arith.constant 0 : i32
        %parallel_loop3A_129 = vector.broadcast %parallel_loop3A_128 : i32 to vector<16xi32>
        %parallel_loop3A_130 = arith.cmpi slt, %parallel_loop3A_127, %parallel_loop3A_129 : vector<16xi32>
        %parallel_loop3A_131 = arith.constant 16 : i32
        %parallel_loop3A_132 = vector.broadcast %parallel_loop3A_131 : i32 to vector<16xi32>
        %parallel_loop3A_133 = arith.addi %parallel_loop3A_127, %parallel_loop3A_132 : vector<16xi32>
        %parallel_loop3A_134 = arith.select %parallel_loop3A_130, %parallel_loop3A_133, %parallel_loop3A_127 : vector<16xi1>, vector<16xi32>
        %parallel_loop3A_135 = vector.shape_cast %parallel_loop3A_134 : vector<16xi32> to vector<16x1xi32>
        %parallel_loop3A_136 = vector.shape_cast %parallel_loop3A_135 : vector<16x1xi32> to vector<16xi32>
        %parallel_loop3A_137 = tpu.dynamic_gather %get3A_41[%parallel_loop3A_136] in [0] : vector<16xf32>, vector<16xi32> -> vector<16xf32>
        %parallel_loop3A_138 = arith.constant 0 : i32
        %parallel_loop3A_139 = vector.broadcast %parallel_loop3A_138 : i32 to vector<16xi32>
        %parallel_loop3A_140 = arith.cmpi slt, %parallel_loop3A_127, %parallel_loop3A_139 : vector<16xi32>
        %parallel_loop3A_141 = arith.constant 16 : i32
        %parallel_loop3A_142 = vector.broadcast %parallel_loop3A_141 : i32 to vector<16xi32>
        %parallel_loop3A_143 = arith.addi %parallel_loop3A_127, %parallel_loop3A_142 : vector<16xi32>
        %parallel_loop3A_144 = arith.select %parallel_loop3A_140, %parallel_loop3A_143, %parallel_loop3A_127 : vector<16xi1>, vector<16xi32>
        %parallel_loop3A_145 = vector.shape_cast %parallel_loop3A_144 : vector<16xi32> to vector<16x1xi32>
        %parallel_loop3A_146 = vector.shape_cast %parallel_loop3A_145 : vector<16x1xi32> to vector<16xi32>
        %parallel_loop3A_147 = tpu.dynamic_gather %get3A_45[%parallel_loop3A_146] in [0] : vector<16xf32>, vector<16xi32> -> vector<16xf32>
        %parallel_loop3A_148 = arith.constant 0 : i32
        %parallel_loop3A_149 = vector.broadcast %parallel_loop3A_148 : i32 to vector<16xi32>
        %parallel_loop3A_150 = arith.cmpi slt, %parallel_loop3A_127, %parallel_loop3A_149 : vector<16xi32>
        %parallel_loop3A_151 = arith.constant 16 : i32
        %parallel_loop3A_152 = vector.broadcast %parallel_loop3A_151 : i32 to vector<16xi32>
        %parallel_loop3A_153 = arith.addi %parallel_loop3A_127, %parallel_loop3A_152 : vector<16xi32>
        %parallel_loop3A_154 = arith.select %parallel_loop3A_150, %parallel_loop3A_153, %parallel_loop3A_127 : vector<16xi1>, vector<16xi32>
        %parallel_loop3A_155 = vector.shape_cast %parallel_loop3A_154 : vector<16xi32> to vector<16x1xi32>
        %parallel_loop3A_156 = vector.shape_cast %parallel_loop3A_155 : vector<16x1xi32> to vector<16xi32>
        %parallel_loop3A_157 = tpu.dynamic_gather %get3A_49[%parallel_loop3A_156] in [0] : vector<16xf32>, vector<16xi32> -> vector<16xf32>
        %parallel_loop3A_158 = arith.constant 3 : i32
        %parallel_loop3A_159 = vector.broadcast %parallel_loop3A_158 : i32 to vector<16xi32>
        %parallel_loop3A_160 = arith.cmpi eq, %parallel_loop3A_127, %parallel_loop3A_159 : vector<16xi32>
        %parallel_loop3A_161 = arith.constant 16 : i32
        %parallel_loop3A_162 = arith.muli %parallel_loop3A_122, %parallel_loop3A_161 : i32
        %parallel_loop3A_163 = arith.constant 0 : i32
        %parallel_loop3A_164 = arith.index_cast %parallel_loop3A_163 : i32 to index
        %parallel_loop3A_165 = arith.index_cast %parallel_loop3A_162 : i32 to index
        %parallel_loop3A_166 = tpu.vector_load %arg8[%parallel_loop3A_164, %parallel_loop3A_165] {strides = array<i32>} : memref<16x1024xf32, #tpu.memory_space<vmem>>, vector<16xf32>,
        %parallel_loop3A_167 = arith.constant 16 : i32
        %parallel_loop3A_168 = arith.muli %parallel_loop3A_122, %parallel_loop3A_167 : i32
        %parallel_loop3A_169 = arith.constant 1 : i32
        %parallel_loop3A_170 = arith.index_cast %parallel_loop3A_169 : i32 to index
        %parallel_loop3A_171 = arith.index_cast %parallel_loop3A_168 : i32 to index
        %parallel_loop3A_172 = tpu.vector_load %arg8[%parallel_loop3A_170, %parallel_loop3A_171] {strides = array<i32>} : memref<16x1024xf32, #tpu.memory_space<vmem>>, vector<16xf32>,
        %parallel_loop3A_173 = arith.constant 16 : i32
        %parallel_loop3A_174 = arith.muli %parallel_loop3A_122, %parallel_loop3A_173 : i32
        %parallel_loop3A_175 = arith.constant 2 : i32
        %parallel_loop3A_176 = arith.index_cast %parallel_loop3A_175 : i32 to index
        %parallel_loop3A_177 = arith.index_cast %parallel_loop3A_174 : i32 to index
        %parallel_loop3A_178 = tpu.vector_load %arg8[%parallel_loop3A_176, %parallel_loop3A_177] {strides = array<i32>} : memref<16x1024xf32, #tpu.memory_space<vmem>>, vector<16xf32>,
        %parallel_loop3A_179 = arith.constant 16 : i32
        %parallel_loop3A_180 = arith.muli %parallel_loop3A_122, %parallel_loop3A_179 : i32
        %parallel_loop3A_181 = arith.constant 3 : i32
        %parallel_loop3A_182 = arith.index_cast %parallel_loop3A_181 : i32 to index
        %parallel_loop3A_183 = arith.index_cast %parallel_loop3A_180 : i32 to index
        %parallel_loop3A_184 = tpu.vector_load %arg8[%parallel_loop3A_182, %parallel_loop3A_183] {strides = array<i32>} : memref<16x1024xf32, #tpu.memory_space<vmem>>, vector<16xf32>,
        %parallel_loop3A_185 = arith.constant 16 : i32
        %parallel_loop3A_186 = arith.muli %parallel_loop3A_122, %parallel_loop3A_185 : i32
        %parallel_loop3A_187 = arith.constant 4 : i32
        %parallel_loop3A_188 = arith.index_cast %parallel_loop3A_187 : i32 to index
        %parallel_loop3A_189 = arith.index_cast %parallel_loop3A_186 : i32 to index
        %parallel_loop3A_190 = tpu.vector_load %arg8[%parallel_loop3A_188, %parallel_loop3A_189] {strides = array<i32>} : memref<16x1024xf32, #tpu.memory_space<vmem>>, vector<16xf32>,
        %parallel_loop3A_191 = arith.constant 16 : i32
        %parallel_loop3A_192 = arith.muli %parallel_loop3A_122, %parallel_loop3A_191 : i32
        %parallel_loop3A_193 = arith.constant 5 : i32
        %parallel_loop3A_194 = arith.index_cast %parallel_loop3A_193 : i32 to index
        %parallel_loop3A_195 = arith.index_cast %parallel_loop3A_192 : i32 to index
        %parallel_loop3A_196 = tpu.vector_load %arg8[%parallel_loop3A_194, %parallel_loop3A_195] {strides = array<i32>} : memref<16x1024xf32, #tpu.memory_space<vmem>>, vector<16xf32>,
        %parallel_loop3A_197 = arith.constant 16 : i32
        %parallel_loop3A_198 = arith.muli %parallel_loop3A_122, %parallel_loop3A_197 : i32
        %parallel_loop3A_199 = arith.constant 6 : i32
        %parallel_loop3A_200 = arith.index_cast %parallel_loop3A_199 : i32 to index
        %parallel_loop3A_201 = arith.index_cast %parallel_loop3A_198 : i32 to index
        %parallel_loop3A_202 = tpu.vector_load %arg8[%parallel_loop3A_200, %parallel_loop3A_201] {strides = array<i32>} : memref<16x1024xf32, #tpu.memory_space<vmem>>, vector<16xf32>,
        %parallel_loop3A_203 = arith.constant 16 : i32
        %parallel_loop3A_204 = arith.muli %parallel_loop3A_122, %parallel_loop3A_203 : i32
        %parallel_loop3A_205 = arith.constant 7 : i32
        %parallel_loop3A_206 = arith.index_cast %parallel_loop3A_205 : i32 to index
        %parallel_loop3A_207 = arith.index_cast %parallel_loop3A_204 : i32 to index
        %parallel_loop3A_208 = tpu.vector_load %arg8[%parallel_loop3A_206, %parallel_loop3A_207] {strides = array<i32>} : memref<16x1024xf32, #tpu.memory_space<vmem>>, vector<16xf32>,
        %parallel_loop3A_209 = arith.constant 16 : i32
        %parallel_loop3A_210 = arith.muli %parallel_loop3A_122, %parallel_loop3A_209 : i32
        %parallel_loop3A_211 = arith.constant 8 : i32
        %parallel_loop3A_212 = arith.index_cast %parallel_loop3A_211 : i32 to index
        %parallel_loop3A_213 = arith.index_cast %parallel_loop3A_210 : i32 to index
        %parallel_loop3A_214 = tpu.vector_load %arg8[%parallel_loop3A_212, %parallel_loop3A_213] {strides = array<i32>} : memref<16x1024xf32, #tpu.memory_space<vmem>>, vector<16xf32>,
        %parallel_loop3A_215 = arith.constant 16 : i32
        %parallel_loop3A_216 = arith.muli %parallel_loop3A_122, %parallel_loop3A_215 : i32
        %parallel_loop3A_217 = arith.constant 9 : i32
        %parallel_loop3A_218 = arith.index_cast %parallel_loop3A_217 : i32 to index
        %parallel_loop3A_219 = arith.index_cast %parallel_loop3A_216 : i32 to index
        %parallel_loop3A_220 = tpu.vector_load %arg8[%parallel_loop3A_218, %parallel_loop3A_219] {strides = array<i32>} : memref<16x1024xf32, #tpu.memory_space<vmem>>, vector<16xf32>,
        %parallel_loop3A_221 = arith.constant 16 : i32
        %parallel_loop3A_222 = arith.muli %parallel_loop3A_122, %parallel_loop3A_221 : i32
        %parallel_loop3A_223 = arith.constant 10 : i32
        %parallel_loop3A_224 = arith.index_cast %parallel_loop3A_223 : i32 to index
        %parallel_loop3A_225 = arith.index_cast %parallel_loop3A_222 : i32 to index
        %parallel_loop3A_226 = tpu.vector_load %arg8[%parallel_loop3A_224, %parallel_loop3A_225] {strides = array<i32>} : memref<16x1024xf32, #tpu.memory_space<vmem>>, vector<16xf32>,
        %parallel_loop3A_227 = arith.constant 16 : i32
        %parallel_loop3A_228 = arith.muli %parallel_loop3A_122, %parallel_loop3A_227 : i32
        %parallel_loop3A_229 = arith.constant 11 : i32
        %parallel_loop3A_230 = arith.index_cast %parallel_loop3A_229 : i32 to index
        %parallel_loop3A_231 = arith.index_cast %parallel_loop3A_228 : i32 to index
        %parallel_loop3A_232 = tpu.vector_load %arg8[%parallel_loop3A_230, %parallel_loop3A_231] {strides = array<i32>} : memref<16x1024xf32, #tpu.memory_space<vmem>>, vector<16xf32>,
        %parallel_loop3A_233 = arith.constant 16 : i32
        %parallel_loop3A_234 = arith.muli %parallel_loop3A_122, %parallel_loop3A_233 : i32
        %parallel_loop3A_235 = arith.constant 12 : i32
        %parallel_loop3A_236 = arith.index_cast %parallel_loop3A_235 : i32 to index
        %parallel_loop3A_237 = arith.index_cast %parallel_loop3A_234 : i32 to index
        %parallel_loop3A_238 = tpu.vector_load %arg8[%parallel_loop3A_236, %parallel_loop3A_237] {strides = array<i32>} : memref<16x1024xf32, #tpu.memory_space<vmem>>, vector<16xf32>,
        %parallel_loop3A_239 = arith.constant 16 : i32
        %parallel_loop3A_240 = arith.muli %parallel_loop3A_122, %parallel_loop3A_239 : i32
        %parallel_loop3A_241 = arith.constant 13 : i32
        %parallel_loop3A_242 = arith.index_cast %parallel_loop3A_241 : i32 to index
        %parallel_loop3A_243 = arith.index_cast %parallel_loop3A_240 : i32 to index
        %parallel_loop3A_244 = tpu.vector_load %arg8[%parallel_loop3A_242, %parallel_loop3A_243] {strides = array<i32>} : memref<16x1024xf32, #tpu.memory_space<vmem>>, vector<16xf32>,
        %parallel_loop3A_245 = arith.constant 16 : i32
        %parallel_loop3A_246 = arith.muli %parallel_loop3A_122, %parallel_loop3A_245 : i32
        %parallel_loop3A_247 = arith.constant 14 : i32
        %parallel_loop3A_248 = arith.index_cast %parallel_loop3A_247 : i32 to index
        %parallel_loop3A_249 = arith.index_cast %parallel_loop3A_246 : i32 to index
        %parallel_loop3A_250 = tpu.vector_load %arg8[%parallel_loop3A_248, %parallel_loop3A_249] {strides = array<i32>} : memref<16x1024xf32, #tpu.memory_space<vmem>>, vector<16xf32>,
        %parallel_loop3A_251 = arith.constant 16 : i32
        %parallel_loop3A_252 = arith.muli %parallel_loop3A_122, %parallel_loop3A_251 : i32
        %parallel_loop3A_253 = arith.constant 15 : i32
        %parallel_loop3A_254 = arith.index_cast %parallel_loop3A_253 : i32 to index
        %parallel_loop3A_255 = arith.index_cast %parallel_loop3A_252 : i32 to index
        %parallel_loop3A_256 = tpu.vector_load %arg8[%parallel_loop3A_254, %parallel_loop3A_255] {strides = array<i32>} : memref<16x1024xf32, #tpu.memory_space<vmem>>, vector<16xf32>,
        %parallel_loop3A_257 = arith.maximumf %parallel_loop3A_166, %parallel_loop3A_137 : vector<16xf32>
        %parallel_loop3A_258 = arith.maximumf %parallel_loop3A_172, %parallel_loop3A_137 : vector<16xf32>
        %parallel_loop3A_259 = arith.maximumf %parallel_loop3A_178, %parallel_loop3A_137 : vector<16xf32>
        %parallel_loop3A_260 = arith.maximumf %parallel_loop3A_184, %parallel_loop3A_137 : vector<16xf32>
        %parallel_loop3A_261 = arith.maximumf %parallel_loop3A_190, %parallel_loop3A_137 : vector<16xf32>
        %parallel_loop3A_262 = arith.maximumf %parallel_loop3A_196, %parallel_loop3A_137 : vector<16xf32>
        %parallel_loop3A_263 = arith.maximumf %parallel_loop3A_202, %parallel_loop3A_137 : vector<16xf32>
        %parallel_loop3A_264 = arith.maximumf %parallel_loop3A_208, %parallel_loop3A_137 : vector<16xf32>
        %parallel_loop3A_265 = arith.maximumf %parallel_loop3A_214, %parallel_loop3A_137 : vector<16xf32>
        %parallel_loop3A_266 = arith.maximumf %parallel_loop3A_220, %parallel_loop3A_137 : vector<16xf32>
        %parallel_loop3A_267 = arith.maximumf %parallel_loop3A_226, %parallel_loop3A_137 : vector<16xf32>
        %parallel_loop3A_268 = arith.maximumf %parallel_loop3A_232, %parallel_loop3A_137 : vector<16xf32>
        %parallel_loop3A_269 = arith.maximumf %parallel_loop3A_238, %parallel_loop3A_137 : vector<16xf32>
        %parallel_loop3A_270 = arith.maximumf %parallel_loop3A_244, %parallel_loop3A_137 : vector<16xf32>
        %parallel_loop3A_271 = arith.maximumf %parallel_loop3A_250, %parallel_loop3A_137 : vector<16xf32>
        %parallel_loop3A_272 = arith.maximumf %parallel_loop3A_256, %parallel_loop3A_137 : vector<16xf32>
        %parallel_loop3A_273 = arith.minimumf %parallel_loop3A_257, %parallel_loop3A_147 : vector<16xf32>
        %parallel_loop3A_274 = arith.minimumf %parallel_loop3A_258, %parallel_loop3A_147 : vector<16xf32>
        %parallel_loop3A_275 = arith.minimumf %parallel_loop3A_259, %parallel_loop3A_147 : vector<16xf32>
        %parallel_loop3A_276 = arith.minimumf %parallel_loop3A_260, %parallel_loop3A_147 : vector<16xf32>
        %parallel_loop3A_277 = arith.minimumf %parallel_loop3A_261, %parallel_loop3A_147 : vector<16xf32>
        %parallel_loop3A_278 = arith.minimumf %parallel_loop3A_262, %parallel_loop3A_147 : vector<16xf32>
        %parallel_loop3A_279 = arith.minimumf %parallel_loop3A_263, %parallel_loop3A_147 : vector<16xf32>
        %parallel_loop3A_280 = arith.minimumf %parallel_loop3A_264, %parallel_loop3A_147 : vector<16xf32>
        %parallel_loop3A_281 = arith.minimumf %parallel_loop3A_265, %parallel_loop3A_147 : vector<16xf32>
        %parallel_loop3A_282 = arith.minimumf %parallel_loop3A_266, %parallel_loop3A_147 : vector<16xf32>
        %parallel_loop3A_283 = arith.minimumf %parallel_loop3A_267, %parallel_loop3A_147 : vector<16xf32>
        %parallel_loop3A_284 = arith.minimumf %parallel_loop3A_268, %parallel_loop3A_147 : vector<16xf32>
        %parallel_loop3A_285 = arith.minimumf %parallel_loop3A_269, %parallel_loop3A_147 : vector<16xf32>
        %parallel_loop3A_286 = arith.minimumf %parallel_loop3A_270, %parallel_loop3A_147 : vector<16xf32>
        %parallel_loop3A_287 = arith.minimumf %parallel_loop3A_271, %parallel_loop3A_147 : vector<16xf32>
        %parallel_loop3A_288 = arith.minimumf %parallel_loop3A_272, %parallel_loop3A_147 : vector<16xf32>
        %parallel_loop3A_289 = arith.subf %parallel_loop3A_273, %parallel_loop3A_137 : vector<16xf32>
        %parallel_loop3A_290 = arith.subf %parallel_loop3A_274, %parallel_loop3A_137 : vector<16xf32>
        %parallel_loop3A_291 = arith.subf %parallel_loop3A_275, %parallel_loop3A_137 : vector<16xf32>
        %parallel_loop3A_292 = arith.subf %parallel_loop3A_276, %parallel_loop3A_137 : vector<16xf32>
        %parallel_loop3A_293 = arith.subf %parallel_loop3A_277, %parallel_loop3A_137 : vector<16xf32>
        %parallel_loop3A_294 = arith.subf %parallel_loop3A_278, %parallel_loop3A_137 : vector<16xf32>
        %parallel_loop3A_295 = arith.subf %parallel_loop3A_279, %parallel_loop3A_137 : vector<16xf32>
        %parallel_loop3A_296 = arith.subf %parallel_loop3A_280, %parallel_loop3A_137 : vector<16xf32>
        %parallel_loop3A_297 = arith.subf %parallel_loop3A_281, %parallel_loop3A_137 : vector<16xf32>
        %parallel_loop3A_298 = arith.subf %parallel_loop3A_282, %parallel_loop3A_137 : vector<16xf32>
        %parallel_loop3A_299 = arith.subf %parallel_loop3A_283, %parallel_loop3A_137 : vector<16xf32>
        %parallel_loop3A_300 = arith.subf %parallel_loop3A_284, %parallel_loop3A_137 : vector<16xf32>
        %parallel_loop3A_301 = arith.subf %parallel_loop3A_285, %parallel_loop3A_137 : vector<16xf32>
        %parallel_loop3A_302 = arith.subf %parallel_loop3A_286, %parallel_loop3A_137 : vector<16xf32>
        %parallel_loop3A_303 = arith.subf %parallel_loop3A_287, %parallel_loop3A_137 : vector<16xf32>
        %parallel_loop3A_304 = arith.subf %parallel_loop3A_288, %parallel_loop3A_137 : vector<16xf32>
        %parallel_loop3A_305 = arith.mulf %parallel_loop3A_289, %parallel_loop3A_157 : vector<16xf32>
        %parallel_loop3A_306 = arith.mulf %parallel_loop3A_290, %parallel_loop3A_157 : vector<16xf32>
        %parallel_loop3A_307 = arith.mulf %parallel_loop3A_291, %parallel_loop3A_157 : vector<16xf32>
        %parallel_loop3A_308 = arith.mulf %parallel_loop3A_292, %parallel_loop3A_157 : vector<16xf32>
        %parallel_loop3A_309 = arith.mulf %parallel_loop3A_293, %parallel_loop3A_157 : vector<16xf32>
        %parallel_loop3A_310 = arith.mulf %parallel_loop3A_294, %parallel_loop3A_157 : vector<16xf32>
        %parallel_loop3A_311 = arith.mulf %parallel_loop3A_295, %parallel_loop3A_157 : vector<16xf32>
        %parallel_loop3A_312 = arith.mulf %parallel_loop3A_296, %parallel_loop3A_157 : vector<16xf32>
        %parallel_loop3A_313 = arith.mulf %parallel_loop3A_297, %parallel_loop3A_157 : vector<16xf32>
        %parallel_loop3A_314 = arith.mulf %parallel_loop3A_298, %parallel_loop3A_157 : vector<16xf32>
        %parallel_loop3A_315 = arith.mulf %parallel_loop3A_299, %parallel_loop3A_157 : vector<16xf32>
        %parallel_loop3A_316 = arith.mulf %parallel_loop3A_300, %parallel_loop3A_157 : vector<16xf32>
        %parallel_loop3A_317 = arith.mulf %parallel_loop3A_301, %parallel_loop3A_157 : vector<16xf32>
        %parallel_loop3A_318 = arith.mulf %parallel_loop3A_302, %parallel_loop3A_157 : vector<16xf32>
        %parallel_loop3A_319 = arith.mulf %parallel_loop3A_303, %parallel_loop3A_157 : vector<16xf32>
        %parallel_loop3A_320 = arith.mulf %parallel_loop3A_304, %parallel_loop3A_157 : vector<16xf32>
        %parallel_loop3A_321 = arith.constant 0x4B400000 : f32
        %parallel_loop3A_322 = vector.broadcast %parallel_loop3A_321 : f32 to vector<16xf32>
        %parallel_loop3A_323 = arith.addf %parallel_loop3A_305, %parallel_loop3A_322 : vector<16xf32>
        %parallel_loop3A_324 = arith.constant 0x4B400000 : f32
        %parallel_loop3A_325 = vector.broadcast %parallel_loop3A_324 : f32 to vector<16xf32>
        %parallel_loop3A_326 = arith.addf %parallel_loop3A_306, %parallel_loop3A_325 : vector<16xf32>
        %parallel_loop3A_327 = arith.constant 0x4B400000 : f32
        %parallel_loop3A_328 = vector.broadcast %parallel_loop3A_327 : f32 to vector<16xf32>
        %parallel_loop3A_329 = arith.addf %parallel_loop3A_307, %parallel_loop3A_328 : vector<16xf32>
        %parallel_loop3A_330 = arith.constant 0x4B400000 : f32
        %parallel_loop3A_331 = vector.broadcast %parallel_loop3A_330 : f32 to vector<16xf32>
        %parallel_loop3A_332 = arith.addf %parallel_loop3A_308, %parallel_loop3A_331 : vector<16xf32>
        %parallel_loop3A_333 = arith.constant 0x4B400000 : f32
        %parallel_loop3A_334 = vector.broadcast %parallel_loop3A_333 : f32 to vector<16xf32>
        %parallel_loop3A_335 = arith.addf %parallel_loop3A_309, %parallel_loop3A_334 : vector<16xf32>
        %parallel_loop3A_336 = arith.constant 0x4B400000 : f32
        %parallel_loop3A_337 = vector.broadcast %parallel_loop3A_336 : f32 to vector<16xf32>
        %parallel_loop3A_338 = arith.addf %parallel_loop3A_310, %parallel_loop3A_337 : vector<16xf32>
        %parallel_loop3A_339 = arith.constant 0x4B400000 : f32
        %parallel_loop3A_340 = vector.broadcast %parallel_loop3A_339 : f32 to vector<16xf32>
        %parallel_loop3A_341 = arith.addf %parallel_loop3A_311, %parallel_loop3A_340 : vector<16xf32>
        %parallel_loop3A_342 = arith.constant 0x4B400000 : f32
        %parallel_loop3A_343 = vector.broadcast %parallel_loop3A_342 : f32 to vector<16xf32>
        %parallel_loop3A_344 = arith.addf %parallel_loop3A_312, %parallel_loop3A_343 : vector<16xf32>
        %parallel_loop3A_345 = arith.constant 0x4B400000 : f32
        %parallel_loop3A_346 = vector.broadcast %parallel_loop3A_345 : f32 to vector<16xf32>
        %parallel_loop3A_347 = arith.addf %parallel_loop3A_313, %parallel_loop3A_346 : vector<16xf32>
        %parallel_loop3A_348 = arith.constant 0x4B400000 : f32
        %parallel_loop3A_349 = vector.broadcast %parallel_loop3A_348 : f32 to vector<16xf32>
        %parallel_loop3A_350 = arith.addf %parallel_loop3A_314, %parallel_loop3A_349 : vector<16xf32>
        %parallel_loop3A_351 = arith.constant 0x4B400000 : f32
        %parallel_loop3A_352 = vector.broadcast %parallel_loop3A_351 : f32 to vector<16xf32>
        %parallel_loop3A_353 = arith.addf %parallel_loop3A_315, %parallel_loop3A_352 : vector<16xf32>
        %parallel_loop3A_354 = arith.constant 0x4B400000 : f32
        %parallel_loop3A_355 = vector.broadcast %parallel_loop3A_354 : f32 to vector<16xf32>
        %parallel_loop3A_356 = arith.addf %parallel_loop3A_316, %parallel_loop3A_355 : vector<16xf32>
        %parallel_loop3A_357 = arith.constant 0x4B400000 : f32
        %parallel_loop3A_358 = vector.broadcast %parallel_loop3A_357 : f32 to vector<16xf32>
        %parallel_loop3A_359 = arith.addf %parallel_loop3A_317, %parallel_loop3A_358 : vector<16xf32>
        %parallel_loop3A_360 = arith.constant 0x4B400000 : f32
        %parallel_loop3A_361 = vector.broadcast %parallel_loop3A_360 : f32 to vector<16xf32>
        %parallel_loop3A_362 = arith.addf %parallel_loop3A_318, %parallel_loop3A_361 : vector<16xf32>
        %parallel_loop3A_363 = arith.constant 0x4B400000 : f32
        %parallel_loop3A_364 = vector.broadcast %parallel_loop3A_363 : f32 to vector<16xf32>
        %parallel_loop3A_365 = arith.addf %parallel_loop3A_319, %parallel_loop3A_364 : vector<16xf32>
        %parallel_loop3A_366 = arith.constant 0x4B400000 : f32
        %parallel_loop3A_367 = vector.broadcast %parallel_loop3A_366 : f32 to vector<16xf32>
        %parallel_loop3A_368 = arith.addf %parallel_loop3A_320, %parallel_loop3A_367 : vector<16xf32>
        %parallel_loop3A_369 = arith.constant 0x4B400000 : f32
        %parallel_loop3A_370 = vector.broadcast %parallel_loop3A_369 : f32 to vector<16xf32>
        %parallel_loop3A_371 = arith.subf %parallel_loop3A_323, %parallel_loop3A_370 : vector<16xf32>
        %parallel_loop3A_372 = arith.constant 0x4B400000 : f32
        %parallel_loop3A_373 = vector.broadcast %parallel_loop3A_372 : f32 to vector<16xf32>
        %parallel_loop3A_374 = arith.subf %parallel_loop3A_326, %parallel_loop3A_373 : vector<16xf32>
        %parallel_loop3A_375 = arith.constant 0x4B400000 : f32
        %parallel_loop3A_376 = vector.broadcast %parallel_loop3A_375 : f32 to vector<16xf32>
        %parallel_loop3A_377 = arith.subf %parallel_loop3A_329, %parallel_loop3A_376 : vector<16xf32>
        %parallel_loop3A_378 = arith.constant 0x4B400000 : f32
        %parallel_loop3A_379 = vector.broadcast %parallel_loop3A_378 : f32 to vector<16xf32>
        %parallel_loop3A_380 = arith.subf %parallel_loop3A_332, %parallel_loop3A_379 : vector<16xf32>
        %parallel_loop3A_381 = arith.constant 0x4B400000 : f32
        %parallel_loop3A_382 = vector.broadcast %parallel_loop3A_381 : f32 to vector<16xf32>
        %parallel_loop3A_383 = arith.subf %parallel_loop3A_335, %parallel_loop3A_382 : vector<16xf32>
        %parallel_loop3A_384 = arith.constant 0x4B400000 : f32
        %parallel_loop3A_385 = vector.broadcast %parallel_loop3A_384 : f32 to vector<16xf32>
        %parallel_loop3A_386 = arith.subf %parallel_loop3A_338, %parallel_loop3A_385 : vector<16xf32>
        %parallel_loop3A_387 = arith.constant 0x4B400000 : f32
        %parallel_loop3A_388 = vector.broadcast %parallel_loop3A_387 : f32 to vector<16xf32>
        %parallel_loop3A_389 = arith.subf %parallel_loop3A_341, %parallel_loop3A_388 : vector<16xf32>
        %parallel_loop3A_390 = arith.constant 0x4B400000 : f32
        %parallel_loop3A_391 = vector.broadcast %parallel_loop3A_390 : f32 to vector<16xf32>
        %parallel_loop3A_392 = arith.subf %parallel_loop3A_344, %parallel_loop3A_391 : vector<16xf32>
        %parallel_loop3A_393 = arith.constant 0x4B400000 : f32
        %parallel_loop3A_394 = vector.broadcast %parallel_loop3A_393 : f32 to vector<16xf32>
        %parallel_loop3A_395 = arith.subf %parallel_loop3A_347, %parallel_loop3A_394 : vector<16xf32>
        %parallel_loop3A_396 = arith.constant 0x4B400000 : f32
        %parallel_loop3A_397 = vector.broadcast %parallel_loop3A_396 : f32 to vector<16xf32>
        %parallel_loop3A_398 = arith.subf %parallel_loop3A_350, %parallel_loop3A_397 : vector<16xf32>
        %parallel_loop3A_399 = arith.constant 0x4B400000 : f32
        %parallel_loop3A_400 = vector.broadcast %parallel_loop3A_399 : f32 to vector<16xf32>
        %parallel_loop3A_401 = arith.subf %parallel_loop3A_353, %parallel_loop3A_400 : vector<16xf32>
        %parallel_loop3A_402 = arith.constant 0x4B400000 : f32
        %parallel_loop3A_403 = vector.broadcast %parallel_loop3A_402 : f32 to vector<16xf32>
        %parallel_loop3A_404 = arith.subf %parallel_loop3A_356, %parallel_loop3A_403 : vector<16xf32>
        %parallel_loop3A_405 = arith.constant 0x4B400000 : f32
        %parallel_loop3A_406 = vector.broadcast %parallel_loop3A_405 : f32 to vector<16xf32>
        %parallel_loop3A_407 = arith.subf %parallel_loop3A_359, %parallel_loop3A_406 : vector<16xf32>
        %parallel_loop3A_408 = arith.constant 0x4B400000 : f32
        %parallel_loop3A_409 = vector.broadcast %parallel_loop3A_408 : f32 to vector<16xf32>
        %parallel_loop3A_410 = arith.subf %parallel_loop3A_362, %parallel_loop3A_409 : vector<16xf32>
        %parallel_loop3A_411 = arith.constant 0x4B400000 : f32
        %parallel_loop3A_412 = vector.broadcast %parallel_loop3A_411 : f32 to vector<16xf32>
        %parallel_loop3A_413 = arith.subf %parallel_loop3A_365, %parallel_loop3A_412 : vector<16xf32>
        %parallel_loop3A_414 = arith.constant 0x4B400000 : f32
        %parallel_loop3A_415 = vector.broadcast %parallel_loop3A_414 : f32 to vector<16xf32>
        %parallel_loop3A_416 = arith.subf %parallel_loop3A_368, %parallel_loop3A_415 : vector<16xf32>
        %parallel_loop3A_417 = arith.select %parallel_loop3A_160, %parallel_loop3A_166, %parallel_loop3A_371 : vector<16xi1>, vector<16xf32>
        %parallel_loop3A_418 = arith.select %parallel_loop3A_160, %parallel_loop3A_172, %parallel_loop3A_374 : vector<16xi1>, vector<16xf32>
        %parallel_loop3A_419 = arith.select %parallel_loop3A_160, %parallel_loop3A_178, %parallel_loop3A_377 : vector<16xi1>, vector<16xf32>
        %parallel_loop3A_420 = arith.select %parallel_loop3A_160, %parallel_loop3A_184, %parallel_loop3A_380 : vector<16xi1>, vector<16xf32>
        %parallel_loop3A_421 = arith.select %parallel_loop3A_160, %parallel_loop3A_190, %parallel_loop3A_383 : vector<16xi1>, vector<16xf32>
        %parallel_loop3A_422 = arith.select %parallel_loop3A_160, %parallel_loop3A_196, %parallel_loop3A_386 : vector<16xi1>, vector<16xf32>
        %parallel_loop3A_423 = arith.select %parallel_loop3A_160, %parallel_loop3A_202, %parallel_loop3A_389 : vector<16xi1>, vector<16xf32>
        %parallel_loop3A_424 = arith.select %parallel_loop3A_160, %parallel_loop3A_208, %parallel_loop3A_392 : vector<16xi1>, vector<16xf32>
        %parallel_loop3A_425 = arith.select %parallel_loop3A_160, %parallel_loop3A_214, %parallel_loop3A_395 : vector<16xi1>, vector<16xf32>
        %parallel_loop3A_426 = arith.select %parallel_loop3A_160, %parallel_loop3A_220, %parallel_loop3A_398 : vector<16xi1>, vector<16xf32>
        %parallel_loop3A_427 = arith.select %parallel_loop3A_160, %parallel_loop3A_226, %parallel_loop3A_401 : vector<16xi1>, vector<16xf32>
        %parallel_loop3A_428 = arith.select %parallel_loop3A_160, %parallel_loop3A_232, %parallel_loop3A_404 : vector<16xi1>, vector<16xf32>
        %parallel_loop3A_429 = arith.select %parallel_loop3A_160, %parallel_loop3A_238, %parallel_loop3A_407 : vector<16xi1>, vector<16xf32>
        %parallel_loop3A_430 = arith.select %parallel_loop3A_160, %parallel_loop3A_244, %parallel_loop3A_410 : vector<16xi1>, vector<16xf32>
        %parallel_loop3A_431 = arith.select %parallel_loop3A_160, %parallel_loop3A_250, %parallel_loop3A_413 : vector<16xi1>, vector<16xf32>
        %parallel_loop3A_432 = arith.select %parallel_loop3A_160, %parallel_loop3A_256, %parallel_loop3A_416 : vector<16xi1>, vector<16xf32>
        %parallel_loop3A_433 = arith.constant 16 : i32
        %parallel_loop3A_434 = arith.muli %parallel_loop3A_122, %parallel_loop3A_433 : i32
        %parallel_loop3A_435 = arith.constant 0 : i32
        %parallel_loop3A_436 = arith.index_cast %parallel_loop3A_435 : i32 to index
        %parallel_loop3A_437 = arith.index_cast %parallel_loop3A_434 : i32 to index
        %parallel_loop3A_438 = tpu.vector_load %arg10[%parallel_loop3A_436, %parallel_loop3A_437] {strides = array<i32>} : memref<16x1024xf32, #tpu.memory_space<vmem>>, vector<16xf32>,
        tpu.vector_store %arg10[%parallel_loop3A_436, %parallel_loop3A_437], %parallel_loop3A_417 {strides = array<i32>} : memref<16x1024xf32, #tpu.memory_space<vmem>>, vector<16xf32>,
        %parallel_loop3A_439 = arith.constant 16 : i32
        %parallel_loop3A_440 = arith.muli %parallel_loop3A_122, %parallel_loop3A_439 : i32
        %parallel_loop3A_441 = arith.constant 1 : i32
        %parallel_loop3A_442 = arith.index_cast %parallel_loop3A_441 : i32 to index
        %parallel_loop3A_443 = arith.index_cast %parallel_loop3A_440 : i32 to index
        %parallel_loop3A_444 = tpu.vector_load %arg10[%parallel_loop3A_442, %parallel_loop3A_443] {strides = array<i32>} : memref<16x1024xf32, #tpu.memory_space<vmem>>, vector<16xf32>,
        tpu.vector_store %arg10[%parallel_loop3A_442, %parallel_loop3A_443], %parallel_loop3A_418 {strides = array<i32>} : memref<16x1024xf32, #tpu.memory_space<vmem>>, vector<16xf32>,
        %parallel_loop3A_445 = arith.constant 16 : i32
        %parallel_loop3A_446 = arith.muli %parallel_loop3A_122, %parallel_loop3A_445 : i32
        %parallel_loop3A_447 = arith.constant 2 : i32
        %parallel_loop3A_448 = arith.index_cast %parallel_loop3A_447 : i32 to index
        %parallel_loop3A_449 = arith.index_cast %parallel_loop3A_446 : i32 to index
        %parallel_loop3A_450 = tpu.vector_load %arg10[%parallel_loop3A_448, %parallel_loop3A_449] {strides = array<i32>} : memref<16x1024xf32, #tpu.memory_space<vmem>>, vector<16xf32>,
        tpu.vector_store %arg10[%parallel_loop3A_448, %parallel_loop3A_449], %parallel_loop3A_419 {strides = array<i32>} : memref<16x1024xf32, #tpu.memory_space<vmem>>, vector<16xf32>,
        %parallel_loop3A_451 = arith.constant 16 : i32
        %parallel_loop3A_452 = arith.muli %parallel_loop3A_122, %parallel_loop3A_451 : i32
        %parallel_loop3A_453 = arith.constant 3 : i32
        %parallel_loop3A_454 = arith.index_cast %parallel_loop3A_453 : i32 to index
        %parallel_loop3A_455 = arith.index_cast %parallel_loop3A_452 : i32 to index
        %parallel_loop3A_456 = tpu.vector_load %arg10[%parallel_loop3A_454, %parallel_loop3A_455] {strides = array<i32>} : memref<16x1024xf32, #tpu.memory_space<vmem>>, vector<16xf32>,
        tpu.vector_store %arg10[%parallel_loop3A_454, %parallel_loop3A_455], %parallel_loop3A_420 {strides = array<i32>} : memref<16x1024xf32, #tpu.memory_space<vmem>>, vector<16xf32>,
        %parallel_loop3A_457 = arith.constant 16 : i32
        %parallel_loop3A_458 = arith.muli %parallel_loop3A_122, %parallel_loop3A_457 : i32
        %parallel_loop3A_459 = arith.constant 4 : i32
        %parallel_loop3A_460 = arith.index_cast %parallel_loop3A_459 : i32 to index
        %parallel_loop3A_461 = arith.index_cast %parallel_loop3A_458 : i32 to index
        %parallel_loop3A_462 = tpu.vector_load %arg10[%parallel_loop3A_460, %parallel_loop3A_461] {strides = array<i32>} : memref<16x1024xf32, #tpu.memory_space<vmem>>, vector<16xf32>,
        tpu.vector_store %arg10[%parallel_loop3A_460, %parallel_loop3A_461], %parallel_loop3A_421 {strides = array<i32>} : memref<16x1024xf32, #tpu.memory_space<vmem>>, vector<16xf32>,
        %parallel_loop3A_463 = arith.constant 16 : i32
        %parallel_loop3A_464 = arith.muli %parallel_loop3A_122, %parallel_loop3A_463 : i32
        %parallel_loop3A_465 = arith.constant 5 : i32
        %parallel_loop3A_466 = arith.index_cast %parallel_loop3A_465 : i32 to index
        %parallel_loop3A_467 = arith.index_cast %parallel_loop3A_464 : i32 to index
        %parallel_loop3A_468 = tpu.vector_load %arg10[%parallel_loop3A_466, %parallel_loop3A_467] {strides = array<i32>} : memref<16x1024xf32, #tpu.memory_space<vmem>>, vector<16xf32>,
        tpu.vector_store %arg10[%parallel_loop3A_466, %parallel_loop3A_467], %parallel_loop3A_422 {strides = array<i32>} : memref<16x1024xf32, #tpu.memory_space<vmem>>, vector<16xf32>,
        %parallel_loop3A_469 = arith.constant 16 : i32
        %parallel_loop3A_470 = arith.muli %parallel_loop3A_122, %parallel_loop3A_469 : i32
        %parallel_loop3A_471 = arith.constant 6 : i32
        %parallel_loop3A_472 = arith.index_cast %parallel_loop3A_471 : i32 to index
        %parallel_loop3A_473 = arith.index_cast %parallel_loop3A_470 : i32 to index
        %parallel_loop3A_474 = tpu.vector_load %arg10[%parallel_loop3A_472, %parallel_loop3A_473] {strides = array<i32>} : memref<16x1024xf32, #tpu.memory_space<vmem>>, vector<16xf32>,
        tpu.vector_store %arg10[%parallel_loop3A_472, %parallel_loop3A_473], %parallel_loop3A_423 {strides = array<i32>} : memref<16x1024xf32, #tpu.memory_space<vmem>>, vector<16xf32>,
        %parallel_loop3A_475 = arith.constant 16 : i32
        %parallel_loop3A_476 = arith.muli %parallel_loop3A_122, %parallel_loop3A_475 : i32
        %parallel_loop3A_477 = arith.constant 7 : i32
        %parallel_loop3A_478 = arith.index_cast %parallel_loop3A_477 : i32 to index
        %parallel_loop3A_479 = arith.index_cast %parallel_loop3A_476 : i32 to index
        %parallel_loop3A_480 = tpu.vector_load %arg10[%parallel_loop3A_478, %parallel_loop3A_479] {strides = array<i32>} : memref<16x1024xf32, #tpu.memory_space<vmem>>, vector<16xf32>,
        tpu.vector_store %arg10[%parallel_loop3A_478, %parallel_loop3A_479], %parallel_loop3A_424 {strides = array<i32>} : memref<16x1024xf32, #tpu.memory_space<vmem>>, vector<16xf32>,
        %parallel_loop3A_481 = arith.constant 16 : i32
        %parallel_loop3A_482 = arith.muli %parallel_loop3A_122, %parallel_loop3A_481 : i32
        %parallel_loop3A_483 = arith.constant 8 : i32
        %parallel_loop3A_484 = arith.index_cast %parallel_loop3A_483 : i32 to index
        %parallel_loop3A_485 = arith.index_cast %parallel_loop3A_482 : i32 to index
        %parallel_loop3A_486 = tpu.vector_load %arg10[%parallel_loop3A_484, %parallel_loop3A_485] {strides = array<i32>} : memref<16x1024xf32, #tpu.memory_space<vmem>>, vector<16xf32>,
        tpu.vector_store %arg10[%parallel_loop3A_484, %parallel_loop3A_485], %parallel_loop3A_425 {strides = array<i32>} : memref<16x1024xf32, #tpu.memory_space<vmem>>, vector<16xf32>,
        %parallel_loop3A_487 = arith.constant 16 : i32
        %parallel_loop3A_488 = arith.muli %parallel_loop3A_122, %parallel_loop3A_487 : i32
        %parallel_loop3A_489 = arith.constant 9 : i32
        %parallel_loop3A_490 = arith.index_cast %parallel_loop3A_489 : i32 to index
        %parallel_loop3A_491 = arith.index_cast %parallel_loop3A_488 : i32 to index
        %parallel_loop3A_492 = tpu.vector_load %arg10[%parallel_loop3A_490, %parallel_loop3A_491] {strides = array<i32>} : memref<16x1024xf32, #tpu.memory_space<vmem>>, vector<16xf32>,
        tpu.vector_store %arg10[%parallel_loop3A_490, %parallel_loop3A_491], %parallel_loop3A_426 {strides = array<i32>} : memref<16x1024xf32, #tpu.memory_space<vmem>>, vector<16xf32>,
        %parallel_loop3A_493 = arith.constant 16 : i32
        %parallel_loop3A_494 = arith.muli %parallel_loop3A_122, %parallel_loop3A_493 : i32
        %parallel_loop3A_495 = arith.constant 10 : i32
        %parallel_loop3A_496 = arith.index_cast %parallel_loop3A_495 : i32 to index
        %parallel_loop3A_497 = arith.index_cast %parallel_loop3A_494 : i32 to index
        %parallel_loop3A_498 = tpu.vector_load %arg10[%parallel_loop3A_496, %parallel_loop3A_497] {strides = array<i32>} : memref<16x1024xf32, #tpu.memory_space<vmem>>, vector<16xf32>,
        tpu.vector_store %arg10[%parallel_loop3A_496, %parallel_loop3A_497], %parallel_loop3A_427 {strides = array<i32>} : memref<16x1024xf32, #tpu.memory_space<vmem>>, vector<16xf32>,
        %parallel_loop3A_499 = arith.constant 16 : i32
        %parallel_loop3A_500 = arith.muli %parallel_loop3A_122, %parallel_loop3A_499 : i32
        %parallel_loop3A_501 = arith.constant 11 : i32
        %parallel_loop3A_502 = arith.index_cast %parallel_loop3A_501 : i32 to index
        %parallel_loop3A_503 = arith.index_cast %parallel_loop3A_500 : i32 to index
        %parallel_loop3A_504 = tpu.vector_load %arg10[%parallel_loop3A_502, %parallel_loop3A_503] {strides = array<i32>} : memref<16x1024xf32, #tpu.memory_space<vmem>>, vector<16xf32>,
        tpu.vector_store %arg10[%parallel_loop3A_502, %parallel_loop3A_503], %parallel_loop3A_428 {strides = array<i32>} : memref<16x1024xf32, #tpu.memory_space<vmem>>, vector<16xf32>,
        %parallel_loop3A_505 = arith.constant 16 : i32
        %parallel_loop3A_506 = arith.muli %parallel_loop3A_122, %parallel_loop3A_505 : i32
        %parallel_loop3A_507 = arith.constant 12 : i32
        %parallel_loop3A_508 = arith.index_cast %parallel_loop3A_507 : i32 to index
        %parallel_loop3A_509 = arith.index_cast %parallel_loop3A_506 : i32 to index
        %parallel_loop3A_510 = tpu.vector_load %arg10[%parallel_loop3A_508, %parallel_loop3A_509] {strides = array<i32>} : memref<16x1024xf32, #tpu.memory_space<vmem>>, vector<16xf32>,
        tpu.vector_store %arg10[%parallel_loop3A_508, %parallel_loop3A_509], %parallel_loop3A_429 {strides = array<i32>} : memref<16x1024xf32, #tpu.memory_space<vmem>>, vector<16xf32>,
        %parallel_loop3A_511 = arith.constant 16 : i32
        %parallel_loop3A_512 = arith.muli %parallel_loop3A_122, %parallel_loop3A_511 : i32
        %parallel_loop3A_513 = arith.constant 13 : i32
        %parallel_loop3A_514 = arith.index_cast %parallel_loop3A_513 : i32 to index
        %parallel_loop3A_515 = arith.index_cast %parallel_loop3A_512 : i32 to index
        %parallel_loop3A_516 = tpu.vector_load %arg10[%parallel_loop3A_514, %parallel_loop3A_515] {strides = array<i32>} : memref<16x1024xf32, #tpu.memory_space<vmem>>, vector<16xf32>,
        tpu.vector_store %arg10[%parallel_loop3A_514, %parallel_loop3A_515], %parallel_loop3A_430 {strides = array<i32>} : memref<16x1024xf32, #tpu.memory_space<vmem>>, vector<16xf32>,
        %parallel_loop3A_517 = arith.constant 16 : i32
        %parallel_loop3A_518 = arith.muli %parallel_loop3A_122, %parallel_loop3A_517 : i32
        %parallel_loop3A_519 = arith.constant 14 : i32
        %parallel_loop3A_520 = arith.index_cast %parallel_loop3A_519 : i32 to index
        %parallel_loop3A_521 = arith.index_cast %parallel_loop3A_518 : i32 to index
        %parallel_loop3A_522 = tpu.vector_load %arg10[%parallel_loop3A_520, %parallel_loop3A_521] {strides = array<i32>} : memref<16x1024xf32, #tpu.memory_space<vmem>>, vector<16xf32>,
        tpu.vector_store %arg10[%parallel_loop3A_520, %parallel_loop3A_521], %parallel_loop3A_431 {strides = array<i32>} : memref<16x1024xf32, #tpu.memory_space<vmem>>, vector<16xf32>,
        %parallel_loop3A_523 = arith.constant 16 : i32
        %parallel_loop3A_524 = arith.muli %parallel_loop3A_122, %parallel_loop3A_523 : i32
        %parallel_loop3A_525 = arith.constant 15 : i32
        %parallel_loop3A_526 = arith.index_cast %parallel_loop3A_525 : i32 to index
        %parallel_loop3A_527 = arith.index_cast %parallel_loop3A_524 : i32 to index
        %parallel_loop3A_528 = tpu.vector_load %arg10[%parallel_loop3A_526, %parallel_loop3A_527] {strides = array<i32>} : memref<16x1024xf32, #tpu.memory_space<vmem>>, vector<16xf32>,
        tpu.vector_store %arg10[%parallel_loop3A_526, %parallel_loop3A_527], %parallel_loop3A_432 {strides = array<i32>} : memref<16x1024xf32, #tpu.memory_space<vmem>>, vector<16xf32>,
      } {sc.loop_unroll_factor = 2 : i64, sc.parallel_access}
      %mul3A_110 = arith.constant 16 : i32
      %mul3A_111 = arith.muli %add3A_75, %mul3A_110 : i32
      %add3A_112 = arith.addi %mul3A_34, %mul3A_111 : i32
      %dma_start3A_113 = tpu.memref_slice %arg5[%add3A_112, %mul3A_36] : memref<1024x8192xf32, #tpu.memory_space<hbm>> -> memref<16x1024xf32, #tpu.memory_space<hbm>>
      %dma_start3A_114 = tpu.memref_slice %arg5[%add3A_112, %mul3A_36] : memref<1024x8192xf32, #tpu.memory_space<hbm>> -> memref<16x1024xf32, #tpu.memory_space<hbm>>
      tpu.enqueue_dma source(%arg10 : memref<16x1024xf32, #tpu.memory_space<vmem>>) target(%dma_start3A_114 : memref<16x1024xf32, #tpu.memory_space<hbm>>) target_semaphore(%arg15 : memref<!tpu.dma_semaphore, #tpu.memory_space<semaphore_mem>>)
      %add3A_115 = arith.constant 2 : i32
      %add3A_116 = arith.addi %add3A_75, %add3A_115 : i32
      %lt3A_117 = arith.constant 16 : i32
      %lt3A_118 = arith.cmpi slt, %add3A_116, %lt3A_117 : i32
      %convert_element_type3A_119 = arith.extui %lt3A_118 : i1 to i32
      %cond3A_120 = arith.constant 0 : i32
      %cond3A_121 = arith.cmpi ne, %convert_element_type3A_119, %cond3A_120 : i32
      scf.if %cond3A_121 {
        %add3A_122 = arith.constant 2 : i32
        %add3A_123 = arith.addi %add3A_75, %add3A_122 : i32
        %mul3A_124 = arith.constant 16 : i32
        %mul3A_125 = arith.muli %add3A_123, %mul3A_124 : i32
        %add3A_126 = arith.addi %mul3A_34, %mul3A_125 : i32
        %dma_start3A_127 = tpu.memref_slice %arg2[%add3A_126, %mul3A_36] : memref<1024x8192xf32, #tpu.memory_space<hbm>> -> memref<16x1024xf32, #tpu.memory_space<hbm>>
        %dma_start3A_128 = tpu.memref_slice %arg2[%add3A_126, %mul3A_36] : memref<1024x8192xf32, #tpu.memory_space<hbm>> -> memref<16x1024xf32, #tpu.memory_space<hbm>>
        tpu.enqueue_dma source(%dma_start3A_128 : memref<16x1024xf32, #tpu.memory_space<hbm>>) target(%arg8 : memref<16x1024xf32, #tpu.memory_space<vmem>>) target_semaphore(%arg13 : memref<!tpu.dma_semaphore, #tpu.memory_space<semaphore_mem>>)
      } else {
      }
    }
    %scan3A_61 = arith.constant 8 : i32
    %add3A_62 = arith.constant 224 : i32
    %add3A_63 = arith.addi %mul3A_34, %add3A_62 : i32
    %dma_wait3A = tpu.memref_slice %arg5[%add3A_63, %mul3A_36] : memref<1024x8192xf32, #tpu.memory_space<hbm>> -> memref<16x1024xf32, #tpu.memory_space<hbm>>
    %dma_wait3A_64 = tpu.memref_slice %arg5[%add3A_63, %mul3A_36] : memref<1024x8192xf32, #tpu.memory_space<hbm>> -> memref<16x1024xf32, #tpu.memory_space<hbm>>
    tpu.wait_dma2 semaphore(%arg14 : memref<!tpu.dma_semaphore, #tpu.memory_space<semaphore_mem>>) src(%arg9 : memref<16x1024xf32, #tpu.memory_space<vmem>>) dst(%dma_wait3A_64 : memref<16x1024xf32, #tpu.memory_space<hbm>>)
    %add3A_65 = arith.constant 240 : i32
    %add3A_66 = arith.addi %mul3A_34, %add3A_65 : i32
    %dma_wait3A_67 = tpu.memref_slice %arg5[%add3A_66, %mul3A_36] : memref<1024x8192xf32, #tpu.memory_space<hbm>> -> memref<16x1024xf32, #tpu.memory_space<hbm>>
    %dma_wait3A_68 = tpu.memref_slice %arg5[%add3A_66, %mul3A_36] : memref<1024x8192xf32, #tpu.memory_space<hbm>> -> memref<16x1024xf32, #tpu.memory_space<hbm>>
    tpu.wait_dma2 semaphore(%arg15 : memref<!tpu.dma_semaphore, #tpu.memory_space<semaphore_mem>>) src(%arg10 : memref<16x1024xf32, #tpu.memory_space<vmem>>) dst(%dma_wait3A_68 : memref<16x1024xf32, #tpu.memory_space<hbm>>)
    return
  }
}

</mosaic_0001>

<sc_bundles>
// kernel: kernel.3.cloned.1.call-start
scs
__scs_entry_jumppad:
0x0: {  	(pc) =	sbr.rel $0x88, $3  }
0x1: {  	(tag) =	ssettag $0x0;
	lr =	simm.s32 $0x1  }
0x2: {  	[smem:$0x3F9F] =	sst lr;
	_ =	strace $0xD0000000  }
0x3: {  	_ = 	snop  }
0x4: {  	_ = 	snop  }
0x5: {  	_ = 	snop  }
0x6: {  	_ = 	snop  }
0x7: {  	_ = 	snop  }
__scs_overlays_trampoline_lowered:
0x8: {  	[smem:$0x3FAE] =	sst s0  }
0x9: {  	[smem:$0x3FAF] =	sst s1  }
0xa: {  	[smem:$0x3FB0] =	sst s2  }
0xb: {  	[smem:$0x3FB1] =	sst s3  }
0xc: {  	[smem:$0x3FB2] =	sst s4  }
0xd: {  	[smem:$0x3FB3] =	sst s5  }
0xe: {  	[smem:$0x3FB4] =	sst s6  }
0xf: {  	[smem:$0x3FB5] =	sst s7  }
0x10: {  	[smem:$0x3FB6] =	sst s8  }
0x11: {  	[smem:$0x3FB7] =	sst s9;
	s0 =	simm.s32 @!p0 $0x0  }
0x12: {  	s1 =	sld [smem:$0x3F9D];
	s0 =	simm.s32 @p0 $0x1  }
0x13: {  	[smem:$0x3FB8] =	sst s0;
	s0 =	simm.s32 @!p1 $0x0  }
0x14: {  	s2 =	sld [smem:$0x3F9C];
	s0 =	simm.s32 @p1 $0x1  }
0x15: {  	[smem:$0x3FB9] =	sst s0;
	s0 =	simm.s32 @!p2 $0x0  }
0x16: {  	s3 =	sld [smem:$0x3FDB];
	s0 =	simm.s32 @p2 $0x1  }
0x17: {  	s4 =	simm.s32 $0x1BF5;
	[smem:$0x3FBB] =	sst s0  }
0x18: {  	s0 =	sld [smem:$0x3F9E];
	_ =	swait.ge [sflag:s4], $0x0  }
0x19: {  	s7 =	sld [smem:$0x3F9F]  }
0x1a: {  	s8 =	sadd.s32 $0xFFFFE003, lr  }
0x1b: {  	s9 =	sadd.s32 $0xFFFFFEF7, lr;
	s5 =	simm.s32 $0xFFFFFFFF;
	p2 =	slt.u32 s8, $0xFFFFF086  }
0x1c: {  	p1 =	slt.u32 s9, $0xF7A;
	s5 =	simm.s32 @!p2 $0x0  }
0x1d: {  	s5 =	simm.s32 @p1 $0x1;
	p0 =	seq.s32 s7, s2  }
0x1e: {  	s7 =	smul.u32 @!p0 $0xF7A, s2;
	p2 =	seq.s32 @!p0 s5, $0x0  }
0x1f: {  	s9 =	smul.u32 $0xF7A, s1;
	s8 =	simm.s32 @!p0 $0x1BF5;
	p2 =	por !p2, p0  }
0x20: {  	[sflag:s8] =	ssyncset.s32 @!p0 $0xFFFFF086;
	s6 =	sadd.s32 @!p0 s3, s7;
	s7 =	simm.s32 @!p0 $0x108  }
0x21: {  	s3 =	sadd.s32 s3, s9;
	s6 =	sadd.s32 @!p0 $0x88, s6;
	s7 =	simm.s32 @p2 $0x1082  }
0x22: {  	[simem:s7], [sflag:s8] =	dma.local @!p0 [hbm:s6], $0xF7A  }
0x23: {  	s9 =	sor.u32 $0xD0000000, s2;
	s6 =	simm.s32 $0x108;
	_ =	swait.ge @!p0 [sflag:s8], $0x0  }
0x24: {  	s3 =	sadd.s32 $0x88, s3;
	s6 =	simm.s32 @!p1 $0x1082;
	[sflag:s4] =	ssyncset.s32 $0xFFFFF086  }
0x25: {  	[simem:s6], [sflag:s4] =	dma.local [hbm:s3], $0xF7A  }
0x26: {  	[smem:$0x3F9F] =	sst s1;
	(tag) =	ssettag s2;
	_ =	strace s9  }
0x27: {  	s1 =	sld [smem:$0x3FAF]  }
0x28: {  	s2 =	sld [smem:$0x3FB0]  }
0x29: {  	s4 =	sld [smem:$0x3FB2]  }
0x2a: {  	p0 =	seq.s32 s5, $0x0;
	s5 =	sld [smem:$0x3FB3]  }
0x2b: {  	s6 =	sld [smem:$0x3FB4]  }
0x2c: {  	s7 =	sld [smem:$0x3FB5]  }
0x2d: {  	s3 =	simm.s32 $0x108;
	s8 =	sld [smem:$0x3FB6]  }
0x2e: {  	s3 =	simm.s32 @!p0 $0x1082;
	s9 =	sld [smem:$0x3FB7]  }
0x2f: {  	lr =	sadd.s32 s0, s3;
	s0 =	sld [smem:$0x3FAE]  }
0x30: {  	s3 =	sld [smem:$0x3FB1]  }
0x31: {  	[smem:$0x3FBA] =	sst s10  }
0x32: {  	s10 =	sld [smem:$0x3FB8];
	_ =	sdelay $0x3  }
0x33: {  	p0 =	seq.s32 s10, $0x1;
	s10 =	sld [smem:$0x3FBA];
	_ =	sdelay $0x3  }
0x34: {  	[smem:$0x3FBA] =	sst s10  }
0x35: {  	s10 =	sld [smem:$0x3FB9];
	_ =	sdelay $0x3  }
0x36: {  	p1 =	seq.s32 s10, $0x1;
	s10 =	sld [smem:$0x3FBA];
	_ =	sdelay $0x3  }
0x37: {  	[smem:$0x3FBA] =	sst s10  }
0x38: {  	s10 =	sld [smem:$0x3FBB]  }
0x39: {  	_ = 	snop;
	(pc) =	sbr.ind lr, $3  }
0x3a: {  	_ = 	snop  }
0x3b: {  	_ = 	snop  }
0x3c: {  	p2 =	seq.s32 s10, $0x1;
	s10 =	sld [smem:$0x3FBA]  }
0x3d: {  	_ =	shalt  }
0x3e: {  	_ =	shalt  }
0x3f: {  	_ =	shalt  }
0x40: {  	_ =	shalt  }
0x41: {  	_ =	shalt  }
0x42: {  	_ =	shalt  }
0x43: {  	_ =	shalt  }
0x44: {  	_ =	shalt  }
0x45: {  	_ =	shalt  }
0x46: {  	_ =	shalt  }
0x47: {  	_ =	shalt  }
0x48: {  	_ =	shalt  }
0x49: {  	_ =	shalt  }
0x4a: {  	_ =	shalt  }
0x4b: {  	_ =	shalt  }
0x4c: {  	_ =	shalt  }
0x4d: {  	_ =	shalt  }
0x4e: {  	_ =	shalt  }
0x4f: {  	_ =	shalt  }
0x50: {  	_ =	shalt  }
0x51: {  	_ =	shalt  }
0x52: {  	_ =	shalt  }
0x53: {  	_ =	shalt  }
0x54: {  	_ =	shalt  }
0x55: {  	_ =	shalt  }
0x56: {  	_ =	shalt  }
0x57: {  	_ =	shalt  }
0x58: {  	_ =	shalt  }
0x59: {  	_ =	shalt  }
0x5a: {  	_ =	shalt  }
0x5b: {  	_ =	shalt  }
0x5c: {  	_ =	shalt  }
0x5d: {  	_ =	shalt  }
0x5e: {  	_ =	shalt  }
0x5f: {  	_ =	shalt  }
0x60: {  	_ =	shalt  }
0x61: {  	_ =	shalt  }
0x62: {  	_ =	shalt  }
0x63: {  	_ =	shalt  }
0x64: {  	_ =	shalt  }
0x65: {  	_ =	shalt  }
0x66: {  	_ =	shalt  }
0x67: {  	_ =	shalt  }
0x68: {  	_ =	shalt  }
0x69: {  	_ =	shalt  }
0x6a: {  	_ =	shalt  }
0x6b: {  	_ =	shalt  }
0x6c: {  	_ =	shalt  }
0x6d: {  	_ =	shalt  }
0x6e: {  	_ =	shalt  }
0x6f: {  	_ =	shalt  }
0x70: {  	_ =	shalt  }
0x71: {  	_ =	shalt  }
0x72: {  	_ =	shalt  }
0x73: {  	_ =	shalt  }
0x74: {  	_ =	shalt  }
0x75: {  	_ =	shalt  }
0x76: {  	_ =	shalt  }
0x77: {  	_ =	shalt  }
0x78: {  	_ =	shalt  }
0x79: {  	_ =	shalt  }
0x7a: {  	_ =	shalt  }
0x7b: {  	_ =	shalt  }
0x7c: {  	_ =	shalt  }
0x7d: {  	_ =	shalt  }
0x7e: {  	_ =	shalt  }
0x7f: {  	_ =	shalt  }
0x80: {  	_ =	shalt  }
0x81: {  	_ =	shalt  }
0x82: {  	_ =	shalt  }
0x83: {  	_ =	shalt  }
0x84: {  	_ =	shalt  }
0x85: {  	_ =	shalt  }
0x86: {  	_ =	shalt  }
0x87: {  	_ =	shalt  }
.Lfunc_end0:
.L_simem_size_0:
called_computation_lowered:
.L_overlay_start_0:
0x88: {  	s2 =	sld [smem:$0x3FD9]  }
0x89: {  	s3 =	sld [smem:$0x3FFE];
	_ =	sdelay $0x1  }
0x8a: {  	s1 =	srdreg.scid  }
0x8b: {  	s0 =	sand.u32 $0x1, s1  }
0x8c: {  	s17 =	sshll.u32 s0, $0xA;
	s2 =	sadd.s32 s3, s2  }
0x8d: {  	s2 =	sadd.s32 s2, s17  }
0x8e: {  	[smem:$0x3FC6] =	sst s2  }
0x8f: {  	_ = 	snop  }
0x90: {  	s2 =	sld [smem:$0x3FC9]  }
0x91: {  	s18 =	sld [smem:$0x3FC8]  }
0x92: {  	s4 =	sld [smem:$0x3FD0];
	(tm) =	ssettm $0x1  }
0x93: {  	s5 =	sld [smem:$0x3FFB];
	_ =	sdelay $0x3  }
0x94: {  	_ =	strace s5  }
0x95: {  	s5 =	sld [smem:$0x3FFC];
	_ =	sdelay $0x3  }
0x96: {  	_ =	strace s5  }
0x97: {  	s5 =	sld [smem:$0x3FFD];
	_ =	sdelay $0x3  }
0x98: {  	_ =	strace s5  }
0x99: {  	_ =	strace $0x8FFFFFFF  }
0x9a: {  	s19 =	sld [smem:$0x3FDB];
	_ =	sdelay $0x1  }
0x9b: {  	s6 =	simm.s32 $_scs_section_size  }
0x9c: {  	s7 =	simm.s32 $_size__tile_overlayer_lowered;
	s8 =	simm.s32 $_tile_overlayer_lowered  }
0x9d: {  	s22 =	simm.s32 $0x1BFF;
	s21 =	sshll.u32 s8, $0x1;
	s5 =	sadd.s32 s6, s19  }
0x9e: {  	s9 =	simm.s32 $0x0;
	s20 =	sshll.u32 s7, $0x1;
	s7 =	sadd.s32 s21, s5  }
0x9f: {  	[timem:s9], [sflag:s22] =	dma.local [hbm:s7], s20  }
0xa0: {  	_ =	swait.ge [sflag:s22], s20  }
0xa1: {  	s6 =	ssub.s32 $0x0, s20;
	[sflag:s22] =	ssyncset.done $0x0  }
0xa2: {  	[sflag:s22] =	ssyncadd.s32 s6;
	_ =	sdelay $0x1  }
0xa3: {  	s23 =	simm.s32 $0x1B8B  }
0xa4: {  	_ =	swait.ge [sflag:s23], $0x1  }
0xa5: {  	[sflag:s23] =	ssyncset.done $0x0  }
0xa6: {  	s25 =	simm.s32 $0x1B8E;
	s24 =	sld [smem:$0x3FFE];
	[sflag:s23] =	ssyncadd.s32 $0xFFFFFFFF  }
0xa7: {  	s26 =	simm.s32 $execute0_lowered;
	[smem:$0x3FD2] =	sst s25  }
0xa8: {  	s7 =	sshll.u32 s26, $0x1;
	_ =	strace $0x80000046;
	[dreg:$0x1] =	wrdreg $0xFFFFFFFF  }
0xa9: {  	s28 =	simm.s32 $_size_execute0_lowered;
	s5 =	sadd.s32 s5, s7;
	[dreg:$0x0] =	wrdreg $0x0  }
0xaa: {  	s7 =	sshll.u32 s28, $0x1;
	[dreg:$0x2] =	wrdreg s5  }
0xab: {  	[dreg:$0x3] =	wrdreg s7  }
0xac: {  	[dreg:$0x4] =	wrdreg $0xC0  }
0xad: {  	_ =	task [dreg:s9], $0x5FFFF  }
0xae: {  	[dreg:$0x1] =	wrdreg $0xFFFFFFFF  }
0xaf: {  	[dreg:$0x0] =	wrdreg $0x60  }
0xb0: {  	[dreg:$0x2] =	wrdreg s2  }
0xb1: {  	[dreg:$0x3] =	wrdreg s18  }
0xb2: {  	[dreg:$0x4] =	wrdreg s24  }
0xb3: {  	[dreg:$0x5] =	wrdreg s4  }
0xb4: {  	[dreg:$0x6] =	wrdreg $0x9  }
0xb5: {  	_ =	task.clear_ibuf [dreg:s9], $0x7FFFF;
	_ =	strace $0x90000046  }
0xb6: {  	s29 =	simm.s32 $0x9;
	_ =	strace $0x80000048  }
0xb7: {  	_ =	swait.ge [sflag:s29], $0x1  }
0xb8: {  	[sflag:s29] =	ssyncadd.s32 $0xFFFFFFFF  }
0xb9: {  	_ =	strace $0x90000048  }
0xba: {  	_ =	sfence  }
0xbb: {  	s30 =	sld [smem:$0x0];
	_ =	sdelay $0x2  }
0xbc: {  	s31 =	sshll.u32 s1, $0xD;
	s1 =	sshrl.u32 s1, $0x2  }
0xbd: {  	s3 =	sand.u32 $0x4000, s31;
	s1 =	sadd.s32 s1, s30  }
0xbe: {  	s0 =	sor.u32 s3, s0;
	s1 =	sshll.u32 s1, $0x11  }
0xbf: {  	s0 =	sor.u32 s1, s0  }
0xc0: {  	s0 =	sadd.s32 $0x8F2B, s0  }
0xc1: {  	[sflag:s0] =	ssyncadd.remote.s32 $0x1  }
0xc2: {  	_ =	sfence.sel $0xFFFF  }
0xc3: {  	[dreg:$0x0] =	wrdreg $0xFFFFFFFF;
	(pc) =	sbr.abs _section_cstart, $3  }
0xc4: {  	[dreg:$0x1] =	wrdreg $0xFFFFFFFF  }
0xc5: {  	_ =	task.clear_ibuf [dreg:s9], $0x2FFFF;
	_ =	strace $0x9FFFFFFF  }
0xc6: {  	(tm) =	ssettm $0x7FFFFFFF  }
0xc7: {  	_ =	shalt  }
tec
execute0_lowered:
.L_overlay_start_1:
0x0: {  	(tag) =	ssettag $0x1  }
0x1: {  	s7 =	rddreg [dreg:$0x0]  }
0x2: {  	s0 =	rddreg [dreg:$0x1]  }
0x3: {  	s1 =	rddreg [dreg:$0x2]  }
0x4: {  	s19 =	rddreg [dreg:$0x3]  }
0x5: {  	s4 =	stileid.u32;
	s2 =	srdreg.scid;
	s5 =	simm.s32 $0x0  }
0x6: {  	s3 =	sshll.u32 s4, $0x1;
	s2 =	sand.u32 $0x1, s2;
	[smem:$0x7FF] =	sst s5  }
0x7: {  	s4 =	sshrl.u32 s4, $0x2;
	s1 =	sadd.s32 $0x400, s1;
	s3 =	sand.u32 $0x6, s3  }
0x8: {  	_ =	strace $0x80000047;
	s23 =	sshll.u32 s4, $0x15;
	s3 =	sor.u32 s2, s3  }
0x9: {  	[dreg:$0x5] =	wrdreg s1;
	s2 =	ssub.s32 $0x2, s2;
	s3 =	sshll.u32 s3, $0xD  }
0xa: {  	s24 =	sshll.u32 s4, $0x11;
	s26 =	sshrl.u32 s2, $0x1;
	s6 =	sor.u32 s23, s3  }
0xb: {  	s1 =	sor.u32 s24, s3;
	s2 =	ssub.s32 s2, s26;
	s29 =	sor.u32 $0x40000, s6  }
0xc: {  	s1 =	sshrl.u32 s1, $0x3;
	s30 =	sor.u32 $0x60000, s6;
	[dreg:$0x9] =	wrdreg s29  }
.Ltmp0:
0xd: {  	s31 =	smax.u32 s2, $0x1;
	[dreg:$0xa] =	wrdreg s30;
	(pc) =	sbr.rel .LBB2_1-.Ltmp0, $4  }
0xe: {  	s25 =	sshrl.u32 s6, $0x3;
	s0 =	sadd.s32 s0, s1;
	[dreg:$0xb] =	wrdreg s31  }
0xf: {  	s3 =	sadd.s32 s7, s25;
	[dreg:$0x7] =	wrdreg s0  }
0x10: {  	s15 =	simm.s32 $0x2000;
	[dreg:$0x6] =	wrdreg s3;
	s28 =	sadd.s32 $0x4000, s3  }
0x11: {  	s16 =	simm.s32 $0x10000;
	s2 =	simm.s32 $0x0;
	[dreg:$0x8] =	wrdreg s28  }
.LBB2_8:
0x12: {  	s0 =	simm.s32 $0x3  }
0x13: {  	_ =	swait.ge [sflag:s0], $0x4000  }
0x14: {  	[sflag:s0] =	ssyncset.done $0x0  }
0x15: {  	s1 =	simm.s32 $0x4;
	[sflag:s0] =	ssyncadd.s32 $0xFFFFC000  }
0x16: {  	_ =	swait.ge [sflag:s1], $0x4000  }
0x17: {  	s2 =	rddreg [dreg:$0xc]  }
0x18: {  	s31 =	rddreg [dreg:$0xb];
	s2 =	sadd.s32 $0x1, s2  }
0x19: {  	p0 =	sne.s32 s2, s31  }
.Ltmp1:
0x1a: {  	_ = 	snop;
	(pc) =	sbr.rel @!p0 .LBB2_9-.Ltmp1, $3  }
0x1b: {  	_ =	sdelay $0x1  }
0x1c: {  	[sflag:s1] =	ssyncset.done $0x0  }
0x1d: {  	[sflag:s1] =	ssyncadd.s32 $0xFFFFC000  }
.LBB2_1:
0x1e: {  	[dreg:$0xc] =	wrdreg s2;
	s0 =	simm.s32 $0x0  }
0x1f: {  	s1 =	rddreg [dreg:$0x5];
	s24 =	simm.s32 $0x14000;
	s25 =	simm.s32 $0x5  }
0x20: {  	[tilespmem:s24], [sflag:$0x5] =	stream.linear.gather [hbm4b:s1+s0], $0x180, $0x38;
	[tilespmem:$0x14200] =	vst v63  }
0x21: {  	_ =	swait.ge [sflag:s25], $0x180  }
0x22: {  	[sflag:s25] =	ssyncset.done $0x0  }
0x23: {  	s26 =	rddreg [dreg:$0x7];
	[sflag:s25] =	ssyncadd.s32 $0xFFFFFE80  }
0x24: {  	[tilespmem:s0], [sflag:$0x5] =	stream.strided.gather [hbm4b:s26+s15], $0x4000, s16, s15, $0x38;
	[tilespmem:$0x14200] =	vst v63  }
0x25: {  	_ =	swait.ge [sflag:s25], $0x4000  }
0x26: {  	[sflag:s25] =	ssyncset.done $0x0  }
0x27: {  	[sflag:s25] =	ssyncadd.s32 $0xFFFFC000  }
0x28: {  	v0 =	vld [tilespmem:$0x14000]  }
0x29: {  	s29 =	simm.s32 $0x4000;
	s28 =	rddreg [dreg:$0x6];
	v1 =	vld [tilespmem:$0x14080]  }
0x2a: {  	v54 =	vld [tilespmem:$0x14100];
	[tilespmem:s29], [sflag:$0x1] =	stream.strided.gather [hbm4b:s28+s15], $0x4000, s16, s15, $0x38  }
0x2b: {  	s31 =	simm.s32 $0x8000;
	s30 =	rddreg [dreg:$0x8]  }
0x2c: {  	[tilespmem:s31], [sflag:$0x2] =	stream.strided.gather [hbm4b:s30+s15], $0x4000, s16, s15, $0x38;
	[tilespmem:$0x14200] =	vst v63  }
0x2d: {  	[tilespmem:$0x1FFD0] =	vst v0  }
0x2e: {  	[tilespmem:$0x1FFE0] =	vst v1  }
0x2f: {  	s25 =	simm.s32 $0x0;
	[tilespmem:$0x1FFF0] =	vst v54  }
.LBB2_2:
0x30: {  	p0 =	seq.s32 s25, $0x0  }
0x31: {  	s0 =	simm.s32 @!p0 $0x3  }
0x32: {  	_ =	swait.ge @!p0 [sflag:s0], $0x4000  }
0x33: {  	[sflag:s0] =	ssyncset.done @!p0 $0x0  }
0x34: {  	s13 =	simm.s32 $0x0;
	s3 =	simm.s32 $0x1;
	[sflag:s0] =	ssyncadd.s32 @!p0 $0xFFFFC000  }
0x35: {  	s1 =	sand.u32 $0x60, s13;
	_ =	swait.ge [sflag:s3], $0x4000  }
0x36: {  	s2 =	sand.u32 $0x1C00, s13;
	s4 =	sor.u32 $0x10, s1;
	[sflag:s3] =	ssyncset.done $0x0  }
0x37: {  	s8 =	sor.u32 s2, s4;
	[sflag:s3] =	ssyncadd.s32 $0xFFFFC000  }
0x38: {  	v3 =	vld [tilespmem:s8+$0x4000]  }
0x39: {  	s14 =	sshll.u32 s25, $0xB;
	s5 =	sshll.u32 s25, $0x8;
	v9 =	vld [tilespmem:s8+$0x4080]  }
0x3a: {  	s29 =	sand.u32 $0x2000, s14;
	s17 =	sand.u32 $0x300, s5;
	v11 =	vld [tilespmem:s8+$0x4100]  }
0x3b: {  	s28 =	sor.u32 s17, s29;
	v12 =	vld [tilespmem:s8+$0x4180]  }
0x3c: {  	s3 =	sadd.s32 s2, s28;
	v13 =	vld [tilespmem:s8+$0x4200]  }
0x3d: {  	s4 =	sadd.s32 s4, s3;
	v14 =	vld [tilespmem:s8+$0x4280]  }
0x3e: {  	v15 =	vld [tilespmem:s4+$0x0]  }
0x3f: {  	s18 =	sand.u32 $0x3, s13;
	v10 =	vld [tilespmem:s8+$0x6000]  }
0x40: {  	v7 =	vld [tilespmem:s8+$0x6080];
	s4 =	sshll.u32 s18, $0x5  }
0x41: {  	v4 =	vld [tilespmem:s8+$0x6100];
	s4 =	sadd.s32 $0x0, s4  }
0x42: {  	v6 =	vld [tilespmem:s8+$0x6180];
	s7 =	sadd.s32 $0x10, s4  }
0x43: {  	v5 =	vld [tilespmem:s8+$0x6200];
	s26 =	sor.u32 $0x300, s7;
	v8 =	vshrl.u32 v15, $0x1B  }
0x44: {  	s5 =	sor.u32 $0x380, s7;
	v16 =	vld [tilespmem:s26+$0x4000];
	v8 =	vand.u32 $0x10, v8  }
0x45: {  	s9 =	sor.u32 $0x2300, s7;
	v20 =	vld [tilespmem:s5+$0x4000];
	v17 =	vadd.s32 v15, v8  }
0x46: {  	s7 =	sor.u32 $0x2380, s7;
	v19 =	vld [tilespmem:s9+$0x4000];
	v18 =	vperm.xlane v0, v17  }
0x47: {  	v28 =	vld [tilespmem:s7+$0x4000];
	vm0 =	veq.s32 v15, $0x3;
	v15 =	vperm.xlane v1, v17;
	v17 =	vperm.xlane v54, v17  }
0x48: {  	v21 =	vmax.f32 v3, v18;
	v22 =	vmax.f32 v9, v18;
	v23 =	vmax.f32 v11, v18  }
0x49: {  	v24 =	vmax.f32 v12, v18;
	v25 =	vmax.f32 v13, v18;
	v26 =	vmax.f32 v14, v18  }
0x4a: {  	v27 =	vmax.f32 v16, v18;
	v29 =	vmax.f32 v20, v18;
	v30 =	vmax.f32 v10, v18  }
0x4b: {  	v31 =	vmax.f32 v7, v18;
	v32 =	vmax.f32 v4, v18;
	v33 =	vmax.f32 v6, v18  }
0x4c: {  	v34 =	vmax.f32 v5, v18;
	v36 =	vmax.f32 v19, v18;
	v37 =	vmax.f32 v28, v18  }
0x4d: {  	v21 =	vmin.f32 v21, v15;
	v22 =	vmin.f32 v22, v15;
	v23 =	vmin.f32 v23, v15  }
0x4e: {  	v24 =	vmin.f32 v24, v15;
	v25 =	vmin.f32 v25, v15;
	v26 =	vmin.f32 v26, v15  }
0x4f: {  	v27 =	vmin.f32 v27, v15;
	v29 =	vmin.f32 v29, v15;
	v30 =	vmin.f32 v30, v15  }
0x50: {  	v8 =	vld [tilespmem:s8+$0x6280];
	v31 =	vmin.f32 v31, v15;
	v21 =	vsub.f32 v21, v18;
	v22 =	vsub.f32 v22, v18  }
0x51: {  	v32 =	vmin.f32 v32, v15;
	v23 =	vsub.f32 v23, v18;
	v24 =	vsub.f32 v24, v18  }
0x52: {  	v33 =	vmin.f32 v33, v15;
	v25 =	vsub.f32 v25, v18;
	v26 =	vsub.f32 v26, v18  }
0x53: {  	v34 =	vmin.f32 v34, v15;
	v27 =	vsub.f32 v27, v18;
	v29 =	vsub.f32 v29, v18  }
0x54: {  	v36 =	vmin.f32 v36, v15;
	v30 =	vsub.f32 v30, v18;
	v31 =	vsub.f32 v31, v18  }
0x55: {  	v35 =	vmax.f32 v8, v18;
	v32 =	vsub.f32 v32, v18;
	v33 =	vsub.f32 v33, v18  }
0x56: {  	v34 =	vsub.f32 v34, v18;
	v35 =	vmin.f32 v35, v15;
	v21 =	vmul.f32 v21, v17  }
0x57: {  	v36 =	vsub.f32 v36, v18;
	v15 =	vmin.f32 v37, v15;
	v35 =	vsub.f32 v35, v18  }
0x58: {  	v22 =	vmul.f32 v22, v17;
	v15 =	vsub.f32 v15, v18;
	v18 =	vadd.f32 $1.258291200e+07, v21  }
0x59: {  	v24 =	vmul.f32 v24, v17;
	v25 =	vmul.f32 v25, v17  }
0x5a: {  	v26 =	vmul.f32 v26, v17;
	v22 =	vadd.f32 $1.258291200e+07, v22;
	v18 =	vadd.f32 $-1.258291200e+07, v18  }
0x5b: {  	s3 =	sadd.s32 s1, s3;
	v27 =	vmul.f32 v27, v17;
	v24 =	vadd.f32 $1.258291200e+07, v24;
	v43 =	vmul.f32 v15, v17  }
0x5c: {  	v2 =	vmovc v0;
	v59 =	vld [tilespmem:s3+$0x0];
	s22 =	sor.u32 $0x300, s4;
	v15 =	vadd.f32 $1.258291200e+07, v25;
	v22 =	vadd.f32 $-1.258291200e+07, v22;
	v0 =	vsel vm0, v3, v18  }
0x5d: {  	s30 =	sor.u32 $0x2300, s4;
	v37 =	vld [tilespmem:s22+$0x4000];
	v25 =	vadd.f32 $1.258291200e+07, v26;
	v26 =	vadd.f32 $-1.258291200e+07, v24;
	[tilespmem:$0x1FE40] =	vst v0  }
0x5e: {  	s31 =	sor.u32 s1, s2;
	v15 =	vadd.f32 $-1.258291200e+07, v15;
	v24 =	vsel vm0, v9, v22;
	v22 =	vadd.f32 $1.258291200e+07, v27;
	v0 =	vld [tilespmem:s30+$0x4000]  }
0x5f: {  	v23 =	vmul.f32 v23, v17;
	v25 =	vadd.f32 $-1.258291200e+07, v25;
	v3 =	vsel vm0, v12, v26;
	v38 =	vld [tilespmem:s31+$0x4000]  }
0x60: {  	v29 =	vmul.f32 v29, v17;
	v39 =	vld [tilespmem:s31+$0x4080];
	[tilespmem:$0x1FE50] =	vst v3;
	v22 =	vadd.f32 $-1.258291200e+07, v22;
	v3 =	vsel vm0, v13, v15  }
0x61: {  	v30 =	vmul.f32 v30, v17;
	v31 =	vmul.f32 v31, v17;
	v41 =	vld [tilespmem:s31+$0x4100];
	[tilespmem:$0x1FE60] =	vst v3;
	v3 =	vsel vm0, v14, v25  }
0x62: {  	s0 =	sor.u32 s13, s13;
	v32 =	vmul.f32 v32, v17;
	v23 =	vadd.f32 $1.258291200e+07, v23;
	v40 =	vld [tilespmem:s31+$0x4180];
	[tilespmem:$0x1FE70] =	vst v3;
	v3 =	vsel vm0, v16, v22  }
0x63: {  	s12 =	sor.u32 $0x380, s0;
	v56 =	vmul.f32 v34, v17;
	v58 =	vmul.f32 v36, v17;
	v12 =	vadd.f32 $1.258291200e+07, v30;
	v42 =	vld [tilespmem:s31+$0x4200];
	[tilespmem:$0x1FE80] =	vst v3  }
0x64: {  	v21 =	vmul.f32 v33, v17;
	v57 =	vmul.f32 v35, v17;
	v17 =	vadd.f32 $-1.258291200e+07, v23;
	v13 =	vld [tilespmem:s12+$0x4000]  }
0x65: {  	v12 =	vadd.f32 $-1.258291200e+07, v12  }
0x66: {  	v23 =	vsel vm0, v11, v17;
	v11 =	vadd.f32 $1.258291200e+07, v29  }
0x67: {  	v3 =	vsel vm0, v10, v12  }
0x68: {  	v11 =	vadd.f32 $-1.258291200e+07, v11;
	v14 =	vadd.f32 $1.258291200e+07, v32;
	v48 =	vld [tilespmem:s31+$0x4280];
	[tilespmem:$0x1FE90] =	vst v3  }
0x69: {  	v15 =	vadd.f32 $1.258291200e+07, v31;
	[tilespmem:$0x1FF50] =	vst v13  }
0x6a: {  	v22 =	vsel vm0, v20, v11;
	v20 =	vadd.f32 $-1.258291200e+07, v14;
	v14 =	vld [tilespmem:s31+$0x6000]  }
0x6b: {  	v15 =	vadd.f32 $-1.258291200e+07, v15;
	_ =	sdelay $0x1  }
0x6c: {  	v3 =	vsel vm0, v7, v15  }
0x6d: {  	[tilespmem:$0x1FEA0] =	vst v3  }
0x6e: {  	[tilespmem:$0x1FF80] =	vst v14  }
0x6f: {  	v9 =	vld [tilespmem:s31+$0x6080]  }
0x70: {  	v21 =	vadd.f32 $1.258291200e+07, v21  }
0x71: {  	v29 =	vshrl.u32 v59, $0x1B;
	v11 =	vadd.f32 $1.258291200e+07, v56;
	v10 =	vadd.f32 $1.258291200e+07, v57  }
0x72: {  	v29 =	vand.u32 $0x10, v29;
	v12 =	vadd.f32 $-1.258291200e+07, v21;
	v7 =	vadd.f32 $1.258291200e+07, v58  }
0x73: {  	v29 =	vadd.s32 v59, v29;
	v21 =	vadd.f32 $-1.258291200e+07, v11;
	v30 =	vadd.f32 $-1.258291200e+07, v10  }
0x74: {  	v25 =	vsel vm0, v4, v20;
	v4 =	vsel vm0, v6, v12;
	v31 =	vadd.f32 $-1.258291200e+07, v7;
	[tilespmem:$0x1FFC0] =	vst v9  }
0x75: {  	v27 =	vsel vm0, v8, v30;
	v30 =	vperm.xlane v2, v29;
	v3 =	vld [tilespmem:s31+$0x6100];
	[tilespmem:$0x1FEB0] =	vst v4;
	v4 =	vsel vm0, v5, v21  }
0x76: {  	v6 =	vld [tilespmem:s31+$0x6180];
	[tilespmem:$0x1FEC0] =	vst v4;
	v4 =	vsel vm0, v19, v31;
	v31 =	vperm.xlane v1, v29  }
0x77: {  	v44 =	vmax.f32 v13, v30  }
0x78: {  	vm1 =	veq.s32 v59, $0x3;
	v20 =	vadd.f32 $1.258291200e+07, v43;
	v44 =	vmin.f32 v44, v31  }
0x79: {  	v36 =	vperm.xlane v54, v29;
	v45 =	vmax.f32 v14, v30;
	v7 =	vld [tilespmem:s31+$0x6200];
	v44 =	vsub.f32 v44, v30  }
0x7a: {  	s0 =	sor.u32 $0x2380, s0;
	v60 =	vadd.f32 $-1.258291200e+07, v20;
	v52 =	vmax.f32 v0, v30;
	v8 =	vld [tilespmem:s31+$0x6280];
	[tilespmem:$0x1FED0] =	vst v4;
	v45 =	vmin.f32 v45, v31  }
0x7b: {  	v46 =	vmax.f32 v9, v30;
	v4 =	vld [tilespmem:s0+$0x4000];
	[tilespmem:$0x1FE20] =	vst v0;
	v45 =	vsub.f32 v45, v30;
	v0 =	vmul.f32 v44, v36  }
0x7c: {  	v26 =	vsel vm0, v28, v60;
	v28 =	vmax.f32 v38, v30;
	v46 =	vmin.f32 v46, v31  }
0x7d: {  	v46 =	vsub.f32 v46, v30;
	v47 =	vmax.f32 v3, v30;
	[tilespmem:$0x1FF00] =	vst v0;
	v0 =	vmul.f32 v45, v36  }
0x7e: {  	v61 =	vmax.f32 v41, v30;
	v62 =	vmax.f32 v40, v30;
	v47 =	vmin.f32 v47, v31  }
0x7f: {  	v49 =	vmax.f32 v6, v30;
	v47 =	vsub.f32 v47, v30;
	[tilespmem:$0x1FF10] =	vst v0;
	v0 =	vmul.f32 v46, v36  }
0x80: {  	v63 =	vmax.f32 v42, v30;
	v56 =	vmax.f32 v48, v30;
	v49 =	vmin.f32 v49, v31  }
0x81: {  	v50 =	vmax.f32 v7, v30;
	v49 =	vsub.f32 v49, v30;
	[tilespmem:$0x1FF30] =	vst v0;
	v0 =	vmul.f32 v47, v36  }
0x82: {  	v57 =	vmax.f32 v37, v30;
	v29 =	vmax.f32 v39, v30;
	v50 =	vmin.f32 v50, v31  }
0x83: {  	v51 =	vmax.f32 v8, v30;
	v50 =	vsub.f32 v50, v30;
	[tilespmem:$0x1FF40] =	vst v0;
	v0 =	vmul.f32 v49, v36  }
0x84: {  	v28 =	vmin.f32 v28, v31;
	v29 =	vmin.f32 v29, v31;
	v51 =	vmin.f32 v51, v31  }
0x85: {  	s1 =	simm.s32 $0x100;
	s3 =	simm.s32 $0x20;
	v32 =	vmin.f32 v61, v31;
	v51 =	vsub.f32 v51, v30;
	[tilespmem:$0x1FF60] =	vst v0;
	v0 =	vmul.f32 v50, v36  }
0x86: {  	s23 =	sand.u32 $0x1C00, s1;
	s17 =	sand.u32 $0x60, s3;
	v33 =	vmin.f32 v62, v31;
	v34 =	vmin.f32 v63, v31;
	v52 =	vmin.f32 v52, v31  }
0x87: {  	s21 =	sadd.s32 s23, s28;
	s20 =	sor.u32 $0x10, s17;
	v52 =	vsub.f32 v52, v30;
	v53 =	vmax.f32 v4, v30;
	[tilespmem:$0x1FF70] =	vst v0;
	v0 =	vmul.f32 v51, v36  }
0x88: {  	s10 =	sadd.s32 s20, s21;
	v35 =	vmin.f32 v56, v31;
	v43 =	vmin.f32 v57, v31;
	[tilespmem:$0x1FE30] =	vst v4;
	v31 =	vmin.f32 v53, v31  }
0x89: {  	v32 =	vsub.f32 v32, v30;
	v59 =	vsub.f32 v31, v30;
	v49 =	vld [tilespmem:s10+$0x0];
	[tilespmem:$0x1FF90] =	vst v0;
	v0 =	vmul.f32 v52, v36  }
0x8a: {  	s14 =	sor.u32 s23, s20;
	v33 =	vsub.f32 v33, v30;
	v35 =	vsub.f32 v35, v30  }
0x8b: {  	v28 =	vsub.f32 v28, v30;
	v32 =	vmul.f32 v32, v36;
	v55 =	vld [tilespmem:s14+$0x4000];
	[tilespmem:$0x1FFA0] =	vst v0;
	v0 =	vmul.f32 v59, v36  }
0x8c: {  	s13 =	simm.s32 $0x1;
	v34 =	vsub.f32 v34, v30;
	v33 =	vmul.f32 v33, v36;
	v54 =	vmul.f32 v35, v36;
	v53 =	vld [tilespmem:s14+$0x4080]  }
0x8d: {  	v28 =	vmul.f32 v28, v36;
	v62 =	vadd.f32 $1.258291200e+07, v32;
	s10 =	sand.u32 $0x3, s13;
	[tilespmem:$0x1FFB0] =	vst v0;
	v0 =	vld [tilespmem:$0x1FFF0]  }
0x8e: {  	v58 =	vmul.f32 v34, v36;
	v63 =	vadd.f32 $1.258291200e+07, v33;
	v33 =	vadd.f32 $1.258291200e+07, v54;
	s2 =	sshll.u32 s10, $0x5;
	v54 =	vld [tilespmem:s14+$0x4100]  }
0x8f: {  	v43 =	vsub.f32 v43, v30;
	v60 =	vadd.f32 $1.258291200e+07, v28;
	s2 =	sadd.s32 $0x100, s2;
	v56 =	vld [tilespmem:s14+$0x4180]  }
0x90: {  	vm0 =	vmmov vm1;
	v32 =	vadd.f32 $1.258291200e+07, v58;
	v57 =	vadd.f32 $-1.258291200e+07, v62;
	s11 =	sadd.s32 $0x10, s2;
	v58 =	vld [tilespmem:s14+$0x4200]  }
0x91: {  	v29 =	vsub.f32 v29, v30;
	v43 =	vmul.f32 v43, v36;
	v34 =	vadd.f32 $-1.258291200e+07, v60;
	s24 =	sor.u32 $0x300, s11;
	v60 =	vld [tilespmem:s14+$0x4280]  }
0x92: {  	v44 =	vsel vm0, v41, v57;
	v50 =	vadd.f32 $-1.258291200e+07, v63;
	v52 =	vshrl.u32 v49, $0x1B;
	v57 =	vld [tilespmem:s24+$0x4000]  }
0x93: {  	v29 =	vmul.f32 v29, v36;
	v63 =	vand.u32 $0x10, v52;
	v52 =	vld [tilespmem:s14+$0x6000]  }
0x94: {  	v43 =	vadd.f32 $1.258291200e+07, v43;
	v45 =	vsel vm0, v40, v50;
	v59 =	vadd.f32 $-1.258291200e+07, v33;
	s18 =	sor.u32 $0x2300, s11;
	v50 =	vld [tilespmem:s14+$0x6080]  }
0x95: {  	v61 =	vadd.f32 $1.258291200e+07, v29;
	v51 =	vadd.f32 $-1.258291200e+07, v32;
	s20 =	sor.u32 $0x380, s11;
	v4 =	vld [tilespmem:s18+$0x4000]  }
0x96: {  	v46 =	vsel vm0, v38, v34;
	v38 =	vadd.f32 $-1.258291200e+07, v43;
	v33 =	vsel vm0, v48, v59;
	v59 =	vld [tilespmem:s20+$0x4000]  }
0x97: {  	v43 =	vsel vm0, v42, v51;
	v51 =	vld [tilespmem:s14+$0x6100]  }
0x98: {  	v35 =	vadd.f32 $-1.258291200e+07, v61;
	v41 =	vsel vm0, v37, v38;
	v38 =	vld [tilespmem:s14+$0x6200]  }
0x99: {  	v5 =	vld [tilespmem:s14+$0x6280]  }
0x9a: {  	v47 =	vsel vm0, v39, v35;
	s11 =	sor.u32 $0x2380, s11;
	vm2 =	veq.s32 v49, $0x3;
	v39 =	vadd.s32 v49, v63;
	v49 =	vld [tilespmem:s14+$0x6180];
	[tilespmem:$0x1FF20] =	vst v4  }
0x9b: {  	v62 =	vperm.xlane v0, v39;
	v0 =	vld [tilespmem:s11+$0x4000];
	_ =	sdelay $0x1  }
0x9c: {  	v61 =	vperm.xlane v2, v39;
	_ =	sdelay $0x1  }
0x9d: {  	v48 =	vperm.xlane v1, v39;
	v37 =	vmax.f32 v55, v61  }
0x9e: {  	v9 =	vmax.f32 v60, v61;
	v10 =	vmax.f32 v57, v61;
	v29 =	vmax.f32 v0, v61  }
0x9f: {  	v11 =	vmin.f32 v37, v48;
	v21 =	vmin.f32 v9, v48;
	v29 =	vmin.f32 v29, v48  }
0xa0: {  	v20 =	vmin.f32 v10, v48;
	v9 =	vmax.f32 v49, v61;
	v29 =	vsub.f32 v29, v61  }
0xa1: {  	v15 =	vsub.f32 v11, v61;
	v11 =	vmin.f32 v9, v48;
	v9 =	vmax.f32 v5, v61  }
0xa2: {  	v10 =	vmin.f32 v9, v48;
	v9 =	vmax.f32 v4, v61;
	v4 =	vmovc v0;
	v0 =	vmul.f32 v29, v62;
	_ =	sdelay $0x1  }
0xa3: {  	[tilespmem:$0x1FEF0] =	vst v0;
	v0 =	vld [tilespmem:$0x1FE40];
	_ =	sdelay $0x2  }
0xa4: {  	[tilespmem:s8+$0xC080] =	vst v24  }
0xa5: {  	[tilespmem:s8+$0xC100] =	vst v23  }
0xa6: {  	[tilespmem:s8+$0xC000] =	vst v0  }
0xa7: {  	v0 =	vld [tilespmem:$0x1FE50];
	_ =	sdelay $0x4  }
0xa8: {  	[tilespmem:s8+$0xC180] =	vst v0  }
0xa9: {  	v0 =	vld [tilespmem:$0x1FE60];
	_ =	sdelay $0x4  }
0xaa: {  	[tilespmem:s8+$0xC200] =	vst v0  }
0xab: {  	v0 =	vld [tilespmem:$0x1FE70];
	_ =	sdelay $0x3  }
0xac: {  	v32 =	vmax.f32 v53, v61;
	v34 =	vmax.f32 v54, v61  }
0xad: {  	v35 =	vmax.f32 v56, v61;
	v63 =	vmax.f32 v58, v61;
	v12 =	vmin.f32 v32, v48;
	[tilespmem:s8+$0xC280] =	vst v0  }
0xae: {  	v32 =	vmax.f32 v59, v61;
	v13 =	vmin.f32 v34, v48;
	v17 =	vmin.f32 v35, v48;
	v0 =	vld [tilespmem:$0x1FE80]  }
0xaf: {  	v63 =	vmin.f32 v63, v48;
	v34 =	vmax.f32 v52, v61;
	v18 =	vmin.f32 v32, v48  }
0xb0: {  	v12 =	vsub.f32 v12, v61;
	v19 =	vmin.f32 v34, v48;
	v13 =	vsub.f32 v13, v61  }
0xb1: {  	v17 =	vsub.f32 v17, v61;
	v63 =	vsub.f32 v63, v61;
	v15 =	vmul.f32 v15, v62  }
0xb2: {  	v18 =	vsub.f32 v18, v61;
	v12 =	vmul.f32 v12, v62;
	v9 =	vmin.f32 v9, v48  }
0xb3: {  	v13 =	vmul.f32 v13, v62;
	v9 =	vsub.f32 v9, v61;
	v15 =	vadd.f32 $1.258291200e+07, v15;
	[tilespmem:s26+$0xC000] =	vst v0  }
0xb4: {  	v17 =	vmul.f32 v17, v62;
	v63 =	vmul.f32 v63, v62;
	v12 =	vadd.f32 $1.258291200e+07, v12;
	[tilespmem:s5+$0xC000] =	vst v22  }
0xb5: {  	v37 =	vmul.f32 v9, v62;
	v9 =	vadd.f32 $1.258291200e+07, v13;
	v13 =	vadd.f32 $-1.258291200e+07, v15;
	v0 =	vld [tilespmem:$0x1FE90]  }
0xb6: {  	v19 =	vsub.f32 v19, v61;
	v15 =	vadd.f32 $1.258291200e+07, v17  }
0xb7: {  	v12 =	vadd.f32 $-1.258291200e+07, v12;
	v42 =	vsel vm2, v55, v13;
	v13 =	vadd.f32 $1.258291200e+07, v63  }
0xb8: {  	s21 =	sadd.s32 s17, s21;
	v18 =	vmul.f32 v18, v62;
	v15 =	vadd.f32 $-1.258291200e+07, v15  }
0xb9: {  	v19 =	vmul.f32 v19, v62;
	v55 =	vsel vm2, v53, v12;
	v13 =	vadd.f32 $-1.258291200e+07, v13;
	v53 =	vld [tilespmem:s21+$0x0]  }
0xba: {  	v56 =	vsel vm2, v56, v15;
	v15 =	vadd.f32 $1.258291200e+07, v18;
	[tilespmem:s8+$0xE000] =	vst v0  }
0xbb: {  	v58 =	vsel vm2, v58, v13;
	v13 =	vadd.f32 $1.258291200e+07, v19;
	v0 =	vld [tilespmem:$0x1FEA0]  }
0xbc: {  	v15 =	vadd.f32 $-1.258291200e+07, v15  }
0xbd: {  	v36 =	vmax.f32 v51, v61;
	v19 =	vadd.f32 $-1.258291200e+07, v13  }
0xbe: {  	v28 =	vmax.f32 v38, v61;
	v59 =	vsel vm2, v59, v15;
	v15 =	vshrl.u32 v53, $0x1B  }
0xbf: {  	v35 =	vmax.f32 v50, v61;
	v40 =	vsel vm2, v52, v19;
	v19 =	vand.u32 $0x10, v15;
	[tilespmem:s8+$0xE100] =	vst v25  }
0xc0: {  	v14 =	vmin.f32 v36, v48;
	v20 =	vsub.f32 v20, v61;
	v52 =	vadd.s32 v53, v19;
	[tilespmem:s8+$0xE080] =	vst v0  }
0xc1: {  	v28 =	vmin.f32 v28, v48;
	v21 =	vsub.f32 v21, v61;
	v63 =	vperm.xlane v2, v52;
	v2 =	vld [tilespmem:$0x1FEB0]  }
0xc2: {  	v16 =	vmin.f32 v35, v48;
	v20 =	vmul.f32 v20, v62;
	v9 =	vadd.f32 $-1.258291200e+07, v9  }
0xc3: {  	v14 =	vsub.f32 v14, v61;
	v28 =	vsub.f32 v28, v61;
	v21 =	vmul.f32 v21, v62  }
0xc4: {  	v16 =	vsub.f32 v16, v61;
	v54 =	vsel vm2, v54, v9;
	v9 =	vadd.f32 $1.258291200e+07, v20  }
0xc5: {  	s4 =	sor.u32 $0x300, s2;
	v11 =	vsub.f32 v11, v61;
	v12 =	vadd.f32 $1.258291200e+07, v21  }
0xc6: {  	v14 =	vmul.f32 v14, v62;
	v28 =	vmul.f32 v28, v62;
	v17 =	vadd.f32 $-1.258291200e+07, v9;
	v9 =	vld [tilespmem:s4+$0x4000];
	[tilespmem:s8+$0xE180] =	vst v2  }
0xc7: {  	s17 =	sor.u32 s17, s23;
	v16 =	vmul.f32 v16, v62;
	v12 =	vadd.f32 $-1.258291200e+07, v12;
	v25 =	vperm.xlane v1, v52;
	v1 =	vld [tilespmem:$0x1FEC0]  }
0xc8: {  	v10 =	vsub.f32 v10, v61;
	v14 =	vadd.f32 $1.258291200e+07, v14;
	v18 =	vld [tilespmem:s17+$0x4000]  }
0xc9: {  	v20 =	vadd.f32 $1.258291200e+07, v28;
	v60 =	vsel vm2, v60, v12;
	v12 =	vadd.f32 $1.258291200e+07, v16;
	v16 =	vld [tilespmem:s17+$0x4100]  }
0xca: {  	v21 =	vadd.f32 $-1.258291200e+07, v14;
	v14 =	vld [tilespmem:s17+$0x4200]  }
0xcb: {  	v11 =	vmul.f32 v11, v62;
	v10 =	vmul.f32 v10, v62;
	v62 =	vadd.f32 $-1.258291200e+07, v20;
	v20 =	vld [tilespmem:s17+$0x6100];
	[tilespmem:s8+$0xE280] =	vst v27  }
0xcc: {  	v57 =	vsel vm2, v57, v17;
	v17 =	vld [tilespmem:s17+$0x4080];
	[tilespmem:s8+$0xE200] =	vst v1  }
0xcd: {  	s3 =	sor.u32 s3, s1;
	v1 =	vld [tilespmem:$0x1FED0]  }
0xce: {  	v11 =	vadd.f32 $1.258291200e+07, v11;
	v13 =	vld [tilespmem:s17+$0x4180];
	s5 =	sor.u32 $0x380, s3  }
0xcf: {  	v0 =	vld [tilespmem:s5+$0x4000]  }
0xd0: {  	v15 =	vld [tilespmem:s17+$0x4280];
	v22 =	vadd.f32 $-1.258291200e+07, v11  }
0xd1: {  	v51 =	vsel vm2, v51, v21;
	v21 =	vmax.f32 v17, v63;
	v11 =	vld [tilespmem:s17+$0x6080];
	[tilespmem:s31+$0xC000] =	vst v46  }
0xd2: {  	v49 =	vsel vm2, v49, v22;
	v22 =	vmax.f32 v14, v63;
	v32 =	vmin.f32 v21, v25;
	v21 =	vld [tilespmem:s17+$0x6180];
	[tilespmem:s9+$0xC000] =	vst v1  }
0xd3: {  	v29 =	vmin.f32 v22, v25;
	v22 =	vld [tilespmem:s17+$0x6200];
	[tilespmem:s7+$0xC000] =	vst v26  }
0xd4: {  	v2 =	vld [tilespmem:s17+$0x6000];
	[tilespmem:$0x1FEE0] =	vst v0  }
0xd5: {  	[tilespmem:s31+$0xC080] =	vst v47  }
0xd6: {  	[tilespmem:s31+$0xC100] =	vst v44  }
0xd7: {  	v19 =	vmax.f32 v18, v63;
	[tilespmem:s31+$0xC180] =	vst v45  }
0xd8: {  	v24 =	vmax.f32 v20, v63;
	v30 =	vmin.f32 v19, v25;
	v19 =	vmax.f32 v16, v63;
	[tilespmem:s31+$0xC200] =	vst v43  }
0xd9: {  	v31 =	vmin.f32 v19, v25;
	v19 =	vmax.f32 v13, v63;
	v39 =	vsub.f32 v30, v63;
	[tilespmem:s31+$0xC280] =	vst v33  }
0xda: {  	v28 =	vmin.f32 v19, v25;
	v19 =	vmax.f32 v15, v63;
	v23 =	vmax.f32 v0, v63;
	[tilespmem:s14+$0xC000] =	vst v42  }
0xdb: {  	v27 =	vmin.f32 v23, v25;
	v46 =	vmin.f32 v19, v25;
	v19 =	vmax.f32 v9, v63;
	[tilespmem:s14+$0xC080] =	vst v55  }
0xdc: {  	v26 =	vmin.f32 v24, v25;
	v24 =	vmax.f32 v21, v63;
	v47 =	vmin.f32 v19, v25;
	[tilespmem:s14+$0xC100] =	vst v54  }
0xdd: {  	s8 =	sor.u32 $0x2380, s3;
	v23 =	vld [tilespmem:s17+$0x6280];
	v19 =	vmax.f32 v2, v63;
	v43 =	vmin.f32 v24, v25;
	v24 =	vmax.f32 v22, v63;
	[tilespmem:s14+$0xC180] =	vst v56  }
0xde: {  	s9 =	sor.u32 $0x2300, s2;
	[tilespmem:s14+$0xC200] =	vst v58;
	v48 =	vmin.f32 v19, v25;
	v19 =	vmax.f32 v11, v63;
	v30 =	vmin.f32 v24, v25;
	v24 =	vld [tilespmem:s8+$0x4000]  }
0xdf: {  	[tilespmem:s14+$0xC280] =	vst v60;
	v45 =	vmin.f32 v19, v25;
	v19 =	vld [tilespmem:s9+$0x4000]  }
0xe0: {  	[tilespmem:s22+$0xC000] =	vst v41  }
0xe1: {  	v0 =	vld [tilespmem:$0x1FEF0]  }
0xe2: {  	v33 =	vsub.f32 v28, v63  }
0xe3: {  	v55 =	vsub.f32 v27, v63;
	v44 =	vsub.f32 v26, v63  }
0xe4: {  	v28 =	vmax.f32 v23, v63;
	v26 =	vmax.f32 v24, v63;
	v27 =	vmax.f32 v19, v63  }
0xe5: {  	[tilespmem:s24+$0xC000] =	vst v57;
	v28 =	vmin.f32 v28, v25;
	v27 =	vmin.f32 v27, v25;
	v25 =	vmin.f32 v26, v25  }
0xe6: {  	v26 =	vsel vm2, v38, v62;
	v38 =	vsub.f32 v25, v63;
	v25 =	vadd.f32 $1.258291200e+07, v0;
	v0 =	vld [tilespmem:$0x1FF00];
	_ =	sdelay $0x3  }
0xe7: {  	v54 =	vsub.f32 v45, v63;
	v45 =	vsub.f32 v43, v63;
	v57 =	vld [tilespmem:$0x1FFF0];
	[tilespmem:s20+$0xC000] =	vst v59  }
0xe8: {  	v43 =	vsub.f32 v28, v63;
	v28 =	vadd.f32 $1.258291200e+07, v0;
	v0 =	vld [tilespmem:$0x1FF10];
	_ =	sdelay $0x3  }
0xe9: {  	[tilespmem:s14+$0xE000] =	vst v40  }
0xea: {  	v42 =	vsub.f32 v30, v63;
	v30 =	vadd.f32 $1.258291200e+07, v0;
	v0 =	vld [tilespmem:$0x1FF20]  }
0xeb: {  	v61 =	vadd.f32 $1.258291200e+07, v37;
	_ =	sdelay $0x1  }
0xec: {  	v35 =	vsub.f32 v29, v63;
	v29 =	vadd.f32 $-1.258291200e+07, v61;
	_ =	sdelay $0x1  }
0xed: {  	v56 =	vsel vm2, v0, v29;
	v0 =	vld [tilespmem:$0x1FF30]  }
0xee: {  	v12 =	vadd.f32 $-1.258291200e+07, v12;
	_ =	sdelay $0x1  }
0xef: {  	v50 =	vsel vm2, v50, v12  }
0xf0: {  	[tilespmem:s14+$0xE080] =	vst v50  }
0xf1: {  	v29 =	vadd.f32 $1.258291200e+07, v0;
	v0 =	vld [tilespmem:$0x1FF40];
	_ =	sdelay $0x3  }
0xf2: {  	[tilespmem:s14+$0xE100] =	vst v51  }
0xf3: {  	v58 =	vadd.f32 $1.258291200e+07, v0;
	v0 =	vld [tilespmem:$0x1FF50];
	_ =	sdelay $0x2  }
0xf4: {  	v28 =	vadd.f32 $-1.258291200e+07, v28;
	_ =	sdelay $0x1  }
0xf5: {  	v50 =	vsel vm0, v0, v28;
	v0 =	vld [tilespmem:$0x1FF60];
	_ =	sdelay $0x4  }
0xf6: {  	v28 =	vadd.f32 $1.258291200e+07, v0;
	v0 =	vld [tilespmem:$0x1FF70];
	_ =	sdelay $0x3  }
0xf7: {  	[tilespmem:s14+$0xE180] =	vst v49  }
0xf8: {  	v59 =	vadd.f32 $1.258291200e+07, v0;
	v0 =	vld [tilespmem:$0x1FF80];
	_ =	sdelay $0x2  }
0xf9: {  	v30 =	vadd.f32 $-1.258291200e+07, v30;
	_ =	sdelay $0x1  }
0xfa: {  	v49 =	vsel vm0, v0, v30;
	v0 =	vld [tilespmem:$0x1FF90];
	_ =	sdelay $0x3  }
0xfb: {  	[tilespmem:s14+$0xE200] =	vst v26  }
0xfc: {  	v60 =	vadd.f32 $1.258291200e+07, v0;
	v0 =	vld [tilespmem:$0x1FFA0];
	_ =	sdelay $0x2  }
0xfd: {  	v10 =	vadd.f32 $1.258291200e+07, v10;
	_ =	sdelay $0x1  }
0xfe: {  	v34 =	vadd.f32 $-1.258291200e+07, v10;
	v26 =	vadd.f32 $1.258291200e+07, v0;
	v0 =	vld [tilespmem:$0x1FFB0]  }
0xff: {  	v32 =	vsub.f32 v32, v63;
	v37 =	vsub.f32 v31, v63  }
0x100: {  	v41 =	vsub.f32 v27, v63;
	v27 =	vsel vm2, v5, v34;
	v34 =	vperm.xlane v57, v52  }
0x101: {  	v31 =	vsub.f32 v46, v63;
	v36 =	vsub.f32 v47, v63  }
0x102: {  	v48 =	vsub.f32 v48, v63;
	v63 =	vmul.f32 v39, v34;
	v47 =	vmul.f32 v32, v34;
	[tilespmem:s14+$0xE280] =	vst v27  }
0x103: {  	v46 =	vmul.f32 v37, v34;
	v35 =	vmul.f32 v35, v34;
	v61 =	vadd.f32 $1.258291200e+07, v0;
	v0 =	vld [tilespmem:$0x1FFC0]  }
0x104: {  	v25 =	vadd.f32 $-1.258291200e+07, v25;
	v39 =	vmul.f32 v31, v34;
	v37 =	vmul.f32 v36, v34  }
0x105: {  	vm1 =	veq.s32 v53, $0x3;
	v36 =	vmul.f32 v55, v34;
	v32 =	vmul.f32 v54, v34;
	[tilespmem:s18+$0xC000] =	vst v56  }
0x106: {  	v25 =	vsel vm2, v4, v25;
	v31 =	vadd.f32 $1.258291200e+07, v63;
	v29 =	vadd.f32 $-1.258291200e+07, v29;
	[tilespmem:s12+$0xC000] =	vst v50  }
0x107: {  	v40 =	vmul.f32 v33, v34;
	v30 =	vadd.f32 $-1.258291200e+07, v58;
	v27 =	vadd.f32 $-1.258291200e+07, v60;
	[tilespmem:s11+$0xC000] =	vst v25  }
0x108: {  	v26 =	vadd.f32 $-1.258291200e+07, v26;
	[tilespmem:s31+$0xE000] =	vst v49;
	v25 =	vadd.f32 $-1.258291200e+07, v61;
	v62 =	vsel vm0, v0, v29  }
0x109: {  	s26 =	sshllo.u32 s25, $0x1;
	v12 =	vmovc v2;
	s7 =	simm.s32 $0x40;
	v33 =	vmul.f32 v48, v34;
	s12 =	simm.s32 $0x2;
	v29 =	vadd.f32 $-1.258291200e+07, v28;
	v28 =	vadd.f32 $-1.258291200e+07, v59;
	[tilespmem:s31+$0xE080] =	vst v62  }
.LBB2_3:
0x10a: {  	v0 =	vmov v22  }
0x10b: {  	v47 =	vadd.f32 $1.258291200e+07, v47;
	[tilespmem:$0x1FDF0] =	vst v0;
	v0 =	vld [tilespmem:$0x1FE20]  }
0x10c: {  	s2 =	sand.u32 $0x60, s7;
	s1 =	sadd.s32 $0x100, s1;
	v46 =	vadd.f32 $1.258291200e+07, v46;
	v44 =	vmul.f32 v44, v34;
	v45 =	vmul.f32 v45, v34  }
0x10d: {  	v27 =	vsel vm0, v8, v27;
	v8 =	vld [tilespmem:$0x1FFD0];
	s3 =	sand.u32 $0x1C00, s1;
	s11 =	sor.u32 $0x10, s2;
	v42 =	vmul.f32 v42, v34;
	v43 =	vmul.f32 v43, v34  }
0x10e: {  	v10 =	vld [tilespmem:$0x1FFE0];
	v41 =	vmul.f32 v41, v34;
	v49 =	vadd.f32 $1.258291200e+07, v40;
	v50 =	vadd.f32 $1.258291200e+07, v35;
	s22 =	sor.u32 s3, s11  }
0x10f: {  	v2 =	vmovc v20;
	v48 =	vmul.f32 v38, v34;
	v51 =	vadd.f32 $1.258291200e+07, v39;
	v20 =	vadd.f32 $1.258291200e+07, v37;
	v34 =	vld [tilespmem:s22+$0x4000]  }
0x110: {  	v1 =	vmovc v21;
	v52 =	vadd.f32 $1.258291200e+07, v36;
	v21 =	vadd.f32 $1.258291200e+07, v33;
	[tilespmem:s31+$0xE280] =	vst v27;
	v35 =	vld [tilespmem:s22+$0x4080];
	v26 =	vsel vm0, v0, v26;
	v0 =	vmovc v19  }
0x111: {  	v27 =	vadd.f32 $-1.258291200e+07, v47;
	v22 =	vadd.f32 $1.258291200e+07, v44;
	[tilespmem:$0x1FE20] =	vst v0;
	v0 =	vld [tilespmem:$0x1FE30]  }
0x112: {  	[tilespmem:$0x1FDE0] =	vst v11;
	v11 =	vmov v23;
	v36 =	vld [tilespmem:s22+$0x4100];
	v23 =	vadd.f32 $1.258291200e+07, v42;
	v53 =	vadd.f32 $1.258291200e+07, v43  }
0x113: {  	s10 =	sor.u32 s7, s1;
	v37 =	vld [tilespmem:s22+$0x4180];
	v48 =	vadd.f32 $1.258291200e+07, v48;
	v60 =	vadd.f32 $-1.258291200e+07, v49  }
0x114: {  	s18 =	sor.u32 s2, s3;
	s14 =	sor.u32 $0x380, s10;
	s3 =	sadd.s32 s3, s28;
	v38 =	vld [tilespmem:s22+$0x4200];
	v61 =	vadd.f32 $-1.258291200e+07, v50;
	v62 =	vadd.f32 $-1.258291200e+07, v51;
	v30 =	vsel vm0, v3, v30  }
0x115: {  	s20 =	sor.u32 $0x2380, s10;
	s10 =	sadd.s32 s2, s3;
	s3 =	sadd.s32 s11, s3;
	v39 =	vld [tilespmem:s22+$0x4280];
	v20 =	vadd.f32 $-1.258291200e+07, v20;
	v33 =	vadd.f32 $-1.258291200e+07, v21;
	v29 =	vsel vm0, v6, v29;
	[tilespmem:s31+$0xE100] =	vst v30  }
0x116: {  	s13 =	sadd.s32 $0x1, s13;
	v28 =	vsel vm0, v7, v28;
	v30 =	vadd.f32 $1.258291200e+07, v32;
	[tilespmem:s31+$0xE180] =	vst v29;
	v25 =	vsel vm0, v0, v25;
	v0 =	vmovc v24;
	v24 =	vld [tilespmem:s3+$0x0]  }
0x117: {  	v40 =	vld [tilespmem:s22+$0x6000];
	s11 =	sand.u32 $0x3, s13;
	v29 =	vadd.f32 $1.258291200e+07, v45;
	[tilespmem:s31+$0xE200] =	vst v28;
	v32 =	vadd.f32 $-1.258291200e+07, v52  }
0x118: {  	v42 =	vld [tilespmem:s22+$0x6100];
	s2 =	sshll.u32 s11, $0x5;
	v28 =	vadd.f32 $-1.258291200e+07, v23;
	v19 =	vadd.f32 $1.258291200e+07, v41;
	[tilespmem:s30+$0xC000] =	vst v26  }
0x119: {  	v43 =	vld [tilespmem:s22+$0x6180];
	s2 =	sadd.s32 s2, s1;
	v26 =	vadd.f32 $-1.258291200e+07, v31;
	vm0 =	vmmov vm1;
	[tilespmem:s0+$0xC000] =	vst v25;
	v25 =	vadd.f32 $-1.258291200e+07, v46  }
0x11a: {  	v44 =	vld [tilespmem:s22+$0x6200];
	s31 =	smov.u32 s17;
	s21 =	sadd.s32 $0x10, s2;
	v31 =	vadd.f32 $-1.258291200e+07, v30;
	v30 =	vadd.f32 $-1.258291200e+07, v22;
	v17 =	vsel vm0, v17, v27  }
0x11b: {  	v45 =	vld [tilespmem:s22+$0x6280];
	s23 =	sor.u32 $0x300, s21;
	v18 =	vsel vm0, v18, v26;
	[tilespmem:s31+$0xC080] =	vst v17;
	v16 =	vsel vm0, v16, v25;
	v17 =	vshrl.u32 v24, $0x1B  }
0x11c: {  	s24 =	sor.u32 $0x380, s21;
	v50 =	vld [tilespmem:s23+$0x4000];
	v27 =	vadd.f32 $-1.258291200e+07, v53;
	v26 =	vadd.f32 $-1.258291200e+07, v19;
	[tilespmem:s31+$0xC100] =	vst v16;
	v16 =	vand.u32 $0x10, v17  }
0x11d: {  	v51 =	vld [tilespmem:s24+$0x4000];
	v13 =	vsel vm0, v13, v60;
	v14 =	vsel vm0, v14, v61;
	v16 =	vadd.s32 v24, v16  }
0x11e: {  	s17 =	smov.u32 s18;
	v41 =	vld [tilespmem:s22+$0x6080];
	s18 =	sor.u32 $0x300, s2;
	s11 =	sor.u32 $0x2380, s21;
	v15 =	vsel vm0, v15, v62;
	[tilespmem:s31+$0xC000] =	vst v18;
	v25 =	vadd.f32 $-1.258291200e+07, v48;
	v54 =	vperm.xlane v8, v16  }
0x11f: {  	s30 =	smov.u32 s9;
	s9 =	sor.u32 $0x2300, s2;
	s2 =	sor.u32 $0x2300, s21;
	v47 =	vld [tilespmem:s11+$0x4000];
	[tilespmem:s31+$0xC180] =	vst v13;
	vm2 =	veq.s32 v24, $0x3;
	v17 =	vsel vm0, v9, v20;
	v22 =	vperm.xlane v10, v16  }
0x120: {  	v46 =	vld [tilespmem:s2+$0x4000];
	[tilespmem:s31+$0xC200] =	vst v14;
	v55 =	vperm.xlane v57, v16;
	v13 =	vmax.f32 v34, v54;
	v14 =	vmax.f32 v35, v54  }
0x121: {  	v49 =	vld [tilespmem:s10+$0x0];
	[tilespmem:s31+$0xC280] =	vst v15;
	v20 =	vmax.f32 v36, v54;
	v21 =	vmax.f32 v37, v54;
	v15 =	vmax.f32 v38, v54  }
0x122: {  	v23 =	vmax.f32 v39, v54;
	v24 =	vmax.f32 v50, v54;
	v48 =	vmax.f32 v51, v54  }
0x123: {  	v52 =	vmax.f32 v40, v54;
	v53 =	vmax.f32 v41, v54;
	v56 =	vmax.f32 v42, v54  }
0x124: {  	v57 =	vmax.f32 v43, v54;
	v58 =	vmax.f32 v44, v54;
	v59 =	vmax.f32 v45, v54  }
0x125: {  	v60 =	vmax.f32 v46, v54;
	v61 =	vmax.f32 v47, v54;
	v62 =	vmin.f32 v13, v22  }
0x126: {  	[tilespmem:$0x1FE10] =	vst v2;
	v63 =	vmin.f32 v14, v22;
	v20 =	vmin.f32 v20, v22;
	v21 =	vmin.f32 v21, v22  }
0x127: {  	[tilespmem:$0x1FE30] =	vst v0;
	v0 =	vmin.f32 v15, v22;
	v23 =	vmin.f32 v23, v22;
	v24 =	vmin.f32 v24, v22  }
0x128: {  	[tilespmem:$0x1FE00] =	vst v1;
	v1 =	vmin.f32 v48, v22;
	v2 =	vmin.f32 v52, v22;
	v3 =	vmin.f32 v53, v22  }
0x129: {  	v56 =	vmin.f32 v56, v22;
	v57 =	vmin.f32 v57, v22;
	v62 =	vsub.f32 v62, v54  }
0x12a: {  	v58 =	vmin.f32 v58, v22;
	v63 =	vsub.f32 v63, v54;
	v4 =	vsub.f32 v20, v54  }
0x12b: {  	v59 =	vmin.f32 v59, v22;
	v5 =	vsub.f32 v21, v54;
	v0 =	vsub.f32 v0, v54  }
0x12c: {  	v60 =	vmin.f32 v60, v22;
	v6 =	vsub.f32 v23, v54;
	v7 =	vsub.f32 v24, v54  }
0x12d: {  	v61 =	vmin.f32 v61, v22;
	v1 =	vsub.f32 v1, v54;
	v2 =	vsub.f32 v2, v54  }
0x12e: {  	v3 =	vsub.f32 v3, v54;
	v56 =	vsub.f32 v56, v54;
	v62 =	vmul.f32 v62, v55  }
0x12f: {  	v57 =	vsub.f32 v57, v54;
	v63 =	vmul.f32 v63, v55;
	v4 =	vmul.f32 v4, v55  }
0x130: {  	v58 =	vsub.f32 v58, v54;
	v5 =	vmul.f32 v5, v55;
	v0 =	vmul.f32 v0, v55  }
0x131: {  	v59 =	vsub.f32 v59, v54;
	v6 =	vmul.f32 v6, v55;
	v7 =	vmul.f32 v7, v55  }
0x132: {  	v60 =	vsub.f32 v60, v54;
	v1 =	vmul.f32 v1, v55;
	v2 =	vmul.f32 v2, v55  }
0x133: {  	v54 =	vsub.f32 v61, v54;
	v3 =	vmul.f32 v3, v55;
	v56 =	vmul.f32 v56, v55  }
0x134: {  	v57 =	vmul.f32 v57, v55;
	v58 =	vmul.f32 v58, v55;
	v61 =	vadd.f32 $1.258291200e+07, v62  }
0x135: {  	v59 =	vmul.f32 v59, v55;
	v62 =	vadd.f32 $1.258291200e+07, v63;
	v4 =	vadd.f32 $1.258291200e+07, v4  }
0x136: {  	v60 =	vmul.f32 v60, v55;
	v5 =	vadd.f32 $1.258291200e+07, v5;
	v61 =	vadd.f32 $-1.258291200e+07, v61  }
0x137: {  	v54 =	vmul.f32 v54, v55;
	v0 =	vadd.f32 $1.258291200e+07, v0;
	v63 =	vadd.f32 $-1.258291200e+07, v62  }
0x138: {  	v9 =	vld [tilespmem:s18+$0x4000];
	[tilespmem:s4+$0xC000] =	vst v17;
	v6 =	vadd.f32 $1.258291200e+07, v6;
	v4 =	vadd.f32 $-1.258291200e+07, v4;
	v34 =	vsel vm2, v34, v61  }
0x139: {  	v7 =	vadd.f32 $1.258291200e+07, v7;
	v5 =	vadd.f32 $-1.258291200e+07, v5;
	v35 =	vsel vm2, v35, v63;
	[tilespmem:s22+$0xC000] =	vst v34  }
0x13a: {  	v19 =	vld [tilespmem:s9+$0x4000];
	v1 =	vadd.f32 $1.258291200e+07, v1;
	v0 =	vadd.f32 $-1.258291200e+07, v0;
	v4 =	vsel vm2, v36, v4;
	[tilespmem:s22+$0xC080] =	vst v35  }
0x13b: {  	v18 =	vld [tilespmem:s17+$0x4000];
	v2 =	vadd.f32 $1.258291200e+07, v2;
	v6 =	vadd.f32 $-1.258291200e+07, v6;
	v5 =	vsel vm2, v37, v5;
	[tilespmem:s22+$0xC100] =	vst v4  }
0x13c: {  	v17 =	vld [tilespmem:s17+$0x4080];
	v3 =	vadd.f32 $1.258291200e+07, v3;
	v0 =	vsel vm2, v38, v0;
	v4 =	vadd.f32 $-1.258291200e+07, v7;
	[tilespmem:s22+$0xC180] =	vst v5  }
0x13d: {  	v16 =	vld [tilespmem:s17+$0x4100];
	v1 =	vadd.f32 $-1.258291200e+07, v1;
	v5 =	vsel vm2, v39, v6;
	[tilespmem:s22+$0xC200] =	vst v0;
	v0 =	vadd.f32 $1.258291200e+07, v56  }
0x13e: {  	v14 =	vld [tilespmem:s17+$0x4200];
	v2 =	vadd.f32 $-1.258291200e+07, v2;
	[tilespmem:s22+$0xC280] =	vst v5;
	v5 =	vadd.f32 $1.258291200e+07, v57;
	v4 =	vsel vm2, v50, v4  }
0x13f: {  	v15 =	vld [tilespmem:s17+$0x4280];
	v3 =	vadd.f32 $-1.258291200e+07, v3;
	v1 =	vsel vm2, v51, v1;
	v0 =	vadd.f32 $-1.258291200e+07, v0;
	[tilespmem:s23+$0xC000] =	vst v4  }
0x140: {  	v52 =	vld [tilespmem:s14+$0x4000];
	v2 =	vsel vm2, v40, v2;
	v4 =	vadd.f32 $1.258291200e+07, v58;
	v5 =	vadd.f32 $-1.258291200e+07, v5;
	[tilespmem:s24+$0xC000] =	vst v1  }
0x141: {  	v53 =	vld [tilespmem:s17+$0x6000];
	v3 =	vsel vm2, v41, v3;
	v1 =	vadd.f32 $1.258291200e+07, v59;
	[tilespmem:s22+$0xE000] =	vst v2;
	v2 =	vadd.f32 $1.258291200e+07, v60  }
0x142: {  	v48 =	vld [tilespmem:s17+$0x6080];
	v0 =	vsel vm2, v42, v0;
	v4 =	vadd.f32 $-1.258291200e+07, v4;
	[tilespmem:s22+$0xE080] =	vst v3;
	v3 =	vadd.f32 $1.258291200e+07, v54  }
0x143: {  	v57 =	vld [tilespmem:$0x1FFF0];
	v5 =	vsel vm2, v43, v5;
	[tilespmem:s22+$0xE100] =	vst v0;
	v0 =	vshrl.u32 v49, $0x1B;
	v1 =	vadd.f32 $-1.258291200e+07, v1  }
0x144: {  	v22 =	vld [tilespmem:s17+$0x6200];
	[tilespmem:s22+$0xE180] =	vst v5;
	v0 =	vand.u32 $0x10, v0;
	v2 =	vadd.f32 $-1.258291200e+07, v2;
	v4 =	vsel vm2, v44, v4  }
0x145: {  	v20 =	vld [tilespmem:s17+$0x6100];
	v3 =	vadd.f32 $-1.258291200e+07, v3;
	v0 =	vadd.s32 v49, v0;
	v1 =	vsel vm2, v45, v1;
	[tilespmem:s22+$0xE200] =	vst v4  }
0x146: {  	v29 =	vadd.f32 $-1.258291200e+07, v29;
	v21 =	vld [tilespmem:s17+$0x6180];
	v2 =	vsel vm2, v46, v2;
	[tilespmem:s22+$0xE280] =	vst v1;
	v1 =	vperm.xlane v8, v0  }
0x147: {  	s0 =	smov.u32 s8;
	s8 =	smov.u32 s20;
	vm1 =	veq.s32 v49, $0x3;
	v23 =	vld [tilespmem:s17+$0x6280];
	v4 =	vperm.xlane v10, v0;
	v3 =	vsel vm2, v47, v3;
	[tilespmem:s2+$0xC000] =	vst v2  }
0x148: {  	v24 =	vld [tilespmem:s8+$0x4000];
	v34 =	vperm.xlane v57, v0;
	v2 =	vsel vm0, v12, v33;
	[tilespmem:s11+$0xC000] =	vst v3;
	v3 =	vmax.f32 v18, v1  }
0x149: {  	v5 =	vmax.f32 v17, v1;
	v6 =	vmax.f32 v16, v1;
	v7 =	vmax.f32 v14, v1  }
0x14a: {  	v49 =	vmax.f32 v15, v1;
	v50 =	vmax.f32 v52, v1;
	v51 =	vmax.f32 v53, v1  }
0x14b: {  	v54 =	vmax.f32 v48, v1;
	v55 =	vmax.f32 v20, v1;
	v56 =	vmax.f32 v21, v1  }
0x14c: {  	v58 =	vmax.f32 v22, v1;
	v59 =	vmax.f32 v23, v1;
	v60 =	vmax.f32 v19, v1  }
0x14d: {  	v61 =	vmax.f32 v24, v1;
	v3 =	vmin.f32 v3, v4;
	v5 =	vmin.f32 v5, v4  }
0x14e: {  	v13 =	vld [tilespmem:s17+$0x4180];
	v6 =	vmin.f32 v6, v4;
	v7 =	vmin.f32 v7, v4;
	v33 =	vmin.f32 v50, v4  }
0x14f: {  	v10 =	vmovc v52;
	v0 =	vld [tilespmem:$0x1FEE0];
	v35 =	vmin.f32 v51, v4;
	v36 =	vmin.f32 v54, v4;
	v37 =	vmin.f32 v55, v4  }
0x150: {  	[tilespmem:$0x1FEE0] =	vst v10;
	v10 =	vld [tilespmem:$0x1FDE0];
	v38 =	vmin.f32 v56, v4;
	v3 =	vsub.f32 v3, v1;
	v5 =	vsub.f32 v5, v1  }
0x151: {  	v39 =	vmin.f32 v58, v4;
	v6 =	vsub.f32 v6, v1;
	v7 =	vsub.f32 v7, v1  }
0x152: {  	v62 =	vmin.f32 v59, v4;
	v63 =	vsub.f32 v35, v1;
	v44 =	vsub.f32 v37, v1  }
0x153: {  	v41 =	vmin.f32 v60, v4;
	v45 =	vsub.f32 v38, v1;
	v42 =	vsub.f32 v39, v1  }
0x154: {  	v43 =	vsub.f32 v62, v1;
	v41 =	vsub.f32 v41, v1;
	v0 =	vsel vm0, v0, v32  }
0x155: {  	v32 =	vmin.f32 v49, v4;
	v31 =	vsel vm0, v10, v31;
	[tilespmem:s5+$0xC000] =	vst v0;
	v0 =	vmax.f32 v13, v1  }
0x156: {  	s12 =	sadd.s32 $0x2, s12;
	v3 =	vmul.f32 v3, v34;
	v47 =	vmul.f32 v5, v34;
	v5 =	vsub.f32 v33, v1  }
0x157: {  	p0 =	slt.u32 s12, $0x3E;
	v46 =	vmul.f32 v6, v34;
	v6 =	vsub.f32 v36, v1;
	v35 =	vmul.f32 v7, v34  }
.Ltmp2:
0x158: {  	v33 =	vmul.f32 v63, v34;
	[tilespmem:s31+$0xE000] =	vst v2;
	v2 =	vmax.f32 v9, v1;
	v0 =	vmin.f32 v0, v4;
	(pc) =	sbr.rel @p0 .LBB2_3-.Ltmp2, $4  }
0x159: {  	[tilespmem:s31+$0xE080] =	vst v31;
	v31 =	vsub.f32 v32, v1;
	v2 =	vmin.f32 v2, v4;
	v4 =	vmin.f32 v61, v4  }
0x15a: {  	v7 =	vld [tilespmem:$0x1FDF0];
	v0 =	vsub.f32 v0, v1;
	v36 =	vmul.f32 v5, v34;
	v2 =	vsub.f32 v2, v1  }
0x15b: {  	v8 =	vmovc v11;
	v32 =	vmul.f32 v6, v34;
	v6 =	vld [tilespmem:$0x1FE00];
	v39 =	vmul.f32 v31, v34;
	v38 =	vsub.f32 v4, v1  }
0x15c: {  	s7 =	sadd.s32 $0x20, s7;
	s4 =	smov.u32 s18;
	v11 =	vmovc v48;
	v12 =	vmovc v53;
	s5 =	smov.u32 s14;
	v31 =	vadd.f32 $1.258291200e+07, v3;
	v3 =	vld [tilespmem:$0x1FE10];
	v40 =	vmul.f32 v0, v34;
	v37 =	vmul.f32 v2, v34  }
0x15d: {  	_ =	sdelay $0x1  }
0x15e: {  	v7 =	vsel vm0, v7, v28  }
0x15f: {  	v5 =	vsel vm0, v6, v29;
	[tilespmem:s31+$0xE200] =	vst v7  }
0x160: {  	v2 =	vsel vm0, v3, v30;
	[tilespmem:s31+$0xE180] =	vst v5  }
0x161: {  	[tilespmem:s31+$0xE100] =	vst v2  }
0x162: {  	v10 =	vld [tilespmem:$0x1FE20];
	_ =	sdelay $0x2  }
0x163: {  	v8 =	vsel vm0, v8, v27  }
0x164: {  	[tilespmem:s31+$0xE280] =	vst v8  }
0x165: {  	v26 =	vsel vm0, v10, v26;
	v10 =	vld [tilespmem:$0x1FE30];
	_ =	sdelay $0x2  }
0x166: {  	v6 =	vadd.f32 $1.258291200e+07, v46;
	v3 =	vadd.f32 $1.258291200e+07, v47  }
0x167: {  	v7 =	vadd.f32 $1.258291200e+07, v40;
	v8 =	vadd.f32 $-1.258291200e+07, v31  }
0x168: {  	v3 =	vadd.f32 $-1.258291200e+07, v3;
	[tilespmem:s30+$0xC000] =	vst v26;
	v25 =	vsel vm0, v10, v25;
	vm0 =	vmmov vm1  }
0x169: {  	v6 =	vadd.f32 $-1.258291200e+07, v6;
	v26 =	vadd.f32 $1.258291200e+07, v35;
	[tilespmem:s0+$0xC000] =	vst v25;
	v8 =	vsel vm0, v18, v8  }
0x16a: {  	v7 =	vadd.f32 $-1.258291200e+07, v7;
	v18 =	vadd.f32 $1.258291200e+07, v39;
	v3 =	vsel vm0, v17, v3;
	[tilespmem:s17+$0xC000] =	vst v8  }
0x16b: {  	v17 =	vadd.f32 $-1.258291200e+07, v26;
	v6 =	vsel vm0, v16, v6;
	v8 =	vadd.f32 $1.258291200e+07, v37;
	[tilespmem:s17+$0xC080] =	vst v3  }
0x16c: {  	[tilespmem:s17+$0xC100] =	vst v6;
	v6 =	vsel vm0, v13, v7;
	v16 =	vadd.f32 $-1.258291200e+07, v18  }
0x16d: {  	v13 =	vsel vm0, v14, v17;
	[tilespmem:s17+$0xC180] =	vst v6;
	v8 =	vadd.f32 $-1.258291200e+07, v8  }
0x16e: {  	[tilespmem:s17+$0xC200] =	vst v13;
	v14 =	vsel vm0, v15, v16  }
0x16f: {  	v8 =	vsel vm0, v9, v8;
	[tilespmem:s17+$0xC280] =	vst v14  }
0x170: {  	[tilespmem:s4+$0xC000] =	vst v8  }
0x171: {  	v0 =	vmul.f32 v44, v34;
	v8 =	vld [tilespmem:$0x1FEE0]  }
0x172: {  	v1 =	vmul.f32 v45, v34;
	v3 =	vadd.f32 $1.258291200e+07, v36  }
0x173: {  	v4 =	vmul.f32 v42, v34;
	v0 =	vadd.f32 $1.258291200e+07, v0;
	v7 =	vadd.f32 $1.258291200e+07, v33  }
0x174: {  	v55 =	vmul.f32 v43, v34;
	v6 =	vadd.f32 $1.258291200e+07, v32;
	v3 =	vadd.f32 $-1.258291200e+07, v3  }
0x175: {  	v28 =	vmul.f32 v38, v34;
	v1 =	vadd.f32 $1.258291200e+07, v1;
	v7 =	vadd.f32 $-1.258291200e+07, v7  }
0x176: {  	v4 =	vadd.f32 $1.258291200e+07, v4;
	v6 =	vadd.f32 $-1.258291200e+07, v6;
	v3 =	vsel vm0, v8, v3  }
0x177: {  	v5 =	vmul.f32 v41, v34;
	v0 =	vadd.f32 $-1.258291200e+07, v0;
	v7 =	vsel vm0, v12, v7;
	[tilespmem:s5+$0xC000] =	vst v3  }
0x178: {  	v1 =	vadd.f32 $-1.258291200e+07, v1;
	v2 =	vadd.f32 $1.258291200e+07, v55;
	v3 =	vsel vm0, v11, v6;
	[tilespmem:s17+$0xE000] =	vst v7  }
0x179: {  	v4 =	vadd.f32 $-1.258291200e+07, v4;
	v5 =	vadd.f32 $1.258291200e+07, v5;
	v0 =	vsel vm0, v20, v0;
	[tilespmem:s17+$0xE080] =	vst v3  }
0x17a: {  	v2 =	vadd.f32 $-1.258291200e+07, v2;
	v1 =	vsel vm0, v21, v1;
	v3 =	vadd.f32 $1.258291200e+07, v28;
	[tilespmem:s17+$0xE100] =	vst v0  }
0x17b: {  	v56 =	vadd.f32 $-1.258291200e+07, v5;
	v4 =	vsel vm0, v22, v4;
	[tilespmem:s17+$0xE180] =	vst v1  }
0x17c: {  	s28 =	sshll.u32 s25, $0x12;
	v2 =	vsel vm0, v23, v2;
	[tilespmem:s17+$0xE200] =	vst v4;
	v58 =	vadd.f32 $-1.258291200e+07, v3  }
0x17d: {  	s23 =	sor.u32 s28, s6;
	v0 =	vsel vm0, v19, v56;
	[tilespmem:s17+$0xE280] =	vst v2  }
0x17e: {  	s0 =	sshrl.u32 s23, $0x3;
	[tilespmem:s9+$0xC000] =	vst v0;
	v1 =	vsel vm0, v24, v58  }
0x17f: {  	s1 =	simm.s32 $0xC000;
	s0 =	sadd.s32 s19, s0;
	[tilespmem:s8+$0xC000] =	vst v1  }
0x180: {  	[hbm4b:s0+s15] =	stream.strided.scatter [tilespmem:s1], [sflag:$0x3], $0x4000, s16, s15, $0x38;
	[tilespmem:$0x14200] =	vst v63  }
0x181: {  	p0 =	seq.s32 s25, $0x7;
	s0 =	rddreg [dreg:$0x9]  }
0x182: {  	p1 =	seq.s32 @!p0 s25, $0x0;
	s2 =	simm.s32 @!p0 $0x10000;
	s0 =	sadd.s32 @!p0 s28, s0  }
0x183: {  	s3 =	simm.s32 @!p0 $0x4000;
	s1 =	rddreg [dreg:$0x0];
	s0 =	sshrl.u32 @!p0 s0, $0x3  }
0x184: {  	p1 =	por p0, !p1;
	s0 =	sadd.s32 @!p0 s1, s0;
	s1 =	simm.s32 @!p0 $0x2000  }
0x185: {  	[tilespmem:s3], [sflag:$0x1] =	stream.strided.gather @!p0 [hbm4b:s0+s1], $0x4000, s2, s1, $0x38;
	[tilespmem:$0x14200] =	vst v63  }
0x186: {  	s0 =	simm.s32 @p1 $0x4  }
0x187: {  	_ =	swait.ge @p1 [sflag:s0], $0x4000  }
0x188: {  	[sflag:s0] =	ssyncset.done @p1 $0x0  }
0x189: {  	s24 =	simm.s32 $0x0;
	s10 =	simm.s32 $0x2;
	[sflag:s0] =	ssyncadd.s32 @p1 $0xFFFFC000  }
0x18a: {  	s11 =	sand.u32 $0x60, s24;
	_ =	swait.ge [sflag:s10], $0x4000  }
0x18b: {  	s12 =	sand.u32 $0x1C00, s24;
	s13 =	sor.u32 $0x10, s11;
	[sflag:s10] =	ssyncset.done $0x0;
	v62 =	vld [tilespmem:$0x1FFD0]  }
0x18c: {  	s8 =	sor.u32 s12, s13;
	v63 =	vld [tilespmem:$0x1FFE0];
	[sflag:s10] =	ssyncadd.s32 $0xFFFFC000  }
0x18d: {  	v59 =	vld [tilespmem:s8+$0x8000]  }
0x18e: {  	s14 =	sshll.u32 s26, $0x7;
	v60 =	vld [tilespmem:s8+$0x8080]  }
0x18f: {  	s3 =	sand.u32 $0x380, s14;
	v61 =	vld [tilespmem:s8+$0x8100]  }
0x190: {  	s29 =	sadd.s32 s3, s29;
	v9 =	vld [tilespmem:s8+$0x8180]  }
0x191: {  	s3 =	sadd.s32 s12, s29;
	v11 =	vld [tilespmem:s8+$0x8200]  }
0x192: {  	s4 =	sadd.s32 s13, s3;
	v12 =	vld [tilespmem:s8+$0x8280]  }
0x193: {  	v3 =	vld [tilespmem:s4+$0x0]  }
0x194: {  	s17 =	sand.u32 $0x3, s24;
	v10 =	vld [tilespmem:s8+$0xA000]  }
0x195: {  	v7 =	vld [tilespmem:s8+$0xA080];
	s4 =	sshll.u32 s17, $0x5  }
0x196: {  	v4 =	vld [tilespmem:s8+$0xA100];
	s4 =	sadd.s32 $0x0, s4  }
0x197: {  	v6 =	vld [tilespmem:s8+$0xA180];
	s7 =	sadd.s32 $0x10, s4  }
0x198: {  	v5 =	vld [tilespmem:s8+$0xA200];
	s22 =	sor.u32 $0x300, s7;
	v8 =	vshrl.u32 v3, $0x1B  }
0x199: {  	s5 =	sor.u32 $0x380, s7;
	v14 =	vld [tilespmem:s22+$0x8000];
	v8 =	vand.u32 $0x10, v8  }
0x19a: {  	s9 =	sor.u32 $0x2300, s7;
	v15 =	vld [tilespmem:s5+$0x8000];
	v13 =	vadd.s32 v3, v8  }
0x19b: {  	s7 =	sor.u32 $0x2380, s7;
	v19 =	vld [tilespmem:s9+$0x8000];
	v16 =	vperm.xlane v62, v13  }
0x19c: {  	v28 =	vld [tilespmem:s7+$0x8000];
	vm0 =	veq.s32 v3, $0x3;
	v3 =	vperm.xlane v63, v13;
	v13 =	vperm.xlane v57, v13  }
0x19d: {  	v17 =	vmax.f32 v59, v16;
	v18 =	vmax.f32 v60, v16;
	v20 =	vmax.f32 v61, v16  }
0x19e: {  	v21 =	vmax.f32 v9, v16;
	v22 =	vmax.f32 v11, v16;
	v23 =	vmax.f32 v12, v16  }
0x19f: {  	v24 =	vmax.f32 v14, v16;
	v25 =	vmax.f32 v15, v16;
	v26 =	vmax.f32 v10, v16  }
0x1a0: {  	v27 =	vmax.f32 v7, v16;
	v29 =	vmax.f32 v4, v16;
	v30 =	vmax.f32 v6, v16  }
0x1a1: {  	v31 =	vmax.f32 v5, v16;
	v41 =	vmax.f32 v19, v16;
	v42 =	vmax.f32 v28, v16  }
0x1a2: {  	v17 =	vmin.f32 v17, v3;
	v18 =	vmin.f32 v18, v3;
	v20 =	vmin.f32 v20, v3  }
0x1a3: {  	v21 =	vmin.f32 v21, v3;
	v22 =	vmin.f32 v22, v3;
	v23 =	vmin.f32 v23, v3  }
0x1a4: {  	v24 =	vmin.f32 v24, v3;
	v25 =	vmin.f32 v25, v3;
	v26 =	vmin.f32 v26, v3  }
0x1a5: {  	v8 =	vld [tilespmem:s8+$0xA280];
	v27 =	vmin.f32 v27, v3;
	v17 =	vsub.f32 v17, v16;
	v18 =	vsub.f32 v18, v16  }
0x1a6: {  	v29 =	vmin.f32 v29, v3;
	v20 =	vsub.f32 v20, v16;
	v21 =	vsub.f32 v21, v16  }
0x1a7: {  	v30 =	vmin.f32 v30, v3;
	v22 =	vsub.f32 v22, v16;
	v23 =	vsub.f32 v23, v16  }
0x1a8: {  	v31 =	vmin.f32 v31, v3;
	v24 =	vsub.f32 v24, v16;
	v25 =	vsub.f32 v25, v16  }
0x1a9: {  	v33 =	vmin.f32 v41, v3;
	v26 =	vsub.f32 v26, v16;
	v27 =	vsub.f32 v27, v16  }
0x1aa: {  	v40 =	vmax.f32 v8, v16;
	v29 =	vsub.f32 v29, v16;
	v30 =	vsub.f32 v30, v16  }
0x1ab: {  	v31 =	vsub.f32 v31, v16;
	v33 =	vsub.f32 v33, v16;
	v17 =	vmul.f32 v17, v13  }
0x1ac: {  	v32 =	vmin.f32 v40, v3;
	v18 =	vmul.f32 v18, v13;
	v20 =	vmul.f32 v20, v13  }
0x1ad: {  	v3 =	vmin.f32 v42, v3;
	v21 =	vmul.f32 v21, v13;
	v22 =	vmul.f32 v22, v13  }
0x1ae: {  	s3 =	sadd.s32 s11, s3;
	v32 =	vsub.f32 v32, v16;
	v23 =	vmul.f32 v23, v13;
	v44 =	vmul.f32 v24, v13  }
0x1af: {  	s31 =	sor.u32 s11, s12;
	v46 =	vld [tilespmem:s3+$0x0];
	v25 =	vmul.f32 v25, v13;
	v3 =	vsub.f32 v3, v16;
	v16 =	vmul.f32 v26, v13  }
0x1b0: {  	v38 =	vld [tilespmem:s31+$0x8000];
	v26 =	vmul.f32 v27, v13;
	v27 =	vmul.f32 v29, v13;
	v49 =	vadd.f32 $1.258291200e+07, v23  }
0x1b1: {  	v39 =	vld [tilespmem:s31+$0x8080];
	s14 =	sor.u32 $0x300, s4;
	v29 =	vmul.f32 v30, v13;
	v30 =	vmul.f32 v31, v13;
	v50 =	vadd.f32 $1.258291200e+07, v44  }
0x1b2: {  	v37 =	vld [tilespmem:s14+$0x8000];
	v45 =	vmul.f32 v33, v13;
	v51 =	vadd.f32 $1.258291200e+07, v25;
	v0 =	vadd.f32 $-1.258291200e+07, v49  }
0x1b3: {  	v41 =	vld [tilespmem:s31+$0x8100];
	v31 =	vmul.f32 v32, v13;
	v47 =	vmul.f32 v3, v13;
	v1 =	vadd.f32 $-1.258291200e+07, v50  }
0x1b4: {  	s30 =	sor.u32 $0x2300, s4;
	v40 =	vld [tilespmem:s31+$0x8180];
	v13 =	vadd.f32 $1.258291200e+07, v22;
	v2 =	vadd.f32 $-1.258291200e+07, v51;
	v0 =	vsel vm0, v12, v0  }
0x1b5: {  	v17 =	vadd.f32 $1.258291200e+07, v17;
	v18 =	vadd.f32 $1.258291200e+07, v18;
	v3 =	vld [tilespmem:s30+$0x8000];
	v1 =	vsel vm0, v14, v1;
	[tilespmem:$0x1FCB0] =	vst v0  }
0x1b6: {  	s0 =	sor.u32 s24, s24;
	v21 =	vadd.f32 $1.258291200e+07, v21;
	v13 =	vadd.f32 $-1.258291200e+07, v13;
	v2 =	vsel vm0, v15, v2;
	v42 =	vld [tilespmem:s31+$0x8200];
	[tilespmem:$0x1FCC0] =	vst v1  }
0x1b7: {  	s12 =	sor.u32 $0x380, s0;
	v16 =	vadd.f32 $1.258291200e+07, v16;
	v17 =	vadd.f32 $-1.258291200e+07, v17;
	v48 =	vld [tilespmem:s31+$0x8280];
	[tilespmem:$0x1FCD0] =	vst v2  }
0x1b8: {  	v24 =	vadd.f32 $-1.258291200e+07, v18;
	v22 =	vsel vm0, v11, v13;
	v13 =	vld [tilespmem:s12+$0x8000]  }
0x1b9: {  	v18 =	vsel vm0, v59, v17;
	v17 =	vadd.f32 $-1.258291200e+07, v21;
	v12 =	vadd.f32 $-1.258291200e+07, v16;
	_ =	sdelay $0x1  }
0x1ba: {  	v17 =	vsel vm0, v9, v17;
	v9 =	vsel vm0, v10, v12  }
0x1bb: {  	[tilespmem:$0x1FCE0] =	vst v9  }
0x1bc: {  	v11 =	vadd.f32 $1.258291200e+07, v26;
	[tilespmem:$0x1FD70] =	vst v13  }
0x1bd: {  	v12 =	vld [tilespmem:s31+$0xA000]  }
0x1be: {  	v11 =	vadd.f32 $-1.258291200e+07, v11;
	_ =	sdelay $0x1  }
0x1bf: {  	v7 =	vsel vm0, v7, v11  }
0x1c0: {  	v20 =	vadd.f32 $1.258291200e+07, v20;
	[tilespmem:$0x1FCF0] =	vst v7  }
0x1c1: {  	v52 =	vadd.f32 $1.258291200e+07, v27;
	[tilespmem:$0x1FD90] =	vst v12  }
0x1c2: {  	v53 =	vadd.f32 $1.258291200e+07, v29;
	v20 =	vadd.f32 $-1.258291200e+07, v20;
	v11 =	vld [tilespmem:s31+$0xA080]  }
0x1c3: {  	vm1 =	veq.s32 v46, $0x3;
	v54 =	vadd.f32 $1.258291200e+07, v30;
	v55 =	vadd.f32 $1.258291200e+07, v47  }
0x1c4: {  	v24 =	vsel vm0, v60, v24;
	v23 =	vsel vm0, v61, v20;
	v0 =	vadd.f32 $-1.258291200e+07, v52  }
0x1c5: {  	v20 =	vshrl.u32 v46, $0x1B;
	v10 =	vadd.f32 $1.258291200e+07, v31;
	v1 =	vadd.f32 $-1.258291200e+07, v53  }
0x1c6: {  	v56 =	vand.u32 $0x10, v20;
	v2 =	vadd.f32 $-1.258291200e+07, v54;
	v7 =	vadd.f32 $1.258291200e+07, v45  }
0x1c7: {  	v27 =	vsel vm0, v4, v0;
	v21 =	vadd.f32 $-1.258291200e+07, v10;
	v1 =	vsel vm0, v6, v1;
	[tilespmem:$0x1FDD0] =	vst v11  }
0x1c8: {  	v0 =	vadd.f32 $-1.258291200e+07, v55;
	v29 =	vadd.f32 $-1.258291200e+07, v7;
	v4 =	vld [tilespmem:s31+$0xA100];
	[tilespmem:$0x1FD00] =	vst v1;
	v1 =	vadd.s32 v46, v56  }
0x1c9: {  	v20 =	vsel vm0, v5, v2;
	v25 =	vsel vm0, v8, v21;
	v2 =	vperm.xlane v62, v1  }
0x1ca: {  	v21 =	vsel vm0, v19, v29;
	v19 =	vsel vm0, v28, v0;
	v29 =	vperm.xlane v63, v1  }
0x1cb: {  	v0 =	vperm.xlane v57, v1;
	v57 =	vmax.f32 v38, v2;
	v28 =	vmax.f32 v39, v2  }
0x1cc: {  	v30 =	vmax.f32 v41, v2;
	v31 =	vmax.f32 v40, v2;
	v58 =	vmax.f32 v42, v2  }
0x1cd: {  	v59 =	vmax.f32 v48, v2;
	v60 =	vmax.f32 v37, v2;
	v61 =	vmax.f32 v13, v2  }
0x1ce: {  	v9 =	vmovc v62;
	v36 =	vmax.f32 v12, v2;
	v62 =	vmax.f32 v11, v2;
	v49 =	vmax.f32 v3, v2  }
0x1cf: {  	v1 =	vmin.f32 v57, v29;
	v28 =	vmin.f32 v28, v29;
	v30 =	vmin.f32 v30, v29  }
0x1d0: {  	v31 =	vmin.f32 v31, v29;
	v32 =	vmin.f32 v58, v29;
	v33 =	vmin.f32 v59, v29  }
0x1d1: {  	v34 =	vmin.f32 v60, v29;
	v35 =	vmin.f32 v61, v29;
	v28 =	vsub.f32 v28, v2  }
0x1d2: {  	v6 =	vld [tilespmem:s31+$0xA180];
	v36 =	vmin.f32 v36, v29;
	v43 =	vmin.f32 v62, v29;
	v1 =	vsub.f32 v1, v2  }
0x1d3: {  	v7 =	vld [tilespmem:s31+$0xA200];
	v30 =	vsub.f32 v30, v2;
	v55 =	vmul.f32 v28, v0;
	v28 =	vsub.f32 v35, v2  }
0x1d4: {  	s0 =	sor.u32 $0x2380, s0;
	v8 =	vld [tilespmem:s31+$0xA280];
	v49 =	vmin.f32 v49, v29;
	v31 =	vsub.f32 v31, v2;
	v32 =	vsub.f32 v32, v2  }
0x1d5: {  	v5 =	vld [tilespmem:s0+$0x8000];
	[tilespmem:$0x1FC90] =	vst v3;
	v33 =	vsub.f32 v33, v2;
	v60 =	vsub.f32 v36, v2;
	v3 =	vmul.f32 v28, v0  }
0x1d6: {  	v10 =	vmovc v63;
	v63 =	vmax.f32 v4, v2;
	v34 =	vsub.f32 v34, v2;
	v58 =	vsub.f32 v49, v2  }
0x1d7: {  	v61 =	vmul.f32 v30, v0;
	v30 =	vsub.f32 v43, v2;
	[tilespmem:$0x1FD30] =	vst v3;
	v3 =	vmul.f32 v60, v0  }
0x1d8: {  	v52 =	vmax.f32 v6, v2;
	v53 =	vmax.f32 v7, v2;
	v44 =	vmin.f32 v63, v29  }
0x1d9: {  	v54 =	vmax.f32 v8, v2;
	v62 =	vsub.f32 v44, v2;
	[tilespmem:$0x1FD40] =	vst v3;
	v3 =	vmul.f32 v30, v0  }
0x1da: {  	v50 =	vmax.f32 v5, v2;
	v45 =	vmin.f32 v52, v29;
	v46 =	vmin.f32 v53, v29  }
0x1db: {  	v47 =	vmin.f32 v54, v29;
	v46 =	vsub.f32 v46, v2;
	[tilespmem:$0x1FD50] =	vst v3;
	v3 =	vmul.f32 v62, v0  }
0x1dc: {  	v29 =	vmin.f32 v50, v29;
	v51 =	vmul.f32 v32, v0;
	v57 =	vmul.f32 v33, v0  }
0x1dd: {  	s23 =	simm.s32 $0x20;
	s1 =	simm.s32 $0x100;
	v1 =	vmul.f32 v1, v0;
	v56 =	vsub.f32 v47, v2;
	[tilespmem:$0x1FD60] =	vst v3;
	v3 =	vmul.f32 v46, v0  }
0x1de: {  	s10 =	sand.u32 $0x1C00, s1;
	s17 =	sand.u32 $0x60, s23;
	[tilespmem:$0x1FC80] =	vst v8;
	v63 =	vmul.f32 v31, v0;
	v47 =	vadd.f32 $1.258291200e+07, v57;
	v62 =	vadd.f32 $1.258291200e+07, v51  }
0x1df: {  	s18 =	sor.u32 $0x10, s17;
	s4 =	sadd.s32 s10, s29;
	v45 =	vsub.f32 v45, v2;
	v2 =	vsub.f32 v29, v2;
	[tilespmem:$0x1FD80] =	vst v3;
	v3 =	vmul.f32 v56, v0  }
0x1e0: {  	s21 =	smov.u32 s19;
	s19 =	sadd.s32 s18, s4;
	[tilespmem:$0x1FCA0] =	vst v5;
	v59 =	vmul.f32 v34, v0;
	v33 =	vadd.f32 $-1.258291200e+07, v47;
	v50 =	vadd.f32 $-1.258291200e+07, v62  }
0x1e1: {  	vm0 =	vmmov vm1;
	v8 =	vmul.f32 v45, v0;
	v53 =	vld [tilespmem:s19+$0x0];
	[tilespmem:$0x1FDA0] =	vst v3;
	v3 =	vmul.f32 v58, v0  }
0x1e2: {  	s24 =	sor.u32 s10, s18;
	v26 =	vsel vm0, v42, v50;
	v42 =	vsel vm0, v48, v33;
	v33 =	vld [tilespmem:$0x1FFF0];
	v0 =	vmul.f32 v2, v0  }
0x1e3: {  	s13 =	simm.s32 $0x1;
	v54 =	vld [tilespmem:s24+$0x8000];
	[tilespmem:$0x1FDB0] =	vst v3  }
0x1e4: {  	s20 =	sand.u32 $0x3, s13;
	v60 =	vadd.f32 $1.258291200e+07, v55;
	v55 =	vld [tilespmem:s24+$0x8080];
	[tilespmem:$0x1FDC0] =	vst v0  }
0x1e5: {  	s2 =	sshll.u32 s20, $0x5;
	v16 =	vld [tilespmem:s24+$0x8100]  }
0x1e6: {  	s3 =	sadd.s32 $0x100, s2;
	v1 =	vadd.f32 $1.258291200e+07, v1;
	v56 =	vld [tilespmem:s24+$0x8180]  }
0x1e7: {  	s2 =	sadd.s32 $0x10, s3;
	v61 =	vadd.f32 $1.258291200e+07, v61;
	v44 =	vadd.f32 $1.258291200e+07, v63;
	v57 =	vld [tilespmem:s24+$0x8200]  }
0x1e8: {  	s18 =	sor.u32 $0x300, s2;
	v49 =	vadd.f32 $1.258291200e+07, v59;
	v1 =	vadd.f32 $-1.258291200e+07, v1;
	v58 =	vld [tilespmem:s24+$0x8280]  }
0x1e9: {  	s11 =	sor.u32 $0x380, s2;
	v32 =	vadd.f32 $-1.258291200e+07, v61;
	v45 =	vadd.f32 $-1.258291200e+07, v44;
	v34 =	vshrl.u32 v53, $0x1B;
	v59 =	vld [tilespmem:s18+$0x8000]  }
0x1ea: {  	v35 =	vadd.f32 $-1.258291200e+07, v49;
	v63 =	vadd.f32 $-1.258291200e+07, v60;
	v15 =	vld [tilespmem:s11+$0x8000];
	v0 =	vand.u32 $0x10, v34  }
0x1eb: {  	v44 =	vsel vm0, v41, v32;
	v45 =	vsel vm0, v40, v45;
	v51 =	vld [tilespmem:s24+$0xA100];
	v32 =	vadd.s32 v53, v0  }
0x1ec: {  	v41 =	vsel vm0, v37, v35;
	v46 =	vsel vm0, v38, v1;
	v38 =	vld [tilespmem:s24+$0xA200];
	v60 =	vperm.xlane v9, v32  }
0x1ed: {  	v47 =	vsel vm0, v39, v63;
	vm2 =	veq.s32 v53, $0x3;
	v48 =	vperm.xlane v10, v32  }
0x1ee: {  	v52 =	vld [tilespmem:s24+$0xA000];
	v2 =	vperm.xlane v33, v32;
	v34 =	vmax.f32 v54, v60;
	v35 =	vmax.f32 v55, v60  }
0x1ef: {  	v50 =	vld [tilespmem:s24+$0xA080];
	v0 =	vmax.f32 v16, v60;
	v1 =	vmax.f32 v56, v60;
	v32 =	vmax.f32 v57, v60  }
0x1f0: {  	v49 =	vld [tilespmem:s24+$0xA180];
	v61 =	vmax.f32 v58, v60;
	v62 =	vmax.f32 v59, v60;
	v33 =	vmax.f32 v15, v60  }
0x1f1: {  	v43 =	vmax.f32 v51, v60;
	v28 =	vmax.f32 v38, v60;
	v63 =	vmin.f32 v34, v48  }
0x1f2: {  	v37 =	vmin.f32 v35, v48;
	v39 =	vmin.f32 v0, v48;
	v40 =	vmin.f32 v1, v48  }
0x1f3: {  	s20 =	sor.u32 $0x2300, s2;
	v53 =	vmin.f32 v32, v48;
	v14 =	vmin.f32 v61, v48;
	v13 =	vmin.f32 v62, v48  }
0x1f4: {  	v36 =	vld [tilespmem:s20+$0x8000];
	v34 =	vmax.f32 v52, v60;
	v61 =	vmin.f32 v33, v48;
	v35 =	vmax.f32 v50, v60  }
0x1f5: {  	v5 =	vmovc v10;
	v32 =	vmax.f32 v49, v60;
	v10 =	vmin.f32 v43, v48;
	v28 =	vmin.f32 v28, v48  }
0x1f6: {  	v12 =	vmin.f32 v34, v48;
	v63 =	vsub.f32 v63, v60;
	v37 =	vsub.f32 v37, v60  }
0x1f7: {  	v11 =	vmin.f32 v35, v48;
	v39 =	vsub.f32 v39, v60;
	v40 =	vsub.f32 v40, v60  }
0x1f8: {  	v3 =	vmovc v9;
	v62 =	vld [tilespmem:s24+$0xA280];
	v9 =	vmin.f32 v32, v48;
	v53 =	vsub.f32 v53, v60;
	v14 =	vsub.f32 v14, v60  }
0x1f9: {  	s2 =	sor.u32 $0x2380, s2;
	v32 =	vmax.f32 v36, v60;
	v13 =	vsub.f32 v13, v60;
	v61 =	vsub.f32 v61, v60  }
0x1fa: {  	v34 =	vld [tilespmem:s2+$0x8000];
	v10 =	vsub.f32 v10, v60;
	v28 =	vsub.f32 v28, v60;
	v0 =	vmin.f32 v32, v48  }
0x1fb: {  	[tilespmem:s8+$0x10000] =	vst v18;
	v12 =	vsub.f32 v12, v60;
	v11 =	vsub.f32 v11, v60;
	v37 =	vmul.f32 v37, v2  }
0x1fc: {  	[tilespmem:s8+$0x10080] =	vst v24;
	v9 =	vsub.f32 v9, v60;
	v39 =	vmul.f32 v39, v2;
	v40 =	vmul.f32 v40, v2  }
0x1fd: {  	[tilespmem:s8+$0x10100] =	vst v23;
	v53 =	vmul.f32 v53, v2;
	v14 =	vmul.f32 v14, v2;
	v33 =	vmax.f32 v62, v60  }
0x1fe: {  	[tilespmem:s8+$0x10180] =	vst v17;
	v0 =	vsub.f32 v0, v60;
	v35 =	vmin.f32 v33, v48;
	v33 =	vmul.f32 v63, v2  }
0x1ff: {  	[tilespmem:s8+$0x10200] =	vst v22;
	v13 =	vmul.f32 v13, v2;
	v61 =	vmul.f32 v61, v2;
	v29 =	vmax.f32 v34, v60  }
0x200: {  	v1 =	vsub.f32 v35, v60;
	v35 =	vmul.f32 v9, v2;
	v9 =	vadd.f32 $1.258291200e+07, v33;
	v33 =	vld [tilespmem:$0x1FCB0]  }
0x201: {  	v10 =	vmul.f32 v10, v2;
	v28 =	vmul.f32 v28, v2;
	v29 =	vmin.f32 v29, v48  }
0x202: {  	v12 =	vmul.f32 v12, v2;
	v63 =	vadd.f32 $1.258291200e+07, v40;
	v29 =	vsub.f32 v29, v60  }
0x203: {  	v11 =	vmul.f32 v11, v2;
	v0 =	vmul.f32 v0, v2  }
0x204: {  	v1 =	vmul.f32 v1, v2;
	v48 =	vmul.f32 v29, v2;
	v2 =	vadd.f32 $-1.258291200e+07, v63  }
0x205: {  	[tilespmem:s8+$0x10280] =	vst v33  }
0x206: {  	v43 =	vsel vm2, v56, v2;
	v2 =	vld [tilespmem:$0x1FCC0];
	_ =	sdelay $0x4  }
0x207: {  	[tilespmem:s22+$0x10000] =	vst v2  }
0x208: {  	v2 =	vld [tilespmem:$0x1FCD0];
	_ =	sdelay $0x4  }
0x209: {  	[tilespmem:s5+$0x10000] =	vst v2  }
0x20a: {  	v2 =	vld [tilespmem:$0x1FCE0];
	_ =	sdelay $0x1  }
0x20b: {  	v37 =	vadd.f32 $1.258291200e+07, v37;
	v39 =	vadd.f32 $1.258291200e+07, v39  }
0x20c: {  	v14 =	vadd.f32 $1.258291200e+07, v14;
	v9 =	vadd.f32 $-1.258291200e+07, v9  }
0x20d: {  	s19 =	sadd.s32 s17, s4;
	v13 =	vadd.f32 $1.258291200e+07, v13;
	v39 =	vadd.f32 $-1.258291200e+07, v39  }
0x20e: {  	v29 =	vadd.f32 $-1.258291200e+07, v37;
	v37 =	vsel vm2, v54, v9;
	v9 =	vadd.f32 $1.258291200e+07, v53;
	v53 =	vld [tilespmem:s19+$0x0];
	[tilespmem:s8+$0x12000] =	vst v2  }
0x20f: {  	s17 =	sor.u32 s17, s10;
	v14 =	vadd.f32 $-1.258291200e+07, v14;
	v39 =	vsel vm2, v16, v39;
	v16 =	vadd.f32 $1.258291200e+07, v61;
	v2 =	vld [tilespmem:$0x1FCF0]  }
0x210: {  	v18 =	vld [tilespmem:s17+$0x8000];
	v12 =	vadd.f32 $1.258291200e+07, v12  }
0x211: {  	v17 =	vld [tilespmem:s17+$0x8080];
	v13 =	vadd.f32 $-1.258291200e+07, v13;
	v54 =	vsel vm2, v58, v14;
	v14 =	vadd.f32 $-1.258291200e+07, v16  }
0x212: {  	v32 =	vld [tilespmem:s17+$0xA000];
	v12 =	vadd.f32 $-1.258291200e+07, v12;
	v22 =	vadd.f32 $1.258291200e+07, v35  }
0x213: {  	v30 =	vsel vm2, v55, v29;
	v16 =	vld [tilespmem:s17+$0x8100];
	v56 =	vsel vm2, v15, v14;
	v15 =	vshrl.u32 v53, $0x1B;
	[tilespmem:s8+$0x12100] =	vst v27  }
0x214: {  	v55 =	vsel vm2, v59, v13;
	v13 =	vld [tilespmem:s17+$0x8180];
	v29 =	vsel vm2, v52, v12;
	v12 =	vand.u32 $0x10, v15;
	[tilespmem:s8+$0x12080] =	vst v2  }
0x215: {  	v9 =	vadd.f32 $-1.258291200e+07, v9;
	v52 =	vadd.s32 v53, v12;
	v63 =	vld [tilespmem:$0x1FD00]  }
0x216: {  	s23 =	sor.u32 s23, s1;
	s4 =	sor.u32 $0x300, s3;
	v22 =	vadd.f32 $-1.258291200e+07, v22;
	v14 =	vld [tilespmem:s17+$0x8200];
	v58 =	vperm.xlane v3, v52  }
0x217: {  	v40 =	vsel vm2, v57, v9;
	v9 =	vld [tilespmem:s4+$0x8000];
	v59 =	vperm.xlane v5, v52;
	s5 =	sor.u32 $0x380, s23;
	[tilespmem:s8+$0x12200] =	vst v20  }
0x218: {  	v49 =	vsel vm2, v49, v22;
	v22 =	vmax.f32 v18, v58;
	v35 =	vld [tilespmem:s5+$0x8000];
	[tilespmem:s8+$0x12280] =	vst v25  }
0x219: {  	v15 =	vld [tilespmem:s17+$0x8280];
	v24 =	vmin.f32 v22, v59;
	v22 =	vmax.f32 v16, v58;
	[tilespmem:s31+$0x10000] =	vst v46  }
0x21a: {  	v23 =	vadd.f32 $1.258291200e+07, v28;
	v12 =	vld [tilespmem:s17+$0xA080];
	v61 =	vmin.f32 v22, v59;
	v22 =	vmax.f32 v13, v58;
	[tilespmem:s8+$0x12180] =	vst v63  }
0x21b: {  	v33 =	vmin.f32 v22, v59;
	v22 =	vld [tilespmem:s17+$0xA200];
	[tilespmem:s9+$0x10000] =	vst v21  }
0x21c: {  	v57 =	vadd.f32 $-1.258291200e+07, v23;
	v23 =	vmax.f32 v17, v58;
	v20 =	vld [tilespmem:s17+$0xA100];
	[tilespmem:s7+$0x10000] =	vst v19  }
0x21d: {  	v60 =	vmin.f32 v23, v59;
	v23 =	vmax.f32 v14, v58;
	v21 =	vld [tilespmem:s17+$0xA180];
	[tilespmem:$0x1FD10] =	vst v35  }
0x21e: {  	v25 =	vmin.f32 v23, v59;
	v23 =	vmax.f32 v35, v58;
	[tilespmem:s31+$0x10080] =	vst v47  }
0x21f: {  	v2 =	vmin.f32 v23, v59;
	v23 =	vld [tilespmem:s17+$0xA280];
	[tilespmem:$0x1FD20] =	vst v32  }
0x220: {  	[tilespmem:s31+$0x10100] =	vst v44  }
0x221: {  	[tilespmem:s31+$0x10180] =	vst v45  }
0x222: {  	[tilespmem:s31+$0x10200] =	vst v26  }
0x223: {  	[tilespmem:s31+$0x10280] =	vst v42  }
0x224: {  	[tilespmem:s24+$0x10000] =	vst v37  }
0x225: {  	[tilespmem:s24+$0x10080] =	vst v30  }
0x226: {  	v19 =	vmax.f32 v15, v58;
	[tilespmem:s24+$0x10100] =	vst v39  }
0x227: {  	v46 =	vmin.f32 v19, v59;
	v19 =	vmax.f32 v9, v58;
	[tilespmem:s24+$0x10180] =	vst v43  }
0x228: {  	v47 =	vmin.f32 v19, v59;
	v19 =	vmax.f32 v32, v58;
	[tilespmem:s24+$0x10200] =	vst v40  }
0x229: {  	s9 =	sor.u32 $0x2300, s3;
	v44 =	vmin.f32 v19, v59;
	v19 =	vmax.f32 v12, v58;
	[tilespmem:s24+$0x10280] =	vst v54  }
0x22a: {  	v45 =	vmin.f32 v19, v59;
	v19 =	vld [tilespmem:s9+$0x8000];
	[tilespmem:s14+$0x10000] =	vst v41  }
0x22b: {  	v54 =	vld [tilespmem:$0x1FFF0];
	[tilespmem:s18+$0x10000] =	vst v55  }
0x22c: {  	v3 =	vld [tilespmem:$0x1FD30];
	_ =	sdelay $0x1  }
0x22d: {  	v11 =	vadd.f32 $1.258291200e+07, v11;
	v28 =	vadd.f32 $1.258291200e+07, v0  }
0x22e: {  	s8 =	sor.u32 $0x2380, s23;
	v26 =	vsub.f32 v24, v58;
	v24 =	vmax.f32 v22, v58;
	v30 =	vmax.f32 v19, v58  }
0x22f: {  	v1 =	vadd.f32 $1.258291200e+07, v1;
	v42 =	vmin.f32 v24, v59;
	v24 =	vld [tilespmem:s8+$0x8000];
	[tilespmem:s11+$0x10000] =	vst v56;
	v30 =	vmin.f32 v30, v59  }
0x230: {  	v41 =	vsub.f32 v30, v58;
	v30 =	vadd.f32 $1.258291200e+07, v3;
	v3 =	vld [tilespmem:$0x1FD40]  }
0x231: {  	v27 =	vadd.f32 $-1.258291200e+07, v1;
	v31 =	vsub.f32 v2, v58;
	v35 =	vmax.f32 v20, v58  }
0x232: {  	v63 =	vsub.f32 v33, v58;
	v1 =	vmin.f32 v35, v59;
	v32 =	vmax.f32 v21, v58  }
0x233: {  	v0 =	vmin.f32 v32, v59;
	v32 =	vsub.f32 v47, v58;
	v2 =	vsub.f32 v45, v58  }
0x234: {  	v45 =	vsub.f32 v0, v58;
	v33 =	vmax.f32 v23, v58;
	v47 =	vmax.f32 v24, v58;
	[tilespmem:s24+$0x12000] =	vst v29  }
0x235: {  	v37 =	vmin.f32 v33, v59;
	v0 =	vmin.f32 v47, v59;
	v59 =	vadd.f32 $1.258291200e+07, v3;
	v3 =	vld [tilespmem:$0x1FD50]  }
0x236: {  	v11 =	vadd.f32 $-1.258291200e+07, v11;
	_ =	sdelay $0x1  }
0x237: {  	v50 =	vsel vm2, v50, v11  }
0x238: {  	v10 =	vadd.f32 $1.258291200e+07, v10;
	[tilespmem:s24+$0x12080] =	vst v50  }
0x239: {  	v29 =	vadd.f32 $1.258291200e+07, v3;
	v3 =	vld [tilespmem:$0x1FD60]  }
0x23a: {  	v10 =	vadd.f32 $-1.258291200e+07, v10;
	_ =	sdelay $0x1  }
0x23b: {  	v51 =	vsel vm2, v51, v10  }
0x23c: {  	[tilespmem:s24+$0x12100] =	vst v51  }
0x23d: {  	v27 =	vsel vm2, v62, v27;
	v62 =	vadd.f32 $1.258291200e+07, v3;
	v3 =	vld [tilespmem:$0x1FD70];
	_ =	sdelay $0x2  }
0x23e: {  	v30 =	vadd.f32 $-1.258291200e+07, v30;
	_ =	sdelay $0x1  }
0x23f: {  	v43 =	vsub.f32 v37, v58;
	v37 =	vsel vm0, v3, v30;
	v3 =	vld [tilespmem:$0x1FD80];
	_ =	sdelay $0x3  }
0x240: {  	[tilespmem:s24+$0x12180] =	vst v49  }
0x241: {  	v55 =	vadd.f32 $1.258291200e+07, v3;
	v3 =	vld [tilespmem:$0x1FD90];
	_ =	sdelay $0x2  }
0x242: {  	v50 =	vadd.f32 $-1.258291200e+07, v59;
	_ =	sdelay $0x1  }
0x243: {  	v60 =	vsub.f32 v60, v58;
	v56 =	vsel vm0, v3, v50;
	v3 =	vld [tilespmem:$0x1FDA0]  }
0x244: {  	v61 =	vsub.f32 v61, v58;
	v35 =	vsub.f32 v25, v58  }
0x245: {  	v25 =	vsub.f32 v46, v58;
	v42 =	vsub.f32 v42, v58  }
0x246: {  	v33 =	vsub.f32 v44, v58;
	v44 =	vsub.f32 v1, v58;
	v1 =	vsel vm2, v38, v57  }
0x247: {  	v38 =	vsub.f32 v0, v58;
	v58 =	vadd.f32 $1.258291200e+07, v48;
	[tilespmem:s24+$0x12200] =	vst v1  }
0x248: {  	v57 =	vadd.f32 $1.258291200e+07, v3;
	v3 =	vld [tilespmem:$0x1FDC0]  }
0x249: {  	v0 =	vadd.f32 $-1.258291200e+07, v58  }
0x24a: {  	v28 =	vadd.f32 $-1.258291200e+07, v28;
	v1 =	vld [tilespmem:$0x1FDB0]  }
0x24b: {  	v0 =	vsel vm2, v34, v0;
	v34 =	vperm.xlane v54, v52  }
0x24c: {  	v28 =	vsel vm2, v36, v28;
	vm1 =	veq.s32 v53, $0x3;
	v53 =	vadd.f32 $1.258291200e+07, v8;
	[tilespmem:s24+$0x12280] =	vst v27  }
0x24d: {  	v47 =	vmul.f32 v60, v34;
	v46 =	vmul.f32 v61, v34;
	v58 =	vadd.f32 $1.258291200e+07, v3;
	v3 =	vld [tilespmem:$0x1FDD0]  }
0x24e: {  	v40 =	vmul.f32 v63, v34;
	v30 =	vadd.f32 $-1.258291200e+07, v62;
	v62 =	vmul.f32 v26, v34  }
0x24f: {  	v35 =	vmul.f32 v35, v34;
	v39 =	vmul.f32 v25, v34;
	v1 =	vadd.f32 $1.258291200e+07, v1;
	[tilespmem:s20+$0x10000] =	vst v28  }
0x250: {  	v36 =	vmul.f32 v31, v34;
	v29 =	vadd.f32 $-1.258291200e+07, v29;
	v31 =	vadd.f32 $1.258291200e+07, v62;
	[tilespmem:s12+$0x10000] =	vst v37  }
0x251: {  	v33 =	vmul.f32 v33, v34;
	v27 =	vadd.f32 $-1.258291200e+07, v57;
	v26 =	vadd.f32 $-1.258291200e+07, v1;
	[tilespmem:s2+$0x10000] =	vst v0  }
0x252: {  	v28 =	vadd.f32 $-1.258291200e+07, v55;
	v37 =	vmul.f32 v32, v34;
	[tilespmem:s31+$0x12000] =	vst v56;
	v59 =	vsel vm0, v3, v29  }
0x253: {  	s7 =	simm.s32 $0x40;
	s12 =	simm.s32 $0x2;
	v32 =	vmul.f32 v2, v34;
	v25 =	vadd.f32 $-1.258291200e+07, v58;
	v29 =	vadd.f32 $-1.258291200e+07, v53;
	[tilespmem:s31+$0x12080] =	vst v59  }
.LBB2_5:
0x254: {  	v3 =	vmov v22  }
0x255: {  	[tilespmem:$0x1FC50] =	vst v3;
	v3 =	vld [tilespmem:$0x1FC80];
	_ =	sdelay $0x4  }
0x256: {  	v22 =	vsel vm0, v3, v27;
	v3 =	vmov v23  }
0x257: {  	[tilespmem:$0x1FC80] =	vst v3;
	v3 =	vld [tilespmem:$0x1FC90]  }
0x258: {  	s2 =	sand.u32 $0x60, s7;
	v2 =	vadd.f32 $1.258291200e+07, v47;
	s1 =	sadd.s32 $0x100, s1;
	v0 =	vmul.f32 v44, v34;
	v1 =	vmul.f32 v45, v34  }
0x259: {  	v55 =	vadd.f32 $1.258291200e+07, v46;
	v10 =	vld [tilespmem:$0x1FFD0];
	s3 =	sand.u32 $0x1C00, s1;
	s11 =	sor.u32 $0x10, s2;
	v42 =	vmul.f32 v42, v34;
	v43 =	vmul.f32 v43, v34  }
0x25a: {  	v11 =	vld [tilespmem:$0x1FFE0];
	v41 =	vmul.f32 v41, v34;
	v57 =	vadd.f32 $1.258291200e+07, v40;
	v58 =	vadd.f32 $1.258291200e+07, v35;
	s22 =	sor.u32 s3, s11  }
0x25b: {  	v5 =	vmovc v20;
	v56 =	vmul.f32 v38, v34;
	v48 =	vadd.f32 $1.258291200e+07, v39;
	v20 =	vadd.f32 $1.258291200e+07, v37;
	v34 =	vld [tilespmem:s22+$0x8000]  }
0x25c: {  	v49 =	vadd.f32 $1.258291200e+07, v36;
	v2 =	vadd.f32 $-1.258291200e+07, v2;
	v35 =	vld [tilespmem:s22+$0x8080];
	v26 =	vsel vm0, v3, v26;
	v3 =	vmovc v19  }
0x25d: {  	v0 =	vadd.f32 $1.258291200e+07, v0;
	v1 =	vadd.f32 $1.258291200e+07, v1;
	[tilespmem:$0x1FC90] =	vst v3;
	v3 =	vld [tilespmem:$0x1FCA0]  }
0x25e: {  	v36 =	vld [tilespmem:s22+$0x8100];
	v46 =	vadd.f32 $-1.258291200e+07, v57;
	v47 =	vadd.f32 $-1.258291200e+07, v58  }
0x25f: {  	s10 =	sor.u32 s7, s1;
	v37 =	vld [tilespmem:s22+$0x8180];
	v48 =	vadd.f32 $-1.258291200e+07, v48;
	v20 =	vadd.f32 $-1.258291200e+07, v20;
	v30 =	vsel vm0, v4, v30  }
0x260: {  	s18 =	sor.u32 s2, s3;
	s14 =	sor.u32 $0x380, s10;
	s3 =	sadd.s32 s3, s29;
	v38 =	vld [tilespmem:s22+$0x8200];
	v29 =	vsel vm0, v6, v29;
	v4 =	vmovc v21;
	v21 =	vadd.f32 $1.258291200e+07, v33;
	[tilespmem:s31+$0x12100] =	vst v30;
	v30 =	vadd.f32 $1.258291200e+07, v32  }
0x261: {  	s19 =	sor.u32 $0x2380, s10;
	s10 =	sadd.s32 s2, s3;
	s3 =	sadd.s32 s11, s3;
	v39 =	vld [tilespmem:s22+$0x8280];
	[tilespmem:s31+$0x12180] =	vst v29;
	v32 =	vadd.f32 $-1.258291200e+07, v49;
	v29 =	vadd.f32 $-1.258291200e+07, v1  }
0x262: {  	s13 =	sadd.s32 $0x1, s13;
	v23 =	vadd.f32 $1.258291200e+07, v42;
	v27 =	vadd.f32 $1.258291200e+07, v43;
	v25 =	vsel vm0, v3, v25;
	v3 =	vmovc v24;
	v24 =	vld [tilespmem:s3+$0x0]  }
0x263: {  	v40 =	vld [tilespmem:s22+$0xA000];
	s11 =	sand.u32 $0x3, s13;
	v28 =	vsel vm0, v7, v28;
	v33 =	vadd.f32 $-1.258291200e+07, v21;
	[tilespmem:s31+$0x12280] =	vst v22;
	v22 =	vadd.f32 $1.258291200e+07, v56  }
0x264: {  	v44 =	vld [tilespmem:s22+$0xA200];
	s2 =	sshll.u32 s11, $0x5;
	[tilespmem:s31+$0x12200] =	vst v28;
	v28 =	vadd.f32 $-1.258291200e+07, v23;
	v27 =	vadd.f32 $-1.258291200e+07, v27  }
0x265: {  	v45 =	vld [tilespmem:s22+$0xA280];
	s2 =	sadd.s32 s2, s1;
	v19 =	vadd.f32 $1.258291200e+07, v41;
	[tilespmem:s30+$0x10000] =	vst v26;
	v26 =	vadd.f32 $-1.258291200e+07, v31  }
0x266: {  	v42 =	vld [tilespmem:s22+$0xA100];
	s20 =	sadd.s32 $0x10, s2;
	v31 =	vadd.f32 $-1.258291200e+07, v30;
	v30 =	vadd.f32 $-1.258291200e+07, v0;
	vm0 =	vmmov vm1  }
0x267: {  	v43 =	vld [tilespmem:s22+$0xA180];
	s23 =	sor.u32 $0x300, s20;
	[tilespmem:s0+$0x10000] =	vst v25;
	v25 =	vadd.f32 $-1.258291200e+07, v55;
	v18 =	vsel vm0, v18, v26;
	v59 =	vshrl.u32 v24, $0x1B  }
0x268: {  	s31 =	smov.u32 s17;
	s24 =	sor.u32 $0x380, s20;
	v50 =	vld [tilespmem:s23+$0x8000];
	v2 =	vsel vm0, v17, v2;
	v26 =	vadd.f32 $-1.258291200e+07, v19;
	v60 =	vand.u32 $0x10, v59  }
0x269: {  	s17 =	smov.u32 s18;
	s18 =	sor.u32 $0x300, s2;
	v51 =	vld [tilespmem:s24+$0x8000];
	v61 =	vsel vm0, v13, v46;
	v13 =	vsel vm0, v14, v47;
	[tilespmem:s31+$0x10000] =	vst v18;
	v0 =	vadd.s32 v24, v60  }
0x26a: {  	v41 =	vld [tilespmem:s22+$0xA080];
	s30 =	smov.u32 s9;
	s9 =	sor.u32 $0x2300, s2;
	s2 =	sor.u32 $0x2300, s20;
	v14 =	vsel vm0, v15, v48;
	v15 =	vsel vm0, v9, v20;
	[tilespmem:s31+$0x10080] =	vst v2;
	v1 =	vperm.xlane v10, v0  }
0x26b: {  	s11 =	sor.u32 $0x2380, s20;
	v46 =	vld [tilespmem:s2+$0x8000];
	[tilespmem:s31+$0x10180] =	vst v61;
	v16 =	vsel vm0, v16, v25;
	v25 =	vadd.f32 $-1.258291200e+07, v22;
	vm2 =	veq.s32 v24, $0x3  }
0x26c: {  	v47 =	vld [tilespmem:s11+$0x8000];
	[tilespmem:s31+$0x10200] =	vst v13;
	v2 =	vperm.xlane v11, v0;
	v0 =	vperm.xlane v54, v0;
	v20 =	vmax.f32 v34, v1  }
0x26d: {  	[tilespmem:s31+$0x10100] =	vst v16;
	v13 =	vmax.f32 v35, v1;
	v21 =	vmax.f32 v36, v1;
	v22 =	vmax.f32 v37, v1  }
0x26e: {  	v49 =	vld [tilespmem:s10+$0x0];
	[tilespmem:s31+$0x10280] =	vst v14;
	v14 =	vmax.f32 v38, v1;
	v23 =	vmax.f32 v39, v1;
	v24 =	vmax.f32 v50, v1  }
0x26f: {  	v9 =	vld [tilespmem:s18+$0x8000];
	[tilespmem:s4+$0x10000] =	vst v15;
	v15 =	vmax.f32 v51, v1;
	v48 =	vmax.f32 v40, v1;
	v52 =	vmax.f32 v41, v1  }
0x270: {  	v53 =	vmax.f32 v42, v1;
	v54 =	vmax.f32 v43, v1;
	v55 =	vmax.f32 v44, v1  }
0x271: {  	v56 =	vmax.f32 v45, v1;
	v57 =	vmax.f32 v46, v1;
	v58 =	vmax.f32 v47, v1  }
0x272: {  	v20 =	vmin.f32 v20, v2;
	v59 =	vmin.f32 v13, v2;
	v21 =	vmin.f32 v21, v2  }
0x273: {  	v22 =	vmin.f32 v22, v2;
	v60 =	vmin.f32 v14, v2;
	v23 =	vmin.f32 v23, v2  }
0x274: {  	[tilespmem:$0x1FC70] =	vst v4;
	v24 =	vmin.f32 v24, v2;
	v61 =	vmin.f32 v15, v2;
	v62 =	vmin.f32 v48, v2  }
0x275: {  	[tilespmem:$0x1FCA0] =	vst v3;
	v63 =	vmin.f32 v52, v2;
	v3 =	vmin.f32 v53, v2;
	v4 =	vsub.f32 v20, v1  }
0x276: {  	[tilespmem:$0x1FC60] =	vst v5;
	v54 =	vmin.f32 v54, v2;
	v59 =	vsub.f32 v59, v1;
	v5 =	vsub.f32 v21, v1  }
0x277: {  	v55 =	vmin.f32 v55, v2;
	v6 =	vsub.f32 v22, v1;
	v60 =	vsub.f32 v60, v1  }
0x278: {  	v56 =	vmin.f32 v56, v2;
	v7 =	vsub.f32 v23, v1;
	v8 =	vsub.f32 v24, v1  }
0x279: {  	v57 =	vmin.f32 v57, v2;
	v61 =	vsub.f32 v61, v1;
	v62 =	vsub.f32 v62, v1  }
0x27a: {  	v2 =	vmin.f32 v58, v2;
	v58 =	vsub.f32 v63, v1;
	v3 =	vsub.f32 v3, v1  }
0x27b: {  	v54 =	vsub.f32 v54, v1;
	v4 =	vmul.f32 v4, v0;
	v59 =	vmul.f32 v59, v0  }
0x27c: {  	v55 =	vsub.f32 v55, v1;
	v5 =	vmul.f32 v5, v0;
	v6 =	vmul.f32 v6, v0  }
0x27d: {  	v56 =	vsub.f32 v56, v1;
	v60 =	vmul.f32 v60, v0;
	v7 =	vmul.f32 v7, v0  }
0x27e: {  	v57 =	vsub.f32 v57, v1;
	v8 =	vmul.f32 v8, v0;
	v61 =	vmul.f32 v61, v0  }
0x27f: {  	v1 =	vsub.f32 v2, v1;
	v2 =	vmul.f32 v62, v0;
	v58 =	vmul.f32 v58, v0  }
0x280: {  	v3 =	vmul.f32 v3, v0;
	v54 =	vmul.f32 v54, v0;
	v4 =	vadd.f32 $1.258291200e+07, v4  }
0x281: {  	v55 =	vmul.f32 v55, v0;
	v59 =	vadd.f32 $1.258291200e+07, v59;
	v5 =	vadd.f32 $1.258291200e+07, v5  }
0x282: {  	v56 =	vmul.f32 v56, v0;
	v62 =	vadd.f32 $1.258291200e+07, v6;
	v63 =	vadd.f32 $1.258291200e+07, v60  }
0x283: {  	v57 =	vmul.f32 v57, v0;
	v7 =	vadd.f32 $1.258291200e+07, v7;
	v4 =	vadd.f32 $-1.258291200e+07, v4  }
0x284: {  	v0 =	vmul.f32 v1, v0;
	v2 =	vadd.f32 $1.258291200e+07, v2;
	v6 =	vadd.f32 $-1.258291200e+07, v59  }
0x285: {  	v19 =	vld [tilespmem:s9+$0x8000];
	v3 =	vadd.f32 $1.258291200e+07, v3;
	v5 =	vadd.f32 $-1.258291200e+07, v5;
	v4 =	vsel vm2, v34, v4  }
0x286: {  	v18 =	vld [tilespmem:s17+$0x8000];
	v0 =	vadd.f32 $1.258291200e+07, v0;
	v1 =	vadd.f32 $-1.258291200e+07, v62;
	v6 =	vsel vm2, v35, v6;
	[tilespmem:s22+$0x10000] =	vst v4  }
0x287: {  	v17 =	vld [tilespmem:s17+$0x8080];
	v7 =	vadd.f32 $-1.258291200e+07, v7;
	v5 =	vsel vm2, v36, v5;
	v4 =	vadd.f32 $1.258291200e+07, v8;
	[tilespmem:s22+$0x10080] =	vst v6  }
0x288: {  	v16 =	vld [tilespmem:s17+$0x8100];
	v1 =	vsel vm2, v37, v1;
	v8 =	vadd.f32 $-1.258291200e+07, v63;
	v6 =	vadd.f32 $1.258291200e+07, v61;
	[tilespmem:s22+$0x10100] =	vst v5  }
0x289: {  	v13 =	vld [tilespmem:s17+$0x8180];
	v2 =	vadd.f32 $-1.258291200e+07, v2;
	v7 =	vsel vm2, v39, v7;
	[tilespmem:s22+$0x10180] =	vst v1;
	v4 =	vadd.f32 $-1.258291200e+07, v4  }
0x28a: {  	v14 =	vld [tilespmem:s17+$0x8200];
	[tilespmem:s22+$0x10280] =	vst v7;
	v5 =	vsel vm2, v38, v8;
	v38 =	vadd.f32 $1.258291200e+07, v58;
	v6 =	vadd.f32 $-1.258291200e+07, v6  }
0x28b: {  	v15 =	vld [tilespmem:s17+$0x8280];
	v3 =	vadd.f32 $-1.258291200e+07, v3;
	v0 =	vadd.f32 $-1.258291200e+07, v0;
	[tilespmem:s22+$0x10200] =	vst v5;
	v4 =	vsel vm2, v50, v4  }
0x28c: {  	v52 =	vld [tilespmem:s14+$0x8000];
	v5 =	vadd.f32 $1.258291200e+07, v54;
	v1 =	vadd.f32 $-1.258291200e+07, v38;
	v6 =	vsel vm2, v51, v6;
	[tilespmem:s23+$0x10000] =	vst v4  }
0x28d: {  	v53 =	vld [tilespmem:s17+$0xA000];
	v2 =	vsel vm2, v40, v2;
	v0 =	vsel vm2, v47, v0;
	v4 =	vadd.f32 $1.258291200e+07, v55;
	[tilespmem:s24+$0x10000] =	vst v6  }
0x28e: {  	v47 =	vld [tilespmem:$0x1FD20];
	v5 =	vadd.f32 $-1.258291200e+07, v5;
	v6 =	vadd.f32 $1.258291200e+07, v56;
	v1 =	vsel vm2, v41, v1;
	[tilespmem:s22+$0x12000] =	vst v2  }
0x28f: {  	v3 =	vsel vm2, v42, v3;
	v54 =	vld [tilespmem:$0x1FFF0];
	v41 =	vadd.f32 $1.258291200e+07, v57;
	v4 =	vadd.f32 $-1.258291200e+07, v4;
	[tilespmem:s22+$0x12080] =	vst v1  }
0x290: {  	v48 =	vld [tilespmem:s17+$0xA080];
	v5 =	vsel vm2, v43, v5;
	[tilespmem:s22+$0x12100] =	vst v3;
	v3 =	vshrl.u32 v49, $0x1B;
	v42 =	vadd.f32 $-1.258291200e+07, v6  }
0x291: {  	v20 =	vld [tilespmem:s17+$0xA100];
	v2 =	vadd.f32 $-1.258291200e+07, v41;
	[tilespmem:s22+$0x12180] =	vst v5;
	v3 =	vand.u32 $0x10, v3;
	v4 =	vsel vm2, v44, v4  }
0x292: {  	v31 =	vsel vm0, v12, v31;
	v21 =	vld [tilespmem:s17+$0xA180];
	v3 =	vadd.s32 v49, v3;
	v1 =	vsel vm2, v45, v42;
	[tilespmem:s22+$0x12200] =	vst v4  }
0x293: {  	vm1 =	veq.s32 v49, $0x3;
	v22 =	vld [tilespmem:s17+$0xA200];
	v2 =	vsel vm2, v46, v2;
	[tilespmem:s22+$0x12280] =	vst v1;
	v1 =	vperm.xlane v10, v3  }
0x294: {  	s0 =	smov.u32 s8;
	s8 =	smov.u32 s19;
	v23 =	vld [tilespmem:s17+$0xA280];
	v4 =	vperm.xlane v11, v3;
	v34 =	vperm.xlane v54, v3;
	[tilespmem:s2+$0x10000] =	vst v2;
	v2 =	vsel vm0, v47, v33  }
0x295: {  	v24 =	vld [tilespmem:s8+$0x8000];
	v3 =	vmax.f32 v18, v1;
	v5 =	vmax.f32 v17, v1;
	v6 =	vmax.f32 v16, v1  }
0x296: {  	v49 =	vmax.f32 v13, v1;
	v7 =	vmax.f32 v14, v1;
	v8 =	vmax.f32 v15, v1  }
0x297: {  	v50 =	vmax.f32 v9, v1;
	v51 =	vmax.f32 v52, v1;
	v55 =	vmax.f32 v53, v1  }
0x298: {  	v56 =	vmax.f32 v48, v1;
	v57 =	vmax.f32 v20, v1;
	v58 =	vmax.f32 v21, v1  }
0x299: {  	v59 =	vmax.f32 v22, v1;
	v60 =	vmax.f32 v23, v1;
	v61 =	vmax.f32 v19, v1  }
0x29a: {  	v62 =	vmax.f32 v24, v1;
	v3 =	vmin.f32 v3, v4;
	v5 =	vmin.f32 v5, v4  }
0x29b: {  	v46 =	vld [tilespmem:$0x1FD10];
	v6 =	vmin.f32 v6, v4;
	v7 =	vmin.f32 v7, v4;
	v8 =	vmin.f32 v8, v4  }
0x29c: {  	v33 =	vmin.f32 v55, v4;
	v35 =	vmin.f32 v56, v4;
	v36 =	vmin.f32 v57, v4  }
0x29d: {  	v37 =	vmin.f32 v58, v4;
	v38 =	vmin.f32 v59, v4;
	v3 =	vsub.f32 v3, v1  }
0x29e: {  	v39 =	vmin.f32 v60, v4;
	v5 =	vsub.f32 v5, v1;
	v6 =	vsub.f32 v6, v1  }
0x29f: {  	v63 =	vmin.f32 v61, v4;
	v7 =	vsub.f32 v7, v1;
	v8 =	vsub.f32 v8, v1  }
0x2a0: {  	[tilespmem:s11+$0x10000] =	vst v0;
	v0 =	vsel vm0, v46, v32;
	v44 =	vsub.f32 v36, v1;
	v45 =	vsub.f32 v37, v1  }
0x2a1: {  	v32 =	vmin.f32 v51, v4;
	v42 =	vsub.f32 v38, v1;
	v43 =	vsub.f32 v39, v1;
	[tilespmem:s5+$0x10000] =	vst v0  }
0x2a2: {  	s12 =	sadd.s32 $0x2, s12;
	v41 =	vsub.f32 v63, v1;
	v0 =	vmin.f32 v49, v4;
	[tilespmem:s31+$0x12000] =	vst v2;
	v2 =	vmin.f32 v50, v4  }
0x2a3: {  	p1 =	slt.u32 s12, $0x3E;
	v4 =	vmin.f32 v62, v4;
	v0 =	vsub.f32 v0, v1;
	v3 =	vmul.f32 v3, v34  }
.Ltmp3:
0x2a4: {  	[tilespmem:s31+$0x12080] =	vst v31;
	v47 =	vmul.f32 v5, v34;
	v5 =	vsub.f32 v32, v1;
	v31 =	vsub.f32 v33, v1;
	(pc) =	sbr.rel @p1 .LBB2_5-.Ltmp3, $4  }
0x2a5: {  	v11 =	vmovc v52;
	v46 =	vmul.f32 v6, v34;
	v6 =	vsub.f32 v35, v1;
	v35 =	vmul.f32 v7, v34  }
0x2a6: {  	[tilespmem:$0x1FD10] =	vst v11;
	v7 =	vld [tilespmem:$0x1FC50];
	v39 =	vmul.f32 v8, v34;
	v2 =	vsub.f32 v2, v1;
	v40 =	vmul.f32 v0, v34  }
0x2a7: {  	v10 =	vmovc v53;
	v38 =	vsub.f32 v4, v1;
	v4 =	vld [tilespmem:$0x1FC60];
	v36 =	vmul.f32 v5, v34;
	v33 =	vmul.f32 v31, v34  }
0x2a8: {  	s7 =	sadd.s32 $0x20, s7;
	s4 =	smov.u32 s18;
	v12 =	vmovc v48;
	[tilespmem:$0x1FD20] =	vst v10;
	s5 =	smov.u32 s14;
	v32 =	vmul.f32 v6, v34;
	v6 =	vld [tilespmem:$0x1FC70];
	v31 =	vadd.f32 $1.258291200e+07, v3;
	v37 =	vmul.f32 v2, v34  }
0x2a9: {  	_ =	sdelay $0x2  }
0x2aa: {  	v2 =	vsel vm0, v4, v30  }
0x2ab: {  	v5 =	vsel vm0, v6, v29;
	[tilespmem:s31+$0x12100] =	vst v2  }
0x2ac: {  	v7 =	vsel vm0, v7, v28;
	[tilespmem:s31+$0x12180] =	vst v5  }
0x2ad: {  	v10 =	vld [tilespmem:$0x1FC80];
	[tilespmem:s31+$0x12200] =	vst v7  }
0x2ae: {  	v1 =	vmul.f32 v45, v34;
	v45 =	vld [tilespmem:$0x1FC90];
	_ =	sdelay $0x1  }
0x2af: {  	v0 =	vmul.f32 v44, v34  }
0x2b0: {  	v3 =	vadd.f32 $1.258291200e+07, v47;
	v63 =	vmul.f32 v42, v34;
	v42 =	vadd.f32 $1.258291200e+07, v46  }
0x2b1: {  	v44 =	vadd.f32 $1.258291200e+07, v40;
	v46 =	vadd.f32 $-1.258291200e+07, v31;
	v27 =	vsel vm0, v10, v27  }
0x2b2: {  	vm15 =	vmmov vm1;
	v3 =	vadd.f32 $-1.258291200e+07, v3;
	v26 =	vsel vm0, v45, v26;
	[tilespmem:s31+$0x12280] =	vst v27  }
0x2b3: {  	v48 =	vadd.f32 $1.258291200e+07, v35;
	v18 =	vsel vm15, v18, v46;
	v6 =	vadd.f32 $-1.258291200e+07, v42;
	v47 =	vld [tilespmem:$0x1FCA0];
	[tilespmem:s30+$0x10000] =	vst v26  }
0x2b4: {  	v49 =	vadd.f32 $1.258291200e+07, v39;
	v3 =	vsel vm15, v17, v3;
	v7 =	vadd.f32 $-1.258291200e+07, v44;
	[tilespmem:s17+$0x10000] =	vst v18  }
0x2b5: {  	v50 =	vadd.f32 $1.258291200e+07, v37;
	v51 =	vadd.f32 $-1.258291200e+07, v48;
	v6 =	vsel vm15, v16, v6;
	[tilespmem:s17+$0x10080] =	vst v3  }
0x2b6: {  	v53 =	vadd.f32 $-1.258291200e+07, v49;
	v55 =	vsel vm15, v13, v7;
	[tilespmem:s17+$0x10100] =	vst v6  }
0x2b7: {  	v57 =	vadd.f32 $-1.258291200e+07, v50;
	v14 =	vsel vm15, v14, v51;
	[tilespmem:s17+$0x10180] =	vst v55  }
0x2b8: {  	v15 =	vsel vm15, v15, v53;
	[tilespmem:s17+$0x10200] =	vst v14  }
0x2b9: {  	v9 =	vsel vm15, v9, v57;
	[tilespmem:s17+$0x10280] =	vst v15  }
0x2ba: {  	[tilespmem:s4+$0x10000] =	vst v9;
	v25 =	vsel vm0, v47, v25  }
0x2bb: {  	[tilespmem:s0+$0x10000] =	vst v25  }
0x2bc: {  	v9 =	vld [tilespmem:$0x1FD10]  }
0x2bd: {  	v52 =	vadd.f32 $1.258291200e+07, v36;
	v59 =	vld [tilespmem:$0x1FD20]  }
0x2be: {  	v56 =	vadd.f32 $1.258291200e+07, v33;
	v58 =	vadd.f32 $1.258291200e+07, v32  }
0x2bf: {  	v8 =	vmul.f32 v38, v34;
	v0 =	vadd.f32 $1.258291200e+07, v0;
	v3 =	vadd.f32 $-1.258291200e+07, v52  }
0x2c0: {  	v1 =	vadd.f32 $1.258291200e+07, v1;
	v30 =	vmul.f32 v43, v34;
	v7 =	vadd.f32 $-1.258291200e+07, v56  }
0x2c1: {  	v43 =	vmul.f32 v41, v34;
	v6 =	vadd.f32 $-1.258291200e+07, v58;
	v3 =	vsel vm15, v9, v3  }
0x2c2: {  	v4 =	vadd.f32 $1.258291200e+07, v63;
	v0 =	vadd.f32 $-1.258291200e+07, v0;
	v7 =	vsel vm15, v59, v7;
	[tilespmem:s5+$0x10000] =	vst v3  }
0x2c3: {  	v1 =	vadd.f32 $-1.258291200e+07, v1;
	v2 =	vadd.f32 $1.258291200e+07, v30;
	v60 =	vsel vm15, v12, v6;
	[tilespmem:s17+$0x12000] =	vst v7  }
0x2c4: {  	v5 =	vadd.f32 $1.258291200e+07, v43;
	v4 =	vadd.f32 $-1.258291200e+07, v4;
	v0 =	vsel vm15, v20, v0;
	[tilespmem:s17+$0x12080] =	vst v60  }
0x2c5: {  	v61 =	vadd.f32 $1.258291200e+07, v8;
	v1 =	vsel vm15, v21, v1;
	v2 =	vadd.f32 $-1.258291200e+07, v2;
	[tilespmem:s17+$0x12100] =	vst v0  }
0x2c6: {  	v62 =	vadd.f32 $-1.258291200e+07, v5;
	v4 =	vsel vm15, v22, v4;
	[tilespmem:s17+$0x12180] =	vst v1  }
.Ltmp4:
0x2c7: {  	v63 =	vadd.f32 $-1.258291200e+07, v61;
	v2 =	vsel vm15, v23, v2;
	s31 =	sshll.u32 s26, $0x11;
	[tilespmem:s17+$0x12200] =	vst v4;
	(pc) =	sbr.rel @p0 .LBB2_8-.Ltmp4, $4  }
0x2c8: {  	s0 =	sadd.s32 s6, s31;
	v0 =	vsel vm15, v19, v62;
	[tilespmem:s17+$0x12280] =	vst v2  }
0x2c9: {  	s0 =	sshrl.u32 s0, $0x3;
	v1 =	vsel vm15, v24, v63;
	[tilespmem:s9+$0x10000] =	vst v0  }
0x2ca: {  	s19 =	smov.u32 s21;
	s0 =	sadd.s32 s21, s0;
	[tilespmem:s8+$0x10000] =	vst v1  }
0x2cb: {  	[hbm4b:s0+s15] =	stream.strided.scatter [tilespmem:s16], [sflag:$0x4], $0x4000, s16, s15, $0x38;
	[tilespmem:$0x14200] =	vst v63  }
.Ltmp5:
0x2cc: {  	s0 =	rddreg [dreg:$0xa];
	(pc) =	sbr.rel .LBB2_2-.Ltmp5, $4  }
0x2cd: {  	s0 =	sadd.s32 s28, s0  }
0x2ce: {  	s1 =	rddreg [dreg:$0x0];
	s0 =	sshrl.u32 s0, $0x3  }
0x2cf: {  	s31 =	simm.s32 $0x8000;
	s25 =	sadd.s32 $0x1, s25;
	v0 =	vld [tilespmem:$0x1FFD0];
	s0 =	sadd.s32 s1, s0  }
0x2d0: {  	v1 =	vld [tilespmem:$0x1FFE0];
	[tilespmem:s31], [sflag:$0x2] =	stream.strided.gather [hbm4b:s0+s15], $0x4000, s16, s15, $0x38  }
.LBB2_9:
0x2d1: {  	_ =	sfence.sel $0x180000  }
0x2d2: {  	[bflag:$0x0] =	sbarrier.arrive $0xFFFF  }
0x2d3: {  	_ =	strace $0x90000047  }
0x2d4: {  	s0 =	stileid.u32;
	[bflag:$0x2] =	sbarrier.arrive $0xFFFF  }
0x2d5: {  	p0 =	sne.s32 s0, $0x0;
	s0 =	rddreg [dreg:$0x4]  }
0x2d6: {  	s0 =	sadd.s32 @!p0 $0x100000, s0  }
0x2d7: {  	[sflag:s0] =	ssyncadd.tile.s32 @!p0 $0x1;
	_ =	shalt  }
.Lfunc_end2:
_tile_overlayer_lowered:
.L_overlay_start_2:
0x2d8: {  	(tag) =	ssettag $0x2  }
0x2d9: {  	s0 =	rddreg [dreg:$0x0];
	s2 =	stileid.u32  }
0x2da: {  	s1 =	rddreg [dreg:$0x1];
	p0 =	sne.s32 s2, $0x0  }
0x2db: {  	s3 =	rddreg [dreg:$0x2];
	[bflag:$0x3] =	sbarrier.arrive $0xFFFF;
	s2 =	simm.s32 @!p0 $0x1C05  }
0x2dc: {  	[timem:s3], [sflag:s2] =	dma.local @!p0 [hbm:s0], s1  }
0x2dd: {  	s0 =	simm.s32 @!p0 $0x5  }
0x2de: {  	_ =	swait.ge @!p0 [sflag:s0], s1  }
0x2df: {  	s1 =	ssub.s32 @!p0 $0x0, s1;
	[sflag:s0] =	ssyncset.done @!p0 $0x0  }
0x2e0: {  	[sflag:s0] =	ssyncadd.s32 @!p0 s1  }
0x2e1: {  	[bflag:$0x3] =	sbarrier.arrive $0xFFFF  }
0x2e2: {  	_ =	shalt  }

</sc_bundles>
